<compile_context>
chip_gen: v7x
topology: tpu7x:2x2x1
jax: 0.10.2.dev20260603
libtpu: 0.0.44.dev20260713+nightly
codegen_flags: <defaults>
</compile_context>

<pallas_src>
import functools

import jax
import jax.numpy as jnp
from jax import lax
from jax.experimental import pallas as pl
from jax.experimental.pallas import tpu as pltpu
from jax.experimental.pallas import tpu_sc as plsc

_B = 4
_N = 65536
_C = 101
_O = 21
_J = 17
_NWORKERS = 32
_SEGS = _NWORKERS // _B
_PIX_PER_W = _N // _SEGS
_CH = 64
_NCHUNK = _PIX_PER_W // _CH
_GRP = _CH // 16
_DEPTH = 4


def _sc_body(pred_hbm, mask_hbm, pidx_hbm, tidx_hbm, out_hbm,
             pidx_v, tidx_v, pbufs, mbufs, part_v, psems, msems):
    wid = lax.axis_index("s") * 2 + lax.axis_index("c")
    b = wid // _SEGS
    seg = wid % _SEGS
    base_pix = seg * _PIX_PER_W

    pltpu.sync_copy(pidx_hbm.at[b], pidx_v)
    pltpu.sync_copy(tidx_hbm.at[b], tidx_v)
    pvecs = [pidx_v[j, :] for j in range(_J)]
    tvecs = [tidx_v[j, :] for j in range(_J)]

    def issue(c, k):
        start = base_pix + c * _CH
        pltpu.async_copy(pred_hbm.at[b, pl.ds(start, _CH)], pbufs[k], psems[k])
        pltpu.async_copy(mask_hbm.at[b, pl.ds(start, _CH)], mbufs[k], msems[k])

    def wait(k):
        pltpu.make_async_copy(pred_hbm.at[b, pl.ds(0, _CH)], pbufs[k],
                              psems[k]).wait()
        pltpu.make_async_copy(mask_hbm.at[b, pl.ds(0, _CH)], mbufs[k],
                              msems[k]).wait()

    for k in range(_DEPTH):
        issue(k, k)

    lane = lax.iota(jnp.int32, 16)

    def process(k, carry):
        def grp(g, carry):
            num_acc, tacc = carry
            pix = g * 16 + lane
            s = jnp.zeros((16,), jnp.float32)
            nm = jnp.zeros((16,), jnp.float32)
            tsum = jnp.zeros((16,), jnp.float32)
            for j in range(_J):
                x = plsc.load_gather(pbufs[k], [pix, pvecs[j]])
                e = jnp.exp(x)
                t = plsc.load_gather(mbufs[k], [pix, tvecs[j]])
                s = s + e
                nm = nm + e * t
                tsum = tsum + t
            return (num_acc + nm / s, tacc + tsum)

        return lax.fori_loop(0, _GRP, grp, carry)

    def outer(i, carry):
        for k in range(_DEPTH):
            wait(k)
            carry = process(k, carry)

            @pl.when(i < _NCHUNK // _DEPTH - 1)
            def _():
                issue(_DEPTH * i + k + _DEPTH, k)

        return carry

    zero = jnp.zeros((16,), jnp.float32)
    num_acc, tacc = lax.fori_loop(0, _NCHUNK // _DEPTH, outer, (zero, zero))

    part_v[0, :] = num_acc
    part_v[1, :] = tacc
    pltpu.sync_copy(part_v, out_hbm.at[wid])


@functools.partial(
    pl.kernel,
    out_type=jax.ShapeDtypeStruct((_NWORKERS, 2, 16), jnp.float32),
    mesh=plsc.VectorSubcoreMesh(core_axis_name="c", subcore_axis_name="s",
                                num_cores=2, num_subcores=16),
    compiler_params=pltpu.CompilerParams(needs_layout_passes=False,
                                         use_tc_tiling_on_sc=True),
    scratch_types=[
        pltpu.VMEM((_J, 16), jnp.int32),
        pltpu.VMEM((_J, 16), jnp.int32),
        [pltpu.VMEM((_CH, _C), jnp.float32) for _ in range(_DEPTH)],
        [pltpu.VMEM((_CH, _O), jnp.float32) for _ in range(_DEPTH)],
        pltpu.VMEM((2, 16), jnp.float32),
        [pltpu.SemaphoreType.DMA for _ in range(_DEPTH)],
        [pltpu.SemaphoreType.DMA for _ in range(_DEPTH)],
    ],
)
def _sc_dice(pred_hbm, mask_hbm, pidx_hbm, tidx_hbm, out_hbm, *scratch):
    _sc_body(pred_hbm, mask_hbm, pidx_hbm, tidx_hbm, out_hbm, *scratch)


def _combine_body(p_ref, o_ref):
    x = p_ref[...]
    acc = jnp.float32(0.0)
    for b in range(_B):
        nb = jnp.sum(x[_SEGS * b:_SEGS * (b + 1), 0, :])
        tb = jnp.sum(x[_SEGS * b:_SEGS * (b + 1), 1, :])
        acc = acc + (1.0 - (2.0 * nb + 1.0) / (jnp.float32(_N) + tb + 1.0))
    o_ref[0, 0] = acc / jnp.float32(_B)


def _combine(partials):
    return pl.pallas_call(
        _combine_body,
        out_shape=jax.ShapeDtypeStruct((1, 1), jnp.float32),
        out_specs=pl.BlockSpec(memory_space=pltpu.MemorySpace.SMEM),
    )(partials)


def kernel(pred_segmentation_logits, segmentation_mask, matched_pred_idx,
           matched_tgt_idx):
    B, N, C = pred_segmentation_logits.shape
    O = segmentation_mask.shape[-1]
    qi = jnp.concatenate(
        [matched_pred_idx.astype(jnp.int32),
         jnp.full((B, 1), C - 1, jnp.int32)], axis=1)
    ti = jnp.concatenate(
        [matched_tgt_idx.astype(jnp.int32),
         jnp.full((B, 1), O - 1, jnp.int32)], axis=1)
    rot = (jnp.arange(_J)[:, None] + jnp.arange(16)[None, :]) % _J
    pidx = qi[:, rot].astype(jnp.int32)
    tidx = ti[:, rot].astype(jnp.int32)
    partials = _sc_dice(pred_segmentation_logits, segmentation_mask,
                        pidx, tidx)
    return _combine(partials)[0, 0]

# --- scband reference (transcript-rebuilt; emitter-appended) ---
"""Pipeline reference for scband-mask-diceloss-26980984553704 (READ-ONLY COPY).

The authoritative reference and input builder live on the scoring server;
editing this copy changes nothing except your own understanding.
"""

import jax, jax.numpy as jnp
import numpy as np


def setup_inputs(seed: int = 0) -> dict:
    key = jax.random.key(seed)
    k1, k2, k3, k4 = jax.random.split(key, 4)
    B, N, Q, O, M = 4, 65536, 100, 20, 16
    pred_segmentation_logits = jax.random.normal(k1, (B, N, Q + 1), dtype=jnp.float32)
    segmentation_mask = jax.random.uniform(k2, (B, N, O + 1), dtype=jnp.float32)
    matched_pred_idx = jax.random.randint(k3, (B, M), 0, Q).astype(jnp.int64)
    matched_tgt_idx = jax.random.randint(k4, (B, M), 0, O).astype(jnp.int64)
    return {
        "pred_segmentation_logits": pred_segmentation_logits,
        "segmentation_mask": segmentation_mask,
        "matched_pred_idx": matched_pred_idx,
        "matched_tgt_idx": matched_tgt_idx,
    }


def reference(pred_segmentation_logits, segmentation_mask, matched_pred_idx, matched_tgt_idx):
    # MaskDICELoss (main path): per image, gather matched query channels plus the
    # background channel from the predicted segmentation logits, softmax over the
    # object axis, gather matched GT object channels plus background from the GT
    # segmentation map, then compute the DICE loss per image and average.
    weight = 1.0
    B, N, Qp1 = pred_segmentation_logits.shape
    Op1 = segmentation_mask.shape[-1]
    bg_q = Qp1 - 1
    bg_o = Op1 - 1
    # append background index per image (seg_queries_b = cat([inds[0], bg_index_b]))
    qi = jnp.concatenate(
        [matched_pred_idx, jnp.full((B, 1), bg_q, matched_pred_idx.dtype)], axis=1
    )  # [B, M+1]
    ti = jnp.concatenate(
        [matched_tgt_idx, jnp.full((B, 1), bg_o, matched_tgt_idx.dtype)], axis=1
    )  # [B, M+1]
    # sparse_index_select over last dim -> take_along_axis gather
    pred_sel = jnp.take_along_axis(pred_segmentation_logits, qi[:, None, :], axis=2)  # [B, N, M+1]
    true_sel = jnp.take_along_axis(segmentation_mask, ti[:, None, :], axis=2)  # [B, N, M+1]
    # torch.sparse.softmax over the object axis
    predicted_segmentation = jax.nn.softmax(pred_sel, axis=-1)
    # DICE: num = 2*p*t, den = p + t, summed per image
    num = 2.0 * predicted_segmentation * true_sel
    den = predicted_segmentation + true_sel
    num_sum = num.reshape(B, -1).sum(axis=1)
    den_sum = den.reshape(B, -1).sum(axis=1)
    losses = 1.0 - (num_sum + 1.0) / (den_sum + 1.0)
    loss = losses.mean()
    return weight * loss

if __name__ == "__main__":
    import jax
    _d = setup_inputs()
    print(jax.jit(kernel)(*tuple(_d.values())))

</pallas_src>

<mosaic_0001>
#map = affine_map<(d0, d1) -> (0, 0, 0)>
module attributes {stable_mosaic.version = 14 : i64} {
  func.func @_sc_dice(%arg0: i32, %arg1: i32, %arg2: memref<4x65536x101xf32, #tpu.memory_space<hbm>>, %arg3: memref<4x65536x21xf32, #tpu.memory_space<hbm>>, %arg4: memref<4x17x16xi32, #tpu.memory_space<hbm>>, %arg5: memref<4x17x16xi32, #tpu.memory_space<hbm>>, %arg6: memref<32x2x16xf32, #tpu.memory_space<hbm>>, %arg7: memref<17x16xi32, #tpu.memory_space<vmem>>, %arg8: memref<17x16xi32, #tpu.memory_space<vmem>>, %arg9: memref<64x101xf32, #tpu.memory_space<vmem>>, %arg10: memref<64x101xf32, #tpu.memory_space<vmem>>, %arg11: memref<64x101xf32, #tpu.memory_space<vmem>>, %arg12: memref<64x101xf32, #tpu.memory_space<vmem>>, %arg13: memref<64x21xf32, #tpu.memory_space<vmem>>, %arg14: memref<64x21xf32, #tpu.memory_space<vmem>>, %arg15: memref<64x21xf32, #tpu.memory_space<vmem>>, %arg16: memref<64x21xf32, #tpu.memory_space<vmem>>, %arg17: memref<2x16xf32, #tpu.memory_space<vmem>>, %arg18: memref<!tpu.dma_semaphore, #tpu.memory_space<semaphore_mem>>, %arg19: memref<!tpu.dma_semaphore, #tpu.memory_space<semaphore_mem>>, %arg20: memref<!tpu.dma_semaphore, #tpu.memory_space<semaphore_mem>>, %arg21: memref<!tpu.dma_semaphore, #tpu.memory_space<semaphore_mem>>, %arg22: memref<!tpu.dma_semaphore, #tpu.memory_space<semaphore_mem>>, %arg23: memref<!tpu.dma_semaphore, #tpu.memory_space<semaphore_mem>>, %arg24: memref<!tpu.dma_semaphore, #tpu.memory_space<semaphore_mem>>, %arg25: memref<!tpu.dma_semaphore, #tpu.memory_space<semaphore_mem>>) attributes {dimension_semantics = [#tpu.dimension_semantics<core_parallel>, #tpu.dimension_semantics<subcore_parallel>], iteration_bounds = array<i64: 2, 16>, scalar_prefetch = 0 : i64, scratch_operands = 19 : i64, tpu.core_type = #tpu.core_type<sc_vector_subcore>, window_params = [{transform_indices = #map}, {transform_indices = #map}, {transform_indices = #map}, {transform_indices = #map}, {transform_indices = #map}]} {
    %mul3A = arith.constant 2 : i32
    %mul3A_0 = arith.muli %arg1, %mul3A : i32
    %add3A = arith.addi %mul3A_0, %arg0 : i32
    %jit3A = arith.constant 8 : i32
    %div3A = arith.divsi %add3A, %jit3A : i32
    %sign3A = arith.constant 0 : i32
    %sign3A_1 = arith.cmpi sgt, %add3A, %sign3A : i32
    %sign3A_2 = arith.extui %sign3A_1 : i1 to i32
    %sign3A_3 = arith.constant 0 : i32
    %sign3A_4 = arith.cmpi slt, %add3A, %sign3A_3 : i32
    %sign3A_5 = arith.extui %sign3A_4 : i1 to i32
    %sign3A_6 = arith.subi %sign3A_2, %sign3A_5 : i32
    %sign3A_7 = arith.constant 0 : i32
    %sign3A_8 = arith.cmpi sgt, %jit3A, %sign3A_7 : i32
    %sign3A_9 = arith.extui %sign3A_8 : i1 to i32
    %sign3A_10 = arith.constant 0 : i32
    %sign3A_11 = arith.cmpi slt, %jit3A, %sign3A_10 : i32
    %sign3A_12 = arith.extui %sign3A_11 : i1 to i32
    %sign3A_13 = arith.subi %sign3A_9, %sign3A_12 : i32
    %ne3A = arith.cmpi ne, %sign3A_6, %sign3A_13 : i32
    %rem3A = arith.remsi %add3A, %jit3A : i32
    %ne3A_14 = arith.constant 0 : i32
    %ne3A_15 = arith.cmpi ne, %rem3A, %ne3A_14 : i32
    %and3A = arith.andi %ne3A, %ne3A_15 : i1
    %sub3A = arith.constant 1 : i32
    %sub3A_16 = arith.subi %div3A, %sub3A : i32
    %select_n3A = arith.select %and3A, %sub3A_16, %div3A : i32
    %jit3A_17 = arith.constant 8 : i32
    %eq3A = arith.constant 0 : i32
    %eq3A_18 = arith.cmpi eq, %jit3A_17, %eq3A : i32
    %jit3A_19 = arith.constant 1 : i32
    %select_n3A_20 = arith.select %eq3A_18, %jit3A_19, %jit3A_17 : i32
    %rem3A_21 = arith.remsi %add3A, %select_n3A_20 : i32
    %ne3A_22 = arith.constant 0 : i32
    %ne3A_23 = arith.cmpi ne, %rem3A_21, %ne3A_22 : i32
    %lt3A = arith.constant 0 : i32
    %lt3A_24 = arith.cmpi slt, %rem3A_21, %lt3A : i32
    %lt3A_25 = arith.constant 0 : i32
    %lt3A_26 = arith.cmpi slt, %select_n3A_20, %lt3A_25 : i32
    %ne3A_27 = arith.xori %lt3A_24, %lt3A_26 : i1
    %and3A_28 = arith.andi %ne3A_27, %ne3A_23 : i1
    %add3A_29 = arith.addi %rem3A_21, %select_n3A_20 : i32
    %select_n3A_30 = arith.select %and3A_28, %add3A_29, %rem3A_21 : i32
    %mul3A_31 = arith.constant 8192 : i32
    %mul3A_32 = arith.muli %select_n3A_30, %mul3A_31 : i32
    "tpu.region"() ({
      %run_scoped3A = tpu.sem_alloc : memref<!tpu.dma_semaphore, #tpu.memory_space<semaphore_mem>>
      %dma_start3A_236 = arith.constant 0 : i32
      %dma_start3A_237 = arith.constant 0 : i32
      %dma_start3A_238 = tpu.memref_slice %arg4[%select_n3A, %dma_start3A_236, %dma_start3A_237] : memref<4x17x16xi32, #tpu.memory_space<hbm>> -> memref<1x17x16xi32, #tpu.memory_space<hbm>>
      %dma_start3A_239 = tpu.memref_squeeze %dma_start3A_238 : memref<1x17x16xi32, #tpu.memory_space<hbm>> -> memref<17x16xi32, #tpu.memory_space<hbm>>
      %dma_start3A_240 = arith.constant 0 : i32
      %dma_start3A_241 = arith.constant 0 : i32
      %dma_start3A_242 = tpu.memref_slice %arg4[%select_n3A, %dma_start3A_240, %dma_start3A_241] : memref<4x17x16xi32, #tpu.memory_space<hbm>> -> memref<1x17x16xi32, #tpu.memory_space<hbm>>
      %dma_start3A_243 = tpu.memref_squeeze %dma_start3A_242 : memref<1x17x16xi32, #tpu.memory_space<hbm>> -> memref<17x16xi32, #tpu.memory_space<hbm>>
      tpu.enqueue_dma source(%dma_start3A_243 : memref<17x16xi32, #tpu.memory_space<hbm>>) target(%arg7 : memref<17x16xi32, #tpu.memory_space<vmem>>) target_semaphore(%run_scoped3A : memref<!tpu.dma_semaphore, #tpu.memory_space<semaphore_mem>>)
      %dma_wait3A = arith.constant 0 : i32
      %dma_wait3A_244 = arith.constant 0 : i32
      %dma_wait3A_245 = tpu.memref_slice %arg4[%select_n3A, %dma_wait3A, %dma_wait3A_244] : memref<4x17x16xi32, #tpu.memory_space<hbm>> -> memref<1x17x16xi32, #tpu.memory_space<hbm>>
      %dma_wait3A_246 = tpu.memref_squeeze %dma_wait3A_245 : memref<1x17x16xi32, #tpu.memory_space<hbm>> -> memref<17x16xi32, #tpu.memory_space<hbm>>
      %dma_wait3A_247 = arith.constant 0 : i32
      %dma_wait3A_248 = arith.constant 0 : i32
      %dma_wait3A_249 = tpu.memref_slice %arg4[%select_n3A, %dma_wait3A_247, %dma_wait3A_248] : memref<4x17x16xi32, #tpu.memory_space<hbm>> -> memref<1x17x16xi32, #tpu.memory_space<hbm>>
      %dma_wait3A_250 = tpu.memref_squeeze %dma_wait3A_249 : memref<1x17x16xi32, #tpu.memory_space<hbm>> -> memref<17x16xi32, #tpu.memory_space<hbm>>
      tpu.wait_dma2 semaphore(%run_scoped3A : memref<!tpu.dma_semaphore, #tpu.memory_space<semaphore_mem>>) src(%dma_wait3A_250 : memref<17x16xi32, #tpu.memory_space<hbm>>) dst(%arg7 : memref<17x16xi32, #tpu.memory_space<vmem>>)
      tpu.yield
    }) : () -> ()
    "tpu.region"() ({
      %run_scoped3A = tpu.sem_alloc : memref<!tpu.dma_semaphore, #tpu.memory_space<semaphore_mem>>
      %dma_start3A_236 = arith.constant 0 : i32
      %dma_start3A_237 = arith.constant 0 : i32
      %dma_start3A_238 = tpu.memref_slice %arg5[%select_n3A, %dma_start3A_236, %dma_start3A_237] : memref<4x17x16xi32, #tpu.memory_space<hbm>> -> memref<1x17x16xi32, #tpu.memory_space<hbm>>
      %dma_start3A_239 = tpu.memref_squeeze %dma_start3A_238 : memref<1x17x16xi32, #tpu.memory_space<hbm>> -> memref<17x16xi32, #tpu.memory_space<hbm>>
      %dma_start3A_240 = arith.constant 0 : i32
      %dma_start3A_241 = arith.constant 0 : i32
      %dma_start3A_242 = tpu.memref_slice %arg5[%select_n3A, %dma_start3A_240, %dma_start3A_241] : memref<4x17x16xi32, #tpu.memory_space<hbm>> -> memref<1x17x16xi32, #tpu.memory_space<hbm>>
      %dma_start3A_243 = tpu.memref_squeeze %dma_start3A_242 : memref<1x17x16xi32, #tpu.memory_space<hbm>> -> memref<17x16xi32, #tpu.memory_space<hbm>>
      tpu.enqueue_dma source(%dma_start3A_243 : memref<17x16xi32, #tpu.memory_space<hbm>>) target(%arg8 : memref<17x16xi32, #tpu.memory_space<vmem>>) target_semaphore(%run_scoped3A : memref<!tpu.dma_semaphore, #tpu.memory_space<semaphore_mem>>)
      %dma_wait3A = arith.constant 0 : i32
      %dma_wait3A_244 = arith.constant 0 : i32
      %dma_wait3A_245 = tpu.memref_slice %arg5[%select_n3A, %dma_wait3A, %dma_wait3A_244] : memref<4x17x16xi32, #tpu.memory_space<hbm>> -> memref<1x17x16xi32, #tpu.memory_space<hbm>>
      %dma_wait3A_246 = tpu.memref_squeeze %dma_wait3A_245 : memref<1x17x16xi32, #tpu.memory_space<hbm>> -> memref<17x16xi32, #tpu.memory_space<hbm>>
      %dma_wait3A_247 = arith.constant 0 : i32
      %dma_wait3A_248 = arith.constant 0 : i32
      %dma_wait3A_249 = tpu.memref_slice %arg5[%select_n3A, %dma_wait3A_247, %dma_wait3A_248] : memref<4x17x16xi32, #tpu.memory_space<hbm>> -> memref<1x17x16xi32, #tpu.memory_space<hbm>>
      %dma_wait3A_250 = tpu.memref_squeeze %dma_wait3A_249 : memref<1x17x16xi32, #tpu.memory_space<hbm>> -> memref<17x16xi32, #tpu.memory_space<hbm>>
      tpu.wait_dma2 semaphore(%run_scoped3A : memref<!tpu.dma_semaphore, #tpu.memory_space<semaphore_mem>>) src(%dma_wait3A_250 : memref<17x16xi32, #tpu.memory_space<hbm>>) dst(%arg8 : memref<17x16xi32, #tpu.memory_space<vmem>>)
      tpu.yield
    }) : () -> ()
    %get3A = arith.constant 0 : i32
    %get3A_33 = arith.index_cast %get3A : i32 to index
    %get3A_34 = arith.constant 0 : index
    %get3A_35 = tpu.vector_load %arg7[%get3A_33, %get3A_34] {strides = array<i32>} : memref<17x16xi32, #tpu.memory_space<vmem>>, vector<16xi32>,
    %get3A_36 = arith.constant 1 : i32
    %get3A_37 = arith.index_cast %get3A_36 : i32 to index
    %get3A_38 = arith.constant 0 : index
    %get3A_39 = tpu.vector_load %arg7[%get3A_37, %get3A_38] {strides = array<i32>} : memref<17x16xi32, #tpu.memory_space<vmem>>, vector<16xi32>,
    %get3A_40 = arith.constant 2 : i32
    %get3A_41 = arith.index_cast %get3A_40 : i32 to index
    %get3A_42 = arith.constant 0 : index
    %get3A_43 = tpu.vector_load %arg7[%get3A_41, %get3A_42] {strides = array<i32>} : memref<17x16xi32, #tpu.memory_space<vmem>>, vector<16xi32>,
    %get3A_44 = arith.constant 3 : i32
    %get3A_45 = arith.index_cast %get3A_44 : i32 to index
    %get3A_46 = arith.constant 0 : index
    %get3A_47 = tpu.vector_load %arg7[%get3A_45, %get3A_46] {strides = array<i32>} : memref<17x16xi32, #tpu.memory_space<vmem>>, vector<16xi32>,
    %get3A_48 = arith.constant 4 : i32
    %get3A_49 = arith.index_cast %get3A_48 : i32 to index
    %get3A_50 = arith.constant 0 : index
    %get3A_51 = tpu.vector_load %arg7[%get3A_49, %get3A_50] {strides = array<i32>} : memref<17x16xi32, #tpu.memory_space<vmem>>, vector<16xi32>,
    %get3A_52 = arith.constant 5 : i32
    %get3A_53 = arith.index_cast %get3A_52 : i32 to index
    %get3A_54 = arith.constant 0 : index
    %get3A_55 = tpu.vector_load %arg7[%get3A_53, %get3A_54] {strides = array<i32>} : memref<17x16xi32, #tpu.memory_space<vmem>>, vector<16xi32>,
    %get3A_56 = arith.constant 6 : i32
    %get3A_57 = arith.index_cast %get3A_56 : i32 to index
    %get3A_58 = arith.constant 0 : index
    %get3A_59 = tpu.vector_load %arg7[%get3A_57, %get3A_58] {strides = array<i32>} : memref<17x16xi32, #tpu.memory_space<vmem>>, vector<16xi32>,
    %get3A_60 = arith.constant 7 : i32
    %get3A_61 = arith.index_cast %get3A_60 : i32 to index
    %get3A_62 = arith.constant 0 : index
    %get3A_63 = tpu.vector_load %arg7[%get3A_61, %get3A_62] {strides = array<i32>} : memref<17x16xi32, #tpu.memory_space<vmem>>, vector<16xi32>,
    %get3A_64 = arith.constant 8 : i32
    %get3A_65 = arith.index_cast %get3A_64 : i32 to index
    %get3A_66 = arith.constant 0 : index
    %get3A_67 = tpu.vector_load %arg7[%get3A_65, %get3A_66] {strides = array<i32>} : memref<17x16xi32, #tpu.memory_space<vmem>>, vector<16xi32>,
    %get3A_68 = arith.constant 9 : i32
    %get3A_69 = arith.index_cast %get3A_68 : i32 to index
    %get3A_70 = arith.constant 0 : index
    %get3A_71 = tpu.vector_load %arg7[%get3A_69, %get3A_70] {strides = array<i32>} : memref<17x16xi32, #tpu.memory_space<vmem>>, vector<16xi32>,
    %get3A_72 = arith.constant 10 : i32
    %get3A_73 = arith.index_cast %get3A_72 : i32 to index
    %get3A_74 = arith.constant 0 : index
    %get3A_75 = tpu.vector_load %arg7[%get3A_73, %get3A_74] {strides = array<i32>} : memref<17x16xi32, #tpu.memory_space<vmem>>, vector<16xi32>,
    %get3A_76 = arith.constant 11 : i32
    %get3A_77 = arith.index_cast %get3A_76 : i32 to index
    %get3A_78 = arith.constant 0 : index
    %get3A_79 = tpu.vector_load %arg7[%get3A_77, %get3A_78] {strides = array<i32>} : memref<17x16xi32, #tpu.memory_space<vmem>>, vector<16xi32>,
    %get3A_80 = arith.constant 12 : i32
    %get3A_81 = arith.index_cast %get3A_80 : i32 to index
    %get3A_82 = arith.constant 0 : index
    %get3A_83 = tpu.vector_load %arg7[%get3A_81, %get3A_82] {strides = array<i32>} : memref<17x16xi32, #tpu.memory_space<vmem>>, vector<16xi32>,
    %get3A_84 = arith.constant 13 : i32
    %get3A_85 = arith.index_cast %get3A_84 : i32 to index
    %get3A_86 = arith.constant 0 : index
    %get3A_87 = tpu.vector_load %arg7[%get3A_85, %get3A_86] {strides = array<i32>} : memref<17x16xi32, #tpu.memory_space<vmem>>, vector<16xi32>,
    %get3A_88 = arith.constant 14 : i32
    %get3A_89 = arith.index_cast %get3A_88 : i32 to index
    %get3A_90 = arith.constant 0 : index
    %get3A_91 = tpu.vector_load %arg7[%get3A_89, %get3A_90] {strides = array<i32>} : memref<17x16xi32, #tpu.memory_space<vmem>>, vector<16xi32>,
    %get3A_92 = arith.constant 15 : i32
    %get3A_93 = arith.index_cast %get3A_92 : i32 to index
    %get3A_94 = arith.constant 0 : index
    %get3A_95 = tpu.vector_load %arg7[%get3A_93, %get3A_94] {strides = array<i32>} : memref<17x16xi32, #tpu.memory_space<vmem>>, vector<16xi32>,
    %get3A_96 = arith.constant 16 : i32
    %get3A_97 = arith.index_cast %get3A_96 : i32 to index
    %get3A_98 = arith.constant 0 : index
    %get3A_99 = tpu.vector_load %arg7[%get3A_97, %get3A_98] {strides = array<i32>} : memref<17x16xi32, #tpu.memory_space<vmem>>, vector<16xi32>,
    %get3A_100 = arith.constant 0 : i32
    %get3A_101 = arith.index_cast %get3A_100 : i32 to index
    %get3A_102 = arith.constant 0 : index
    %get3A_103 = tpu.vector_load %arg8[%get3A_101, %get3A_102] {strides = array<i32>} : memref<17x16xi32, #tpu.memory_space<vmem>>, vector<16xi32>,
    %get3A_104 = arith.constant 1 : i32
    %get3A_105 = arith.index_cast %get3A_104 : i32 to index
    %get3A_106 = arith.constant 0 : index
    %get3A_107 = tpu.vector_load %arg8[%get3A_105, %get3A_106] {strides = array<i32>} : memref<17x16xi32, #tpu.memory_space<vmem>>, vector<16xi32>,
    %get3A_108 = arith.constant 2 : i32
    %get3A_109 = arith.index_cast %get3A_108 : i32 to index
    %get3A_110 = arith.constant 0 : index
    %get3A_111 = tpu.vector_load %arg8[%get3A_109, %get3A_110] {strides = array<i32>} : memref<17x16xi32, #tpu.memory_space<vmem>>, vector<16xi32>,
    %get3A_112 = arith.constant 3 : i32
    %get3A_113 = arith.index_cast %get3A_112 : i32 to index
    %get3A_114 = arith.constant 0 : index
    %get3A_115 = tpu.vector_load %arg8[%get3A_113, %get3A_114] {strides = array<i32>} : memref<17x16xi32, #tpu.memory_space<vmem>>, vector<16xi32>,
    %get3A_116 = arith.constant 4 : i32
    %get3A_117 = arith.index_cast %get3A_116 : i32 to index
    %get3A_118 = arith.constant 0 : index
    %get3A_119 = tpu.vector_load %arg8[%get3A_117, %get3A_118] {strides = array<i32>} : memref<17x16xi32, #tpu.memory_space<vmem>>, vector<16xi32>,
    %get3A_120 = arith.constant 5 : i32
    %get3A_121 = arith.index_cast %get3A_120 : i32 to index
    %get3A_122 = arith.constant 0 : index
    %get3A_123 = tpu.vector_load %arg8[%get3A_121, %get3A_122] {strides = array<i32>} : memref<17x16xi32, #tpu.memory_space<vmem>>, vector<16xi32>,
    %get3A_124 = arith.constant 6 : i32
    %get3A_125 = arith.index_cast %get3A_124 : i32 to index
    %get3A_126 = arith.constant 0 : index
    %get3A_127 = tpu.vector_load %arg8[%get3A_125, %get3A_126] {strides = array<i32>} : memref<17x16xi32, #tpu.memory_space<vmem>>, vector<16xi32>,
    %get3A_128 = arith.constant 7 : i32
    %get3A_129 = arith.index_cast %get3A_128 : i32 to index
    %get3A_130 = arith.constant 0 : index
    %get3A_131 = tpu.vector_load %arg8[%get3A_129, %get3A_130] {strides = array<i32>} : memref<17x16xi32, #tpu.memory_space<vmem>>, vector<16xi32>,
    %get3A_132 = arith.constant 8 : i32
    %get3A_133 = arith.index_cast %get3A_132 : i32 to index
    %get3A_134 = arith.constant 0 : index
    %get3A_135 = tpu.vector_load %arg8[%get3A_133, %get3A_134] {strides = array<i32>} : memref<17x16xi32, #tpu.memory_space<vmem>>, vector<16xi32>,
    %get3A_136 = arith.constant 9 : i32
    %get3A_137 = arith.index_cast %get3A_136 : i32 to index
    %get3A_138 = arith.constant 0 : index
    %get3A_139 = tpu.vector_load %arg8[%get3A_137, %get3A_138] {strides = array<i32>} : memref<17x16xi32, #tpu.memory_space<vmem>>, vector<16xi32>,
    %get3A_140 = arith.constant 10 : i32
    %get3A_141 = arith.index_cast %get3A_140 : i32 to index
    %get3A_142 = arith.constant 0 : index
    %get3A_143 = tpu.vector_load %arg8[%get3A_141, %get3A_142] {strides = array<i32>} : memref<17x16xi32, #tpu.memory_space<vmem>>, vector<16xi32>,
    %get3A_144 = arith.constant 11 : i32
    %get3A_145 = arith.index_cast %get3A_144 : i32 to index
    %get3A_146 = arith.constant 0 : index
    %get3A_147 = tpu.vector_load %arg8[%get3A_145, %get3A_146] {strides = array<i32>} : memref<17x16xi32, #tpu.memory_space<vmem>>, vector<16xi32>,
    %get3A_148 = arith.constant 12 : i32
    %get3A_149 = arith.index_cast %get3A_148 : i32 to index
    %get3A_150 = arith.constant 0 : index
    %get3A_151 = tpu.vector_load %arg8[%get3A_149, %get3A_150] {strides = array<i32>} : memref<17x16xi32, #tpu.memory_space<vmem>>, vector<16xi32>,
    %get3A_152 = arith.constant 13 : i32
    %get3A_153 = arith.index_cast %get3A_152 : i32 to index
    %get3A_154 = arith.constant 0 : index
    %get3A_155 = tpu.vector_load %arg8[%get3A_153, %get3A_154] {strides = array<i32>} : memref<17x16xi32, #tpu.memory_space<vmem>>, vector<16xi32>,
    %get3A_156 = arith.constant 14 : i32
    %get3A_157 = arith.index_cast %get3A_156 : i32 to index
    %get3A_158 = arith.constant 0 : index
    %get3A_159 = tpu.vector_load %arg8[%get3A_157, %get3A_158] {strides = array<i32>} : memref<17x16xi32, #tpu.memory_space<vmem>>, vector<16xi32>,
    %get3A_160 = arith.constant 15 : i32
    %get3A_161 = arith.index_cast %get3A_160 : i32 to index
    %get3A_162 = arith.constant 0 : index
    %get3A_163 = tpu.vector_load %arg8[%get3A_161, %get3A_162] {strides = array<i32>} : memref<17x16xi32, #tpu.memory_space<vmem>>, vector<16xi32>,
    %get3A_164 = arith.constant 16 : i32
    %get3A_165 = arith.index_cast %get3A_164 : i32 to index
    %get3A_166 = arith.constant 0 : index
    %get3A_167 = tpu.vector_load %arg8[%get3A_165, %get3A_166] {strides = array<i32>} : memref<17x16xi32, #tpu.memory_space<vmem>>, vector<16xi32>,
    %add3A_168 = arith.constant 0 : i32
    %add3A_169 = arith.addi %mul3A_32, %add3A_168 : i32
    %dma_start3A = arith.constant 0 : i32
    %dma_start3A_170 = tpu.memref_slice %arg2[%select_n3A, %add3A_169, %dma_start3A] : memref<4x65536x101xf32, #tpu.memory_space<hbm>> -> memref<1x64x101xf32, #tpu.memory_space<hbm>>
    %dma_start3A_171 = tpu.memref_squeeze %dma_start3A_170 : memref<1x64x101xf32, #tpu.memory_space<hbm>> -> memref<64x101xf32, #tpu.memory_space<hbm>>
    %dma_start3A_172 = arith.constant 0 : i32
    %dma_start3A_173 = tpu.memref_slice %arg2[%select_n3A, %add3A_169, %dma_start3A_172] : memref<4x65536x101xf32, #tpu.memory_space<hbm>> -> memref<1x64x101xf32, #tpu.memory_space<hbm>>
    %dma_start3A_174 = tpu.memref_squeeze %dma_start3A_173 : memref<1x64x101xf32, #tpu.memory_space<hbm>> -> memref<64x101xf32, #tpu.memory_space<hbm>>
    tpu.enqueue_dma source(%dma_start3A_174 : memref<64x101xf32, #tpu.memory_space<hbm>>) target(%arg9 : memref<64x101xf32, #tpu.memory_space<vmem>>) target_semaphore(%arg18 : memref<!tpu.dma_semaphore, #tpu.memory_space<semaphore_mem>>)
    %dma_start3A_175 = arith.constant 0 : i32
    %dma_start3A_176 = tpu.memref_slice %arg3[%select_n3A, %add3A_169, %dma_start3A_175] : memref<4x65536x21xf32, #tpu.memory_space<hbm>> -> memref<1x64x21xf32, #tpu.memory_space<hbm>>
    %dma_start3A_177 = tpu.memref_squeeze %dma_start3A_176 : memref<1x64x21xf32, #tpu.memory_space<hbm>> -> memref<64x21xf32, #tpu.memory_space<hbm>>
    %dma_start3A_178 = arith.constant 0 : i32
    %dma_start3A_179 = tpu.memref_slice %arg3[%select_n3A, %add3A_169, %dma_start3A_178] : memref<4x65536x21xf32, #tpu.memory_space<hbm>> -> memref<1x64x21xf32, #tpu.memory_space<hbm>>
    %dma_start3A_180 = tpu.memref_squeeze %dma_start3A_179 : memref<1x64x21xf32, #tpu.memory_space<hbm>> -> memref<64x21xf32, #tpu.memory_space<hbm>>
    tpu.enqueue_dma source(%dma_start3A_180 : memref<64x21xf32, #tpu.memory_space<hbm>>) target(%arg13 : memref<64x21xf32, #tpu.memory_space<vmem>>) target_semaphore(%arg22 : memref<!tpu.dma_semaphore, #tpu.memory_space<semaphore_mem>>)
    %add3A_181 = arith.constant 64 : i32
    %add3A_182 = arith.addi %mul3A_32, %add3A_181 : i32
    %dma_start3A_183 = arith.constant 0 : i32
    %dma_start3A_184 = tpu.memref_slice %arg2[%select_n3A, %add3A_182, %dma_start3A_183] : memref<4x65536x101xf32, #tpu.memory_space<hbm>> -> memref<1x64x101xf32, #tpu.memory_space<hbm>>
    %dma_start3A_185 = tpu.memref_squeeze %dma_start3A_184 : memref<1x64x101xf32, #tpu.memory_space<hbm>> -> memref<64x101xf32, #tpu.memory_space<hbm>>
    %dma_start3A_186 = arith.constant 0 : i32
    %dma_start3A_187 = tpu.memref_slice %arg2[%select_n3A, %add3A_182, %dma_start3A_186] : memref<4x65536x101xf32, #tpu.memory_space<hbm>> -> memref<1x64x101xf32, #tpu.memory_space<hbm>>
    %dma_start3A_188 = tpu.memref_squeeze %dma_start3A_187 : memref<1x64x101xf32, #tpu.memory_space<hbm>> -> memref<64x101xf32, #tpu.memory_space<hbm>>
    tpu.enqueue_dma source(%dma_start3A_188 : memref<64x101xf32, #tpu.memory_space<hbm>>) target(%arg10 : memref<64x101xf32, #tpu.memory_space<vmem>>) target_semaphore(%arg19 : memref<!tpu.dma_semaphore, #tpu.memory_space<semaphore_mem>>)
    %dma_start3A_189 = arith.constant 0 : i32
    %dma_start3A_190 = tpu.memref_slice %arg3[%select_n3A, %add3A_182, %dma_start3A_189] : memref<4x65536x21xf32, #tpu.memory_space<hbm>> -> memref<1x64x21xf32, #tpu.memory_space<hbm>>
    %dma_start3A_191 = tpu.memref_squeeze %dma_start3A_190 : memref<1x64x21xf32, #tpu.memory_space<hbm>> -> memref<64x21xf32, #tpu.memory_space<hbm>>
    %dma_start3A_192 = arith.constant 0 : i32
    %dma_start3A_193 = tpu.memref_slice %arg3[%select_n3A, %add3A_182, %dma_start3A_192] : memref<4x65536x21xf32, #tpu.memory_space<hbm>> -> memref<1x64x21xf32, #tpu.memory_space<hbm>>
    %dma_start3A_194 = tpu.memref_squeeze %dma_start3A_193 : memref<1x64x21xf32, #tpu.memory_space<hbm>> -> memref<64x21xf32, #tpu.memory_space<hbm>>
    tpu.enqueue_dma source(%dma_start3A_194 : memref<64x21xf32, #tpu.memory_space<hbm>>) target(%arg14 : memref<64x21xf32, #tpu.memory_space<vmem>>) target_semaphore(%arg23 : memref<!tpu.dma_semaphore, #tpu.memory_space<semaphore_mem>>)
    %add3A_195 = arith.constant 128 : i32
    %add3A_196 = arith.addi %mul3A_32, %add3A_195 : i32
    %dma_start3A_197 = arith.constant 0 : i32
    %dma_start3A_198 = tpu.memref_slice %arg2[%select_n3A, %add3A_196, %dma_start3A_197] : memref<4x65536x101xf32, #tpu.memory_space<hbm>> -> memref<1x64x101xf32, #tpu.memory_space<hbm>>
    %dma_start3A_199 = tpu.memref_squeeze %dma_start3A_198 : memref<1x64x101xf32, #tpu.memory_space<hbm>> -> memref<64x101xf32, #tpu.memory_space<hbm>>
    %dma_start3A_200 = arith.constant 0 : i32
    %dma_start3A_201 = tpu.memref_slice %arg2[%select_n3A, %add3A_196, %dma_start3A_200] : memref<4x65536x101xf32, #tpu.memory_space<hbm>> -> memref<1x64x101xf32, #tpu.memory_space<hbm>>
    %dma_start3A_202 = tpu.memref_squeeze %dma_start3A_201 : memref<1x64x101xf32, #tpu.memory_space<hbm>> -> memref<64x101xf32, #tpu.memory_space<hbm>>
    tpu.enqueue_dma source(%dma_start3A_202 : memref<64x101xf32, #tpu.memory_space<hbm>>) target(%arg11 : memref<64x101xf32, #tpu.memory_space<vmem>>) target_semaphore(%arg20 : memref<!tpu.dma_semaphore, #tpu.memory_space<semaphore_mem>>)
    %dma_start3A_203 = arith.constant 0 : i32
    %dma_start3A_204 = tpu.memref_slice %arg3[%select_n3A, %add3A_196, %dma_start3A_203] : memref<4x65536x21xf32, #tpu.memory_space<hbm>> -> memref<1x64x21xf32, #tpu.memory_space<hbm>>
    %dma_start3A_205 = tpu.memref_squeeze %dma_start3A_204 : memref<1x64x21xf32, #tpu.memory_space<hbm>> -> memref<64x21xf32, #tpu.memory_space<hbm>>
    %dma_start3A_206 = arith.constant 0 : i32
    %dma_start3A_207 = tpu.memref_slice %arg3[%select_n3A, %add3A_196, %dma_start3A_206] : memref<4x65536x21xf32, #tpu.memory_space<hbm>> -> memref<1x64x21xf32, #tpu.memory_space<hbm>>
    %dma_start3A_208 = tpu.memref_squeeze %dma_start3A_207 : memref<1x64x21xf32, #tpu.memory_space<hbm>> -> memref<64x21xf32, #tpu.memory_space<hbm>>
    tpu.enqueue_dma source(%dma_start3A_208 : memref<64x21xf32, #tpu.memory_space<hbm>>) target(%arg15 : memref<64x21xf32, #tpu.memory_space<vmem>>) target_semaphore(%arg24 : memref<!tpu.dma_semaphore, #tpu.memory_space<semaphore_mem>>)
    %add3A_209 = arith.constant 192 : i32
    %add3A_210 = arith.addi %mul3A_32, %add3A_209 : i32
    %dma_start3A_211 = arith.constant 0 : i32
    %dma_start3A_212 = tpu.memref_slice %arg2[%select_n3A, %add3A_210, %dma_start3A_211] : memref<4x65536x101xf32, #tpu.memory_space<hbm>> -> memref<1x64x101xf32, #tpu.memory_space<hbm>>
    %dma_start3A_213 = tpu.memref_squeeze %dma_start3A_212 : memref<1x64x101xf32, #tpu.memory_space<hbm>> -> memref<64x101xf32, #tpu.memory_space<hbm>>
    %dma_start3A_214 = arith.constant 0 : i32
    %dma_start3A_215 = tpu.memref_slice %arg2[%select_n3A, %add3A_210, %dma_start3A_214] : memref<4x65536x101xf32, #tpu.memory_space<hbm>> -> memref<1x64x101xf32, #tpu.memory_space<hbm>>
    %dma_start3A_216 = tpu.memref_squeeze %dma_start3A_215 : memref<1x64x101xf32, #tpu.memory_space<hbm>> -> memref<64x101xf32, #tpu.memory_space<hbm>>
    tpu.enqueue_dma source(%dma_start3A_216 : memref<64x101xf32, #tpu.memory_space<hbm>>) target(%arg12 : memref<64x101xf32, #tpu.memory_space<vmem>>) target_semaphore(%arg21 : memref<!tpu.dma_semaphore, #tpu.memory_space<semaphore_mem>>)
    %dma_start3A_217 = arith.constant 0 : i32
    %dma_start3A_218 = tpu.memref_slice %arg3[%select_n3A, %add3A_210, %dma_start3A_217] : memref<4x65536x21xf32, #tpu.memory_space<hbm>> -> memref<1x64x21xf32, #tpu.memory_space<hbm>>
    %dma_start3A_219 = tpu.memref_squeeze %dma_start3A_218 : memref<1x64x21xf32, #tpu.memory_space<hbm>> -> memref<64x21xf32, #tpu.memory_space<hbm>>
    %dma_start3A_220 = arith.constant 0 : i32
    %dma_start3A_221 = tpu.memref_slice %arg3[%select_n3A, %add3A_210, %dma_start3A_220] : memref<4x65536x21xf32, #tpu.memory_space<hbm>> -> memref<1x64x21xf32, #tpu.memory_space<hbm>>
    %dma_start3A_222 = tpu.memref_squeeze %dma_start3A_221 : memref<1x64x21xf32, #tpu.memory_space<hbm>> -> memref<64x21xf32, #tpu.memory_space<hbm>>
    tpu.enqueue_dma source(%dma_start3A_222 : memref<64x21xf32, #tpu.memory_space<hbm>>) target(%arg16 : memref<64x21xf32, #tpu.memory_space<vmem>>) target_semaphore(%arg25 : memref<!tpu.dma_semaphore, #tpu.memory_space<semaphore_mem>>)
    %iota3A = tpu.iota {dimensions = array<i32: 0>} : vector<16xi32>
    %broadcast_in_dim3A = arith.constant 0.000000e+00 : f32
    %broadcast_in_dim3A_223 = vector.broadcast %broadcast_in_dim3A : f32 to vector<16xf32>
    %scan3A = arith.constant 0 : i32
    %scan3A_224 = arith.constant 32 : i32
    %scan3A_225 = arith.addi %scan3A, %scan3A_224 : i32
    %scan3A_226 = arith.constant 1 : i32
    %scan3A_227:2 = scf.for %scan3A_236 = %scan3A to %scan3A_225 step %scan3A_226 iter_args(%scan3A_237 = %broadcast_in_dim3A_223, %scan3A_238 = %broadcast_in_dim3A_223) -> (vector<16xf32>, vector<16xf32>)  : i32 {
      %dma_wait3A = arith.constant 0 : i32
      %dma_wait3A_239 = arith.constant 0 : i32
      %dma_wait3A_240 = tpu.memref_slice %arg2[%select_n3A, %dma_wait3A, %dma_wait3A_239] : memref<4x65536x101xf32, #tpu.memory_space<hbm>> -> memref<1x64x101xf32, #tpu.memory_space<hbm>>
      %dma_wait3A_241 = tpu.memref_squeeze %dma_wait3A_240 : memref<1x64x101xf32, #tpu.memory_space<hbm>> -> memref<64x101xf32, #tpu.memory_space<hbm>>
      %dma_wait3A_242 = arith.constant 0 : i32
      %dma_wait3A_243 = arith.constant 0 : i32
      %dma_wait3A_244 = tpu.memref_slice %arg2[%select_n3A, %dma_wait3A_242, %dma_wait3A_243] : memref<4x65536x101xf32, #tpu.memory_space<hbm>> -> memref<1x64x101xf32, #tpu.memory_space<hbm>>
      %dma_wait3A_245 = tpu.memref_squeeze %dma_wait3A_244 : memref<1x64x101xf32, #tpu.memory_space<hbm>> -> memref<64x101xf32, #tpu.memory_space<hbm>>
      tpu.wait_dma2 semaphore(%arg18 : memref<!tpu.dma_semaphore, #tpu.memory_space<semaphore_mem>>) src(%dma_wait3A_245 : memref<64x101xf32, #tpu.memory_space<hbm>>) dst(%arg9 : memref<64x101xf32, #tpu.memory_space<vmem>>)
      %dma_wait3A_246 = arith.constant 0 : i32
      %dma_wait3A_247 = arith.constant 0 : i32
      %dma_wait3A_248 = tpu.memref_slice %arg3[%select_n3A, %dma_wait3A_246, %dma_wait3A_247] : memref<4x65536x21xf32, #tpu.memory_space<hbm>> -> memref<1x64x21xf32, #tpu.memory_space<hbm>>
      %dma_wait3A_249 = tpu.memref_squeeze %dma_wait3A_248 : memref<1x64x21xf32, #tpu.memory_space<hbm>> -> memref<64x21xf32, #tpu.memory_space<hbm>>
      %dma_wait3A_250 = arith.constant 0 : i32
      %dma_wait3A_251 = arith.constant 0 : i32
      %dma_wait3A_252 = tpu.memref_slice %arg3[%select_n3A, %dma_wait3A_250, %dma_wait3A_251] : memref<4x65536x21xf32, #tpu.memory_space<hbm>> -> memref<1x64x21xf32, #tpu.memory_space<hbm>>
      %dma_wait3A_253 = tpu.memref_squeeze %dma_wait3A_252 : memref<1x64x21xf32, #tpu.memory_space<hbm>> -> memref<64x21xf32, #tpu.memory_space<hbm>>
      tpu.wait_dma2 semaphore(%arg22 : memref<!tpu.dma_semaphore, #tpu.memory_space<semaphore_mem>>) src(%dma_wait3A_253 : memref<64x21xf32, #tpu.memory_space<hbm>>) dst(%arg13 : memref<64x21xf32, #tpu.memory_space<vmem>>)
      %scan3A_254 = arith.constant 0 : i32
      %scan3A_255 = arith.constant 4 : i32
      %scan3A_256 = arith.addi %scan3A_254, %scan3A_255 : i32
      %scan3A_257 = arith.constant 1 : i32
      %scan3A_258:2 = scf.for %scan3A_344 = %scan3A_254 to %scan3A_256 step %scan3A_257 iter_args(%scan3A_345 = %scan3A_237, %scan3A_346 = %scan3A_238) -> (vector<16xf32>, vector<16xf32>)  : i32 {
        %mul3A_347 = arith.constant 16 : i32
        %mul3A_348 = arith.muli %scan3A_344, %mul3A_347 : i32
        %add3A_349 = vector.broadcast %mul3A_348 : i32 to vector<16xi32>
        %add3A_350 = arith.addi %add3A_349, %iota3A : vector<16xi32>
        %broadcast_in_dim3A_351 = arith.constant 0.000000e+00 : f32
        %broadcast_in_dim3A_352 = vector.broadcast %broadcast_in_dim3A_351 : f32 to vector<16xf32>
        %broadcast_in_dim3A_353 = arith.constant 0.000000e+00 : f32
        %broadcast_in_dim3A_354 = vector.broadcast %broadcast_in_dim3A_353 : f32 to vector<16xf32>
        %broadcast_in_dim3A_355 = arith.constant 0.000000e+00 : f32
        %broadcast_in_dim3A_356 = vector.broadcast %broadcast_in_dim3A_355 : f32 to vector<16xf32>
        %gather3A = tpu.vector_load_idx %arg9[%add3A_350, %get3A_35] : memref<64x101xf32, #tpu.memory_space<vmem>>[vector<16xi32>, vector<16xi32>], vector<16xf32>,
        %exp3A = math.exp %gather3A : vector<16xf32>
        %gather3A_357 = tpu.vector_load_idx %arg13[%add3A_350, %get3A_103] : memref<64x21xf32, #tpu.memory_space<vmem>>[vector<16xi32>, vector<16xi32>], vector<16xf32>,
        %add3A_358 = arith.addf %broadcast_in_dim3A_352, %exp3A : vector<16xf32>
        %mul3A_359 = arith.mulf %exp3A, %gather3A_357 : vector<16xf32>
        %add3A_360 = arith.addf %broadcast_in_dim3A_354, %mul3A_359 : vector<16xf32>
        %add3A_361 = arith.addf %broadcast_in_dim3A_356, %gather3A_357 : vector<16xf32>
        %gather3A_362 = tpu.vector_load_idx %arg9[%add3A_350, %get3A_39] : memref<64x101xf32, #tpu.memory_space<vmem>>[vector<16xi32>, vector<16xi32>], vector<16xf32>,
        %exp3A_363 = math.exp %gather3A_362 : vector<16xf32>
        %gather3A_364 = tpu.vector_load_idx %arg13[%add3A_350, %get3A_107] : memref<64x21xf32, #tpu.memory_space<vmem>>[vector<16xi32>, vector<16xi32>], vector<16xf32>,
        %add3A_365 = arith.addf %add3A_358, %exp3A_363 : vector<16xf32>
        %mul3A_366 = arith.mulf %exp3A_363, %gather3A_364 : vector<16xf32>
        %add3A_367 = arith.addf %add3A_360, %mul3A_366 : vector<16xf32>
        %add3A_368 = arith.addf %add3A_361, %gather3A_364 : vector<16xf32>
        %gather3A_369 = tpu.vector_load_idx %arg9[%add3A_350, %get3A_43] : memref<64x101xf32, #tpu.memory_space<vmem>>[vector<16xi32>, vector<16xi32>], vector<16xf32>,
        %exp3A_370 = math.exp %gather3A_369 : vector<16xf32>
        %gather3A_371 = tpu.vector_load_idx %arg13[%add3A_350, %get3A_111] : memref<64x21xf32, #tpu.memory_space<vmem>>[vector<16xi32>, vector<16xi32>], vector<16xf32>,
        %add3A_372 = arith.addf %add3A_365, %exp3A_370 : vector<16xf32>
        %mul3A_373 = arith.mulf %exp3A_370, %gather3A_371 : vector<16xf32>
        %add3A_374 = arith.addf %add3A_367, %mul3A_373 : vector<16xf32>
        %add3A_375 = arith.addf %add3A_368, %gather3A_371 : vector<16xf32>
        %gather3A_376 = tpu.vector_load_idx %arg9[%add3A_350, %get3A_47] : memref<64x101xf32, #tpu.memory_space<vmem>>[vector<16xi32>, vector<16xi32>], vector<16xf32>,
        %exp3A_377 = math.exp %gather3A_376 : vector<16xf32>
        %gather3A_378 = tpu.vector_load_idx %arg13[%add3A_350, %get3A_115] : memref<64x21xf32, #tpu.memory_space<vmem>>[vector<16xi32>, vector<16xi32>], vector<16xf32>,
        %add3A_379 = arith.addf %add3A_372, %exp3A_377 : vector<16xf32>
        %mul3A_380 = arith.mulf %exp3A_377, %gather3A_378 : vector<16xf32>
        %add3A_381 = arith.addf %add3A_374, %mul3A_380 : vector<16xf32>
        %add3A_382 = arith.addf %add3A_375, %gather3A_378 : vector<16xf32>
        %gather3A_383 = tpu.vector_load_idx %arg9[%add3A_350, %get3A_51] : memref<64x101xf32, #tpu.memory_space<vmem>>[vector<16xi32>, vector<16xi32>], vector<16xf32>,
        %exp3A_384 = math.exp %gather3A_383 : vector<16xf32>
        %gather3A_385 = tpu.vector_load_idx %arg13[%add3A_350, %get3A_119] : memref<64x21xf32, #tpu.memory_space<vmem>>[vector<16xi32>, vector<16xi32>], vector<16xf32>,
        %add3A_386 = arith.addf %add3A_379, %exp3A_384 : vector<16xf32>
        %mul3A_387 = arith.mulf %exp3A_384, %gather3A_385 : vector<16xf32>
        %add3A_388 = arith.addf %add3A_381, %mul3A_387 : vector<16xf32>
        %add3A_389 = arith.addf %add3A_382, %gather3A_385 : vector<16xf32>
        %gather3A_390 = tpu.vector_load_idx %arg9[%add3A_350, %get3A_55] : memref<64x101xf32, #tpu.memory_space<vmem>>[vector<16xi32>, vector<16xi32>], vector<16xf32>,
        %exp3A_391 = math.exp %gather3A_390 : vector<16xf32>
        %gather3A_392 = tpu.vector_load_idx %arg13[%add3A_350, %get3A_123] : memref<64x21xf32, #tpu.memory_space<vmem>>[vector<16xi32>, vector<16xi32>], vector<16xf32>,
        %add3A_393 = arith.addf %add3A_386, %exp3A_391 : vector<16xf32>
        %mul3A_394 = arith.mulf %exp3A_391, %gather3A_392 : vector<16xf32>
        %add3A_395 = arith.addf %add3A_388, %mul3A_394 : vector<16xf32>
        %add3A_396 = arith.addf %add3A_389, %gather3A_392 : vector<16xf32>
        %gather3A_397 = tpu.vector_load_idx %arg9[%add3A_350, %get3A_59] : memref<64x101xf32, #tpu.memory_space<vmem>>[vector<16xi32>, vector<16xi32>], vector<16xf32>,
        %exp3A_398 = math.exp %gather3A_397 : vector<16xf32>
        %gather3A_399 = tpu.vector_load_idx %arg13[%add3A_350, %get3A_127] : memref<64x21xf32, #tpu.memory_space<vmem>>[vector<16xi32>, vector<16xi32>], vector<16xf32>,
        %add3A_400 = arith.addf %add3A_393, %exp3A_398 : vector<16xf32>
        %mul3A_401 = arith.mulf %exp3A_398, %gather3A_399 : vector<16xf32>
        %add3A_402 = arith.addf %add3A_395, %mul3A_401 : vector<16xf32>
        %add3A_403 = arith.addf %add3A_396, %gather3A_399 : vector<16xf32>
        %gather3A_404 = tpu.vector_load_idx %arg9[%add3A_350, %get3A_63] : memref<64x101xf32, #tpu.memory_space<vmem>>[vector<16xi32>, vector<16xi32>], vector<16xf32>,
        %exp3A_405 = math.exp %gather3A_404 : vector<16xf32>
        %gather3A_406 = tpu.vector_load_idx %arg13[%add3A_350, %get3A_131] : memref<64x21xf32, #tpu.memory_space<vmem>>[vector<16xi32>, vector<16xi32>], vector<16xf32>,
        %add3A_407 = arith.addf %add3A_400, %exp3A_405 : vector<16xf32>
        %mul3A_408 = arith.mulf %exp3A_405, %gather3A_406 : vector<16xf32>
        %add3A_409 = arith.addf %add3A_402, %mul3A_408 : vector<16xf32>
        %add3A_410 = arith.addf %add3A_403, %gather3A_406 : vector<16xf32>
        %gather3A_411 = tpu.vector_load_idx %arg9[%add3A_350, %get3A_67] : memref<64x101xf32, #tpu.memory_space<vmem>>[vector<16xi32>, vector<16xi32>], vector<16xf32>,
        %exp3A_412 = math.exp %gather3A_411 : vector<16xf32>
        %gather3A_413 = tpu.vector_load_idx %arg13[%add3A_350, %get3A_135] : memref<64x21xf32, #tpu.memory_space<vmem>>[vector<16xi32>, vector<16xi32>], vector<16xf32>,
        %add3A_414 = arith.addf %add3A_407, %exp3A_412 : vector<16xf32>
        %mul3A_415 = arith.mulf %exp3A_412, %gather3A_413 : vector<16xf32>
        %add3A_416 = arith.addf %add3A_409, %mul3A_415 : vector<16xf32>
        %add3A_417 = arith.addf %add3A_410, %gather3A_413 : vector<16xf32>
        %gather3A_418 = tpu.vector_load_idx %arg9[%add3A_350, %get3A_71] : memref<64x101xf32, #tpu.memory_space<vmem>>[vector<16xi32>, vector<16xi32>], vector<16xf32>,
        %exp3A_419 = math.exp %gather3A_418 : vector<16xf32>
        %gather3A_420 = tpu.vector_load_idx %arg13[%add3A_350, %get3A_139] : memref<64x21xf32, #tpu.memory_space<vmem>>[vector<16xi32>, vector<16xi32>], vector<16xf32>,
        %add3A_421 = arith.addf %add3A_414, %exp3A_419 : vector<16xf32>
        %mul3A_422 = arith.mulf %exp3A_419, %gather3A_420 : vector<16xf32>
        %add3A_423 = arith.addf %add3A_416, %mul3A_422 : vector<16xf32>
        %add3A_424 = arith.addf %add3A_417, %gather3A_420 : vector<16xf32>
        %gather3A_425 = tpu.vector_load_idx %arg9[%add3A_350, %get3A_75] : memref<64x101xf32, #tpu.memory_space<vmem>>[vector<16xi32>, vector<16xi32>], vector<16xf32>,
        %exp3A_426 = math.exp %gather3A_425 : vector<16xf32>
        %gather3A_427 = tpu.vector_load_idx %arg13[%add3A_350, %get3A_143] : memref<64x21xf32, #tpu.memory_space<vmem>>[vector<16xi32>, vector<16xi32>], vector<16xf32>,
        %add3A_428 = arith.addf %add3A_421, %exp3A_426 : vector<16xf32>
        %mul3A_429 = arith.mulf %exp3A_426, %gather3A_427 : vector<16xf32>
        %add3A_430 = arith.addf %add3A_423, %mul3A_429 : vector<16xf32>
        %add3A_431 = arith.addf %add3A_424, %gather3A_427 : vector<16xf32>
        %gather3A_432 = tpu.vector_load_idx %arg9[%add3A_350, %get3A_79] : memref<64x101xf32, #tpu.memory_space<vmem>>[vector<16xi32>, vector<16xi32>], vector<16xf32>,
        %exp3A_433 = math.exp %gather3A_432 : vector<16xf32>
        %gather3A_434 = tpu.vector_load_idx %arg13[%add3A_350, %get3A_147] : memref<64x21xf32, #tpu.memory_space<vmem>>[vector<16xi32>, vector<16xi32>], vector<16xf32>,
        %add3A_435 = arith.addf %add3A_428, %exp3A_433 : vector<16xf32>
        %mul3A_436 = arith.mulf %exp3A_433, %gather3A_434 : vector<16xf32>
        %add3A_437 = arith.addf %add3A_430, %mul3A_436 : vector<16xf32>
        %add3A_438 = arith.addf %add3A_431, %gather3A_434 : vector<16xf32>
        %gather3A_439 = tpu.vector_load_idx %arg9[%add3A_350, %get3A_83] : memref<64x101xf32, #tpu.memory_space<vmem>>[vector<16xi32>, vector<16xi32>], vector<16xf32>,
        %exp3A_440 = math.exp %gather3A_439 : vector<16xf32>
        %gather3A_441 = tpu.vector_load_idx %arg13[%add3A_350, %get3A_151] : memref<64x21xf32, #tpu.memory_space<vmem>>[vector<16xi32>, vector<16xi32>], vector<16xf32>,
        %add3A_442 = arith.addf %add3A_435, %exp3A_440 : vector<16xf32>
        %mul3A_443 = arith.mulf %exp3A_440, %gather3A_441 : vector<16xf32>
        %add3A_444 = arith.addf %add3A_437, %mul3A_443 : vector<16xf32>
        %add3A_445 = arith.addf %add3A_438, %gather3A_441 : vector<16xf32>
        %gather3A_446 = tpu.vector_load_idx %arg9[%add3A_350, %get3A_87] : memref<64x101xf32, #tpu.memory_space<vmem>>[vector<16xi32>, vector<16xi32>], vector<16xf32>,
        %exp3A_447 = math.exp %gather3A_446 : vector<16xf32>
        %gather3A_448 = tpu.vector_load_idx %arg13[%add3A_350, %get3A_155] : memref<64x21xf32, #tpu.memory_space<vmem>>[vector<16xi32>, vector<16xi32>], vector<16xf32>,
        %add3A_449 = arith.addf %add3A_442, %exp3A_447 : vector<16xf32>
        %mul3A_450 = arith.mulf %exp3A_447, %gather3A_448 : vector<16xf32>
        %add3A_451 = arith.addf %add3A_444, %mul3A_450 : vector<16xf32>
        %add3A_452 = arith.addf %add3A_445, %gather3A_448 : vector<16xf32>
        %gather3A_453 = tpu.vector_load_idx %arg9[%add3A_350, %get3A_91] : memref<64x101xf32, #tpu.memory_space<vmem>>[vector<16xi32>, vector<16xi32>], vector<16xf32>,
        %exp3A_454 = math.exp %gather3A_453 : vector<16xf32>
        %gather3A_455 = tpu.vector_load_idx %arg13[%add3A_350, %get3A_159] : memref<64x21xf32, #tpu.memory_space<vmem>>[vector<16xi32>, vector<16xi32>], vector<16xf32>,
        %add3A_456 = arith.addf %add3A_449, %exp3A_454 : vector<16xf32>
        %mul3A_457 = arith.mulf %exp3A_454, %gather3A_455 : vector<16xf32>
        %add3A_458 = arith.addf %add3A_451, %mul3A_457 : vector<16xf32>
        %add3A_459 = arith.addf %add3A_452, %gather3A_455 : vector<16xf32>
        %gather3A_460 = tpu.vector_load_idx %arg9[%add3A_350, %get3A_95] : memref<64x101xf32, #tpu.memory_space<vmem>>[vector<16xi32>, vector<16xi32>], vector<16xf32>,
        %exp3A_461 = math.exp %gather3A_460 : vector<16xf32>
        %gather3A_462 = tpu.vector_load_idx %arg13[%add3A_350, %get3A_163] : memref<64x21xf32, #tpu.memory_space<vmem>>[vector<16xi32>, vector<16xi32>], vector<16xf32>,
        %add3A_463 = arith.addf %add3A_456, %exp3A_461 : vector<16xf32>
        %mul3A_464 = arith.mulf %exp3A_461, %gather3A_462 : vector<16xf32>
        %add3A_465 = arith.addf %add3A_458, %mul3A_464 : vector<16xf32>
        %add3A_466 = arith.addf %add3A_459, %gather3A_462 : vector<16xf32>
        %gather3A_467 = tpu.vector_load_idx %arg9[%add3A_350, %get3A_99] : memref<64x101xf32, #tpu.memory_space<vmem>>[vector<16xi32>, vector<16xi32>], vector<16xf32>,
        %exp3A_468 = math.exp %gather3A_467 : vector<16xf32>
        %gather3A_469 = tpu.vector_load_idx %arg13[%add3A_350, %get3A_167] : memref<64x21xf32, #tpu.memory_space<vmem>>[vector<16xi32>, vector<16xi32>], vector<16xf32>,
        %add3A_470 = arith.addf %add3A_463, %exp3A_468 : vector<16xf32>
        %mul3A_471 = arith.mulf %exp3A_468, %gather3A_469 : vector<16xf32>
        %add3A_472 = arith.addf %add3A_465, %mul3A_471 : vector<16xf32>
        %add3A_473 = arith.addf %add3A_466, %gather3A_469 : vector<16xf32>
        %div3A_474 = arith.divf %add3A_472, %add3A_470 : vector<16xf32>
        %add3A_475 = arith.addf %scan3A_345, %div3A_474 : vector<16xf32>
        %add3A_476 = arith.addf %scan3A_346, %add3A_473 : vector<16xf32>
        scf.yield %add3A_475, %add3A_476 : vector<16xf32>, vector<16xf32>
      }
      %scan3A_259 = arith.constant 4 : i32
      %lt3A_260 = arith.constant 31 : i32
      %lt3A_261 = arith.cmpi slt, %scan3A_236, %lt3A_260 : i32
      %convert_element_type3A = arith.extui %lt3A_261 : i1 to i32
      %cond3A = arith.constant 0 : i32
      %cond3A_262 = arith.cmpi ne, %convert_element_type3A, %cond3A : i32
      scf.if %cond3A_262 {
        %mul3A_344 = arith.constant 4 : i32
        %mul3A_345 = arith.muli %mul3A_344, %scan3A_236 : i32
        %add3A_346 = arith.constant 0 : i32
        %add3A_347 = arith.addi %mul3A_345, %add3A_346 : i32
        %add3A_348 = arith.constant 4 : i32
        %add3A_349 = arith.addi %add3A_347, %add3A_348 : i32
        %mul3A_350 = arith.constant 64 : i32
        %mul3A_351 = arith.muli %add3A_349, %mul3A_350 : i32
        %add3A_352 = arith.addi %mul3A_32, %mul3A_351 : i32
        %dma_start3A_353 = arith.constant 0 : i32
        %dma_start3A_354 = tpu.memref_slice %arg2[%select_n3A, %add3A_352, %dma_start3A_353] : memref<4x65536x101xf32, #tpu.memory_space<hbm>> -> memref<1x64x101xf32, #tpu.memory_space<hbm>>
        %dma_start3A_355 = tpu.memref_squeeze %dma_start3A_354 : memref<1x64x101xf32, #tpu.memory_space<hbm>> -> memref<64x101xf32, #tpu.memory_space<hbm>>
        %dma_start3A_356 = arith.constant 0 : i32
        %dma_start3A_357 = tpu.memref_slice %arg2[%select_n3A, %add3A_352, %dma_start3A_356] : memref<4x65536x101xf32, #tpu.memory_space<hbm>> -> memref<1x64x101xf32, #tpu.memory_space<hbm>>
        %dma_start3A_358 = tpu.memref_squeeze %dma_start3A_357 : memref<1x64x101xf32, #tpu.memory_space<hbm>> -> memref<64x101xf32, #tpu.memory_space<hbm>>
        tpu.enqueue_dma source(%dma_start3A_358 : memref<64x101xf32, #tpu.memory_space<hbm>>) target(%arg9 : memref<64x101xf32, #tpu.memory_space<vmem>>) target_semaphore(%arg18 : memref<!tpu.dma_semaphore, #tpu.memory_space<semaphore_mem>>)
        %dma_start3A_359 = arith.constant 0 : i32
        %dma_start3A_360 = tpu.memref_slice %arg3[%select_n3A, %add3A_352, %dma_start3A_359] : memref<4x65536x21xf32, #tpu.memory_space<hbm>> -> memref<1x64x21xf32, #tpu.memory_space<hbm>>
        %dma_start3A_361 = tpu.memref_squeeze %dma_start3A_360 : memref<1x64x21xf32, #tpu.memory_space<hbm>> -> memref<64x21xf32, #tpu.memory_space<hbm>>
        %dma_start3A_362 = arith.constant 0 : i32
        %dma_start3A_363 = tpu.memref_slice %arg3[%select_n3A, %add3A_352, %dma_start3A_362] : memref<4x65536x21xf32, #tpu.memory_space<hbm>> -> memref<1x64x21xf32, #tpu.memory_space<hbm>>
        %dma_start3A_364 = tpu.memref_squeeze %dma_start3A_363 : memref<1x64x21xf32, #tpu.memory_space<hbm>> -> memref<64x21xf32, #tpu.memory_space<hbm>>
        tpu.enqueue_dma source(%dma_start3A_364 : memref<64x21xf32, #tpu.memory_space<hbm>>) target(%arg13 : memref<64x21xf32, #tpu.memory_space<vmem>>) target_semaphore(%arg22 : memref<!tpu.dma_semaphore, #tpu.memory_space<semaphore_mem>>)
      } else {
      }
      %dma_wait3A_263 = arith.constant 0 : i32
      %dma_wait3A_264 = arith.constant 0 : i32
      %dma_wait3A_265 = tpu.memref_slice %arg2[%select_n3A, %dma_wait3A_263, %dma_wait3A_264] : memref<4x65536x101xf32, #tpu.memory_space<hbm>> -> memref<1x64x101xf32, #tpu.memory_space<hbm>>
      %dma_wait3A_266 = tpu.memref_squeeze %dma_wait3A_265 : memref<1x64x101xf32, #tpu.memory_space<hbm>> -> memref<64x101xf32, #tpu.memory_space<hbm>>
      %dma_wait3A_267 = arith.constant 0 : i32
      %dma_wait3A_268 = arith.constant 0 : i32
      %dma_wait3A_269 = tpu.memref_slice %arg2[%select_n3A, %dma_wait3A_267, %dma_wait3A_268] : memref<4x65536x101xf32, #tpu.memory_space<hbm>> -> memref<1x64x101xf32, #tpu.memory_space<hbm>>
      %dma_wait3A_270 = tpu.memref_squeeze %dma_wait3A_269 : memref<1x64x101xf32, #tpu.memory_space<hbm>> -> memref<64x101xf32, #tpu.memory_space<hbm>>
      tpu.wait_dma2 semaphore(%arg19 : memref<!tpu.dma_semaphore, #tpu.memory_space<semaphore_mem>>) src(%dma_wait3A_270 : memref<64x101xf32, #tpu.memory_space<hbm>>) dst(%arg10 : memref<64x101xf32, #tpu.memory_space<vmem>>)
      %dma_wait3A_271 = arith.constant 0 : i32
      %dma_wait3A_272 = arith.constant 0 : i32
      %dma_wait3A_273 = tpu.memref_slice %arg3[%select_n3A, %dma_wait3A_271, %dma_wait3A_272] : memref<4x65536x21xf32, #tpu.memory_space<hbm>> -> memref<1x64x21xf32, #tpu.memory_space<hbm>>
      %dma_wait3A_274 = tpu.memref_squeeze %dma_wait3A_273 : memref<1x64x21xf32, #tpu.memory_space<hbm>> -> memref<64x21xf32, #tpu.memory_space<hbm>>
      %dma_wait3A_275 = arith.constant 0 : i32
      %dma_wait3A_276 = arith.constant 0 : i32
      %dma_wait3A_277 = tpu.memref_slice %arg3[%select_n3A, %dma_wait3A_275, %dma_wait3A_276] : memref<4x65536x21xf32, #tpu.memory_space<hbm>> -> memref<1x64x21xf32, #tpu.memory_space<hbm>>
      %dma_wait3A_278 = tpu.memref_squeeze %dma_wait3A_277 : memref<1x64x21xf32, #tpu.memory_space<hbm>> -> memref<64x21xf32, #tpu.memory_space<hbm>>
      tpu.wait_dma2 semaphore(%arg23 : memref<!tpu.dma_semaphore, #tpu.memory_space<semaphore_mem>>) src(%dma_wait3A_278 : memref<64x21xf32, #tpu.memory_space<hbm>>) dst(%arg14 : memref<64x21xf32, #tpu.memory_space<vmem>>)
      %scan3A_279 = arith.constant 0 : i32
      %scan3A_280 = arith.constant 4 : i32
      %scan3A_281 = arith.addi %scan3A_279, %scan3A_280 : i32
      %scan3A_282 = arith.constant 1 : i32
      %scan3A_283:2 = scf.for %scan3A_344 = %scan3A_279 to %scan3A_281 step %scan3A_282 iter_args(%scan3A_345 = %scan3A_258#0, %scan3A_346 = %scan3A_258#1) -> (vector<16xf32>, vector<16xf32>)  : i32 {
        %mul3A_347 = arith.constant 16 : i32
        %mul3A_348 = arith.muli %scan3A_344, %mul3A_347 : i32
        %add3A_349 = vector.broadcast %mul3A_348 : i32 to vector<16xi32>
        %add3A_350 = arith.addi %add3A_349, %iota3A : vector<16xi32>
        %broadcast_in_dim3A_351 = arith.constant 0.000000e+00 : f32
        %broadcast_in_dim3A_352 = vector.broadcast %broadcast_in_dim3A_351 : f32 to vector<16xf32>
        %broadcast_in_dim3A_353 = arith.constant 0.000000e+00 : f32
        %broadcast_in_dim3A_354 = vector.broadcast %broadcast_in_dim3A_353 : f32 to vector<16xf32>
        %broadcast_in_dim3A_355 = arith.constant 0.000000e+00 : f32
        %broadcast_in_dim3A_356 = vector.broadcast %broadcast_in_dim3A_355 : f32 to vector<16xf32>
        %gather3A = tpu.vector_load_idx %arg10[%add3A_350, %get3A_35] : memref<64x101xf32, #tpu.memory_space<vmem>>[vector<16xi32>, vector<16xi32>], vector<16xf32>,
        %exp3A = math.exp %gather3A : vector<16xf32>
        %gather3A_357 = tpu.vector_load_idx %arg14[%add3A_350, %get3A_103] : memref<64x21xf32, #tpu.memory_space<vmem>>[vector<16xi32>, vector<16xi32>], vector<16xf32>,
        %add3A_358 = arith.addf %broadcast_in_dim3A_352, %exp3A : vector<16xf32>
        %mul3A_359 = arith.mulf %exp3A, %gather3A_357 : vector<16xf32>
        %add3A_360 = arith.addf %broadcast_in_dim3A_354, %mul3A_359 : vector<16xf32>
        %add3A_361 = arith.addf %broadcast_in_dim3A_356, %gather3A_357 : vector<16xf32>
        %gather3A_362 = tpu.vector_load_idx %arg10[%add3A_350, %get3A_39] : memref<64x101xf32, #tpu.memory_space<vmem>>[vector<16xi32>, vector<16xi32>], vector<16xf32>,
        %exp3A_363 = math.exp %gather3A_362 : vector<16xf32>
        %gather3A_364 = tpu.vector_load_idx %arg14[%add3A_350, %get3A_107] : memref<64x21xf32, #tpu.memory_space<vmem>>[vector<16xi32>, vector<16xi32>], vector<16xf32>,
        %add3A_365 = arith.addf %add3A_358, %exp3A_363 : vector<16xf32>
        %mul3A_366 = arith.mulf %exp3A_363, %gather3A_364 : vector<16xf32>
        %add3A_367 = arith.addf %add3A_360, %mul3A_366 : vector<16xf32>
        %add3A_368 = arith.addf %add3A_361, %gather3A_364 : vector<16xf32>
        %gather3A_369 = tpu.vector_load_idx %arg10[%add3A_350, %get3A_43] : memref<64x101xf32, #tpu.memory_space<vmem>>[vector<16xi32>, vector<16xi32>], vector<16xf32>,
        %exp3A_370 = math.exp %gather3A_369 : vector<16xf32>
        %gather3A_371 = tpu.vector_load_idx %arg14[%add3A_350, %get3A_111] : memref<64x21xf32, #tpu.memory_space<vmem>>[vector<16xi32>, vector<16xi32>], vector<16xf32>,
        %add3A_372 = arith.addf %add3A_365, %exp3A_370 : vector<16xf32>
        %mul3A_373 = arith.mulf %exp3A_370, %gather3A_371 : vector<16xf32>
        %add3A_374 = arith.addf %add3A_367, %mul3A_373 : vector<16xf32>
        %add3A_375 = arith.addf %add3A_368, %gather3A_371 : vector<16xf32>
        %gather3A_376 = tpu.vector_load_idx %arg10[%add3A_350, %get3A_47] : memref<64x101xf32, #tpu.memory_space<vmem>>[vector<16xi32>, vector<16xi32>], vector<16xf32>,
        %exp3A_377 = math.exp %gather3A_376 : vector<16xf32>
        %gather3A_378 = tpu.vector_load_idx %arg14[%add3A_350, %get3A_115] : memref<64x21xf32, #tpu.memory_space<vmem>>[vector<16xi32>, vector<16xi32>], vector<16xf32>,
        %add3A_379 = arith.addf %add3A_372, %exp3A_377 : vector<16xf32>
        %mul3A_380 = arith.mulf %exp3A_377, %gather3A_378 : vector<16xf32>
        %add3A_381 = arith.addf %add3A_374, %mul3A_380 : vector<16xf32>
        %add3A_382 = arith.addf %add3A_375, %gather3A_378 : vector<16xf32>
        %gather3A_383 = tpu.vector_load_idx %arg10[%add3A_350, %get3A_51] : memref<64x101xf32, #tpu.memory_space<vmem>>[vector<16xi32>, vector<16xi32>], vector<16xf32>,
        %exp3A_384 = math.exp %gather3A_383 : vector<16xf32>
        %gather3A_385 = tpu.vector_load_idx %arg14[%add3A_350, %get3A_119] : memref<64x21xf32, #tpu.memory_space<vmem>>[vector<16xi32>, vector<16xi32>], vector<16xf32>,
        %add3A_386 = arith.addf %add3A_379, %exp3A_384 : vector<16xf32>
        %mul3A_387 = arith.mulf %exp3A_384, %gather3A_385 : vector<16xf32>
        %add3A_388 = arith.addf %add3A_381, %mul3A_387 : vector<16xf32>
        %add3A_389 = arith.addf %add3A_382, %gather3A_385 : vector<16xf32>
        %gather3A_390 = tpu.vector_load_idx %arg10[%add3A_350, %get3A_55] : memref<64x101xf32, #tpu.memory_space<vmem>>[vector<16xi32>, vector<16xi32>], vector<16xf32>,
        %exp3A_391 = math.exp %gather3A_390 : vector<16xf32>
        %gather3A_392 = tpu.vector_load_idx %arg14[%add3A_350, %get3A_123] : memref<64x21xf32, #tpu.memory_space<vmem>>[vector<16xi32>, vector<16xi32>], vector<16xf32>,
        %add3A_393 = arith.addf %add3A_386, %exp3A_391 : vector<16xf32>
        %mul3A_394 = arith.mulf %exp3A_391, %gather3A_392 : vector<16xf32>
        %add3A_395 = arith.addf %add3A_388, %mul3A_394 : vector<16xf32>
        %add3A_396 = arith.addf %add3A_389, %gather3A_392 : vector<16xf32>
        %gather3A_397 = tpu.vector_load_idx %arg10[%add3A_350, %get3A_59] : memref<64x101xf32, #tpu.memory_space<vmem>>[vector<16xi32>, vector<16xi32>], vector<16xf32>,
        %exp3A_398 = math.exp %gather3A_397 : vector<16xf32>
        %gather3A_399 = tpu.vector_load_idx %arg14[%add3A_350, %get3A_127] : memref<64x21xf32, #tpu.memory_space<vmem>>[vector<16xi32>, vector<16xi32>], vector<16xf32>,
        %add3A_400 = arith.addf %add3A_393, %exp3A_398 : vector<16xf32>
        %mul3A_401 = arith.mulf %exp3A_398, %gather3A_399 : vector<16xf32>
        %add3A_402 = arith.addf %add3A_395, %mul3A_401 : vector<16xf32>
        %add3A_403 = arith.addf %add3A_396, %gather3A_399 : vector<16xf32>
        %gather3A_404 = tpu.vector_load_idx %arg10[%add3A_350, %get3A_63] : memref<64x101xf32, #tpu.memory_space<vmem>>[vector<16xi32>, vector<16xi32>], vector<16xf32>,
        %exp3A_405 = math.exp %gather3A_404 : vector<16xf32>
        %gather3A_406 = tpu.vector_load_idx %arg14[%add3A_350, %get3A_131] : memref<64x21xf32, #tpu.memory_space<vmem>>[vector<16xi32>, vector<16xi32>], vector<16xf32>,
        %add3A_407 = arith.addf %add3A_400, %exp3A_405 : vector<16xf32>
        %mul3A_408 = arith.mulf %exp3A_405, %gather3A_406 : vector<16xf32>
        %add3A_409 = arith.addf %add3A_402, %mul3A_408 : vector<16xf32>
        %add3A_410 = arith.addf %add3A_403, %gather3A_406 : vector<16xf32>
        %gather3A_411 = tpu.vector_load_idx %arg10[%add3A_350, %get3A_67] : memref<64x101xf32, #tpu.memory_space<vmem>>[vector<16xi32>, vector<16xi32>], vector<16xf32>,
        %exp3A_412 = math.exp %gather3A_411 : vector<16xf32>
        %gather3A_413 = tpu.vector_load_idx %arg14[%add3A_350, %get3A_135] : memref<64x21xf32, #tpu.memory_space<vmem>>[vector<16xi32>, vector<16xi32>], vector<16xf32>,
        %add3A_414 = arith.addf %add3A_407, %exp3A_412 : vector<16xf32>
        %mul3A_415 = arith.mulf %exp3A_412, %gather3A_413 : vector<16xf32>
        %add3A_416 = arith.addf %add3A_409, %mul3A_415 : vector<16xf32>
        %add3A_417 = arith.addf %add3A_410, %gather3A_413 : vector<16xf32>
        %gather3A_418 = tpu.vector_load_idx %arg10[%add3A_350, %get3A_71] : memref<64x101xf32, #tpu.memory_space<vmem>>[vector<16xi32>, vector<16xi32>], vector<16xf32>,
        %exp3A_419 = math.exp %gather3A_418 : vector<16xf32>
        %gather3A_420 = tpu.vector_load_idx %arg14[%add3A_350, %get3A_139] : memref<64x21xf32, #tpu.memory_space<vmem>>[vector<16xi32>, vector<16xi32>], vector<16xf32>,
        %add3A_421 = arith.addf %add3A_414, %exp3A_419 : vector<16xf32>
        %mul3A_422 = arith.mulf %exp3A_419, %gather3A_420 : vector<16xf32>
        %add3A_423 = arith.addf %add3A_416, %mul3A_422 : vector<16xf32>
        %add3A_424 = arith.addf %add3A_417, %gather3A_420 : vector<16xf32>
        %gather3A_425 = tpu.vector_load_idx %arg10[%add3A_350, %get3A_75] : memref<64x101xf32, #tpu.memory_space<vmem>>[vector<16xi32>, vector<16xi32>], vector<16xf32>,
        %exp3A_426 = math.exp %gather3A_425 : vector<16xf32>
        %gather3A_427 = tpu.vector_load_idx %arg14[%add3A_350, %get3A_143] : memref<64x21xf32, #tpu.memory_space<vmem>>[vector<16xi32>, vector<16xi32>], vector<16xf32>,
        %add3A_428 = arith.addf %add3A_421, %exp3A_426 : vector<16xf32>
        %mul3A_429 = arith.mulf %exp3A_426, %gather3A_427 : vector<16xf32>
        %add3A_430 = arith.addf %add3A_423, %mul3A_429 : vector<16xf32>
        %add3A_431 = arith.addf %add3A_424, %gather3A_427 : vector<16xf32>
        %gather3A_432 = tpu.vector_load_idx %arg10[%add3A_350, %get3A_79] : memref<64x101xf32, #tpu.memory_space<vmem>>[vector<16xi32>, vector<16xi32>], vector<16xf32>,
        %exp3A_433 = math.exp %gather3A_432 : vector<16xf32>
        %gather3A_434 = tpu.vector_load_idx %arg14[%add3A_350, %get3A_147] : memref<64x21xf32, #tpu.memory_space<vmem>>[vector<16xi32>, vector<16xi32>], vector<16xf32>,
        %add3A_435 = arith.addf %add3A_428, %exp3A_433 : vector<16xf32>
        %mul3A_436 = arith.mulf %exp3A_433, %gather3A_434 : vector<16xf32>
        %add3A_437 = arith.addf %add3A_430, %mul3A_436 : vector<16xf32>
        %add3A_438 = arith.addf %add3A_431, %gather3A_434 : vector<16xf32>
        %gather3A_439 = tpu.vector_load_idx %arg10[%add3A_350, %get3A_83] : memref<64x101xf32, #tpu.memory_space<vmem>>[vector<16xi32>, vector<16xi32>], vector<16xf32>,
        %exp3A_440 = math.exp %gather3A_439 : vector<16xf32>
        %gather3A_441 = tpu.vector_load_idx %arg14[%add3A_350, %get3A_151] : memref<64x21xf32, #tpu.memory_space<vmem>>[vector<16xi32>, vector<16xi32>], vector<16xf32>,
        %add3A_442 = arith.addf %add3A_435, %exp3A_440 : vector<16xf32>
        %mul3A_443 = arith.mulf %exp3A_440, %gather3A_441 : vector<16xf32>
        %add3A_444 = arith.addf %add3A_437, %mul3A_443 : vector<16xf32>
        %add3A_445 = arith.addf %add3A_438, %gather3A_441 : vector<16xf32>
        %gather3A_446 = tpu.vector_load_idx %arg10[%add3A_350, %get3A_87] : memref<64x101xf32, #tpu.memory_space<vmem>>[vector<16xi32>, vector<16xi32>], vector<16xf32>,
        %exp3A_447 = math.exp %gather3A_446 : vector<16xf32>
        %gather3A_448 = tpu.vector_load_idx %arg14[%add3A_350, %get3A_155] : memref<64x21xf32, #tpu.memory_space<vmem>>[vector<16xi32>, vector<16xi32>], vector<16xf32>,
        %add3A_449 = arith.addf %add3A_442, %exp3A_447 : vector<16xf32>
        %mul3A_450 = arith.mulf %exp3A_447, %gather3A_448 : vector<16xf32>
        %add3A_451 = arith.addf %add3A_444, %mul3A_450 : vector<16xf32>
        %add3A_452 = arith.addf %add3A_445, %gather3A_448 : vector<16xf32>
        %gather3A_453 = tpu.vector_load_idx %arg10[%add3A_350, %get3A_91] : memref<64x101xf32, #tpu.memory_space<vmem>>[vector<16xi32>, vector<16xi32>], vector<16xf32>,
        %exp3A_454 = math.exp %gather3A_453 : vector<16xf32>
        %gather3A_455 = tpu.vector_load_idx %arg14[%add3A_350, %get3A_159] : memref<64x21xf32, #tpu.memory_space<vmem>>[vector<16xi32>, vector<16xi32>], vector<16xf32>,
        %add3A_456 = arith.addf %add3A_449, %exp3A_454 : vector<16xf32>
        %mul3A_457 = arith.mulf %exp3A_454, %gather3A_455 : vector<16xf32>
        %add3A_458 = arith.addf %add3A_451, %mul3A_457 : vector<16xf32>
        %add3A_459 = arith.addf %add3A_452, %gather3A_455 : vector<16xf32>
        %gather3A_460 = tpu.vector_load_idx %arg10[%add3A_350, %get3A_95] : memref<64x101xf32, #tpu.memory_space<vmem>>[vector<16xi32>, vector<16xi32>], vector<16xf32>,
        %exp3A_461 = math.exp %gather3A_460 : vector<16xf32>
        %gather3A_462 = tpu.vector_load_idx %arg14[%add3A_350, %get3A_163] : memref<64x21xf32, #tpu.memory_space<vmem>>[vector<16xi32>, vector<16xi32>], vector<16xf32>,
        %add3A_463 = arith.addf %add3A_456, %exp3A_461 : vector<16xf32>
        %mul3A_464 = arith.mulf %exp3A_461, %gather3A_462 : vector<16xf32>
        %add3A_465 = arith.addf %add3A_458, %mul3A_464 : vector<16xf32>
        %add3A_466 = arith.addf %add3A_459, %gather3A_462 : vector<16xf32>
        %gather3A_467 = tpu.vector_load_idx %arg10[%add3A_350, %get3A_99] : memref<64x101xf32, #tpu.memory_space<vmem>>[vector<16xi32>, vector<16xi32>], vector<16xf32>,
        %exp3A_468 = math.exp %gather3A_467 : vector<16xf32>
        %gather3A_469 = tpu.vector_load_idx %arg14[%add3A_350, %get3A_167] : memref<64x21xf32, #tpu.memory_space<vmem>>[vector<16xi32>, vector<16xi32>], vector<16xf32>,
        %add3A_470 = arith.addf %add3A_463, %exp3A_468 : vector<16xf32>
        %mul3A_471 = arith.mulf %exp3A_468, %gather3A_469 : vector<16xf32>
        %add3A_472 = arith.addf %add3A_465, %mul3A_471 : vector<16xf32>
        %add3A_473 = arith.addf %add3A_466, %gather3A_469 : vector<16xf32>
        %div3A_474 = arith.divf %add3A_472, %add3A_470 : vector<16xf32>
        %add3A_475 = arith.addf %scan3A_345, %div3A_474 : vector<16xf32>
        %add3A_476 = arith.addf %scan3A_346, %add3A_473 : vector<16xf32>
        scf.yield %add3A_475, %add3A_476 : vector<16xf32>, vector<16xf32>
      }
      %scan3A_284 = arith.constant 4 : i32
      %lt3A_285 = arith.constant 31 : i32
      %lt3A_286 = arith.cmpi slt, %scan3A_236, %lt3A_285 : i32
      %convert_element_type3A_287 = arith.extui %lt3A_286 : i1 to i32
      %cond3A_288 = arith.constant 0 : i32
      %cond3A_289 = arith.cmpi ne, %convert_element_type3A_287, %cond3A_288 : i32
      scf.if %cond3A_289 {
        %mul3A_344 = arith.constant 4 : i32
        %mul3A_345 = arith.muli %mul3A_344, %scan3A_236 : i32
        %add3A_346 = arith.constant 1 : i32
        %add3A_347 = arith.addi %mul3A_345, %add3A_346 : i32
        %add3A_348 = arith.constant 4 : i32
        %add3A_349 = arith.addi %add3A_347, %add3A_348 : i32
        %mul3A_350 = arith.constant 64 : i32
        %mul3A_351 = arith.muli %add3A_349, %mul3A_350 : i32
        %add3A_352 = arith.addi %mul3A_32, %mul3A_351 : i32
        %dma_start3A_353 = arith.constant 0 : i32
        %dma_start3A_354 = tpu.memref_slice %arg2[%select_n3A, %add3A_352, %dma_start3A_353] : memref<4x65536x101xf32, #tpu.memory_space<hbm>> -> memref<1x64x101xf32, #tpu.memory_space<hbm>>
        %dma_start3A_355 = tpu.memref_squeeze %dma_start3A_354 : memref<1x64x101xf32, #tpu.memory_space<hbm>> -> memref<64x101xf32, #tpu.memory_space<hbm>>
        %dma_start3A_356 = arith.constant 0 : i32
        %dma_start3A_357 = tpu.memref_slice %arg2[%select_n3A, %add3A_352, %dma_start3A_356] : memref<4x65536x101xf32, #tpu.memory_space<hbm>> -> memref<1x64x101xf32, #tpu.memory_space<hbm>>
        %dma_start3A_358 = tpu.memref_squeeze %dma_start3A_357 : memref<1x64x101xf32, #tpu.memory_space<hbm>> -> memref<64x101xf32, #tpu.memory_space<hbm>>
        tpu.enqueue_dma source(%dma_start3A_358 : memref<64x101xf32, #tpu.memory_space<hbm>>) target(%arg10 : memref<64x101xf32, #tpu.memory_space<vmem>>) target_semaphore(%arg19 : memref<!tpu.dma_semaphore, #tpu.memory_space<semaphore_mem>>)
        %dma_start3A_359 = arith.constant 0 : i32
        %dma_start3A_360 = tpu.memref_slice %arg3[%select_n3A, %add3A_352, %dma_start3A_359] : memref<4x65536x21xf32, #tpu.memory_space<hbm>> -> memref<1x64x21xf32, #tpu.memory_space<hbm>>
        %dma_start3A_361 = tpu.memref_squeeze %dma_start3A_360 : memref<1x64x21xf32, #tpu.memory_space<hbm>> -> memref<64x21xf32, #tpu.memory_space<hbm>>
        %dma_start3A_362 = arith.constant 0 : i32
        %dma_start3A_363 = tpu.memref_slice %arg3[%select_n3A, %add3A_352, %dma_start3A_362] : memref<4x65536x21xf32, #tpu.memory_space<hbm>> -> memref<1x64x21xf32, #tpu.memory_space<hbm>>
        %dma_start3A_364 = tpu.memref_squeeze %dma_start3A_363 : memref<1x64x21xf32, #tpu.memory_space<hbm>> -> memref<64x21xf32, #tpu.memory_space<hbm>>
        tpu.enqueue_dma source(%dma_start3A_364 : memref<64x21xf32, #tpu.memory_space<hbm>>) target(%arg14 : memref<64x21xf32, #tpu.memory_space<vmem>>) target_semaphore(%arg23 : memref<!tpu.dma_semaphore, #tpu.memory_space<semaphore_mem>>)
      } else {
      }
      %dma_wait3A_290 = arith.constant 0 : i32
      %dma_wait3A_291 = arith.constant 0 : i32
      %dma_wait3A_292 = tpu.memref_slice %arg2[%select_n3A, %dma_wait3A_290, %dma_wait3A_291] : memref<4x65536x101xf32, #tpu.memory_space<hbm>> -> memref<1x64x101xf32, #tpu.memory_space<hbm>>
      %dma_wait3A_293 = tpu.memref_squeeze %dma_wait3A_292 : memref<1x64x101xf32, #tpu.memory_space<hbm>> -> memref<64x101xf32, #tpu.memory_space<hbm>>
      %dma_wait3A_294 = arith.constant 0 : i32
      %dma_wait3A_295 = arith.constant 0 : i32
      %dma_wait3A_296 = tpu.memref_slice %arg2[%select_n3A, %dma_wait3A_294, %dma_wait3A_295] : memref<4x65536x101xf32, #tpu.memory_space<hbm>> -> memref<1x64x101xf32, #tpu.memory_space<hbm>>
      %dma_wait3A_297 = tpu.memref_squeeze %dma_wait3A_296 : memref<1x64x101xf32, #tpu.memory_space<hbm>> -> memref<64x101xf32, #tpu.memory_space<hbm>>
      tpu.wait_dma2 semaphore(%arg20 : memref<!tpu.dma_semaphore, #tpu.memory_space<semaphore_mem>>) src(%dma_wait3A_297 : memref<64x101xf32, #tpu.memory_space<hbm>>) dst(%arg11 : memref<64x101xf32, #tpu.memory_space<vmem>>)
      %dma_wait3A_298 = arith.constant 0 : i32
      %dma_wait3A_299 = arith.constant 0 : i32
      %dma_wait3A_300 = tpu.memref_slice %arg3[%select_n3A, %dma_wait3A_298, %dma_wait3A_299] : memref<4x65536x21xf32, #tpu.memory_space<hbm>> -> memref<1x64x21xf32, #tpu.memory_space<hbm>>
      %dma_wait3A_301 = tpu.memref_squeeze %dma_wait3A_300 : memref<1x64x21xf32, #tpu.memory_space<hbm>> -> memref<64x21xf32, #tpu.memory_space<hbm>>
      %dma_wait3A_302 = arith.constant 0 : i32
      %dma_wait3A_303 = arith.constant 0 : i32
      %dma_wait3A_304 = tpu.memref_slice %arg3[%select_n3A, %dma_wait3A_302, %dma_wait3A_303] : memref<4x65536x21xf32, #tpu.memory_space<hbm>> -> memref<1x64x21xf32, #tpu.memory_space<hbm>>
      %dma_wait3A_305 = tpu.memref_squeeze %dma_wait3A_304 : memref<1x64x21xf32, #tpu.memory_space<hbm>> -> memref<64x21xf32, #tpu.memory_space<hbm>>
      tpu.wait_dma2 semaphore(%arg24 : memref<!tpu.dma_semaphore, #tpu.memory_space<semaphore_mem>>) src(%dma_wait3A_305 : memref<64x21xf32, #tpu.memory_space<hbm>>) dst(%arg15 : memref<64x21xf32, #tpu.memory_space<vmem>>)
      %scan3A_306 = arith.constant 0 : i32
      %scan3A_307 = arith.constant 4 : i32
      %scan3A_308 = arith.addi %scan3A_306, %scan3A_307 : i32
      %scan3A_309 = arith.constant 1 : i32
      %scan3A_310:2 = scf.for %scan3A_344 = %scan3A_306 to %scan3A_308 step %scan3A_309 iter_args(%scan3A_345 = %scan3A_283#0, %scan3A_346 = %scan3A_283#1) -> (vector<16xf32>, vector<16xf32>)  : i32 {
        %mul3A_347 = arith.constant 16 : i32
        %mul3A_348 = arith.muli %scan3A_344, %mul3A_347 : i32
        %add3A_349 = vector.broadcast %mul3A_348 : i32 to vector<16xi32>
        %add3A_350 = arith.addi %add3A_349, %iota3A : vector<16xi32>
        %broadcast_in_dim3A_351 = arith.constant 0.000000e+00 : f32
        %broadcast_in_dim3A_352 = vector.broadcast %broadcast_in_dim3A_351 : f32 to vector<16xf32>
        %broadcast_in_dim3A_353 = arith.constant 0.000000e+00 : f32
        %broadcast_in_dim3A_354 = vector.broadcast %broadcast_in_dim3A_353 : f32 to vector<16xf32>
        %broadcast_in_dim3A_355 = arith.constant 0.000000e+00 : f32
        %broadcast_in_dim3A_356 = vector.broadcast %broadcast_in_dim3A_355 : f32 to vector<16xf32>
        %gather3A = tpu.vector_load_idx %arg11[%add3A_350, %get3A_35] : memref<64x101xf32, #tpu.memory_space<vmem>>[vector<16xi32>, vector<16xi32>], vector<16xf32>,
        %exp3A = math.exp %gather3A : vector<16xf32>
        %gather3A_357 = tpu.vector_load_idx %arg15[%add3A_350, %get3A_103] : memref<64x21xf32, #tpu.memory_space<vmem>>[vector<16xi32>, vector<16xi32>], vector<16xf32>,
        %add3A_358 = arith.addf %broadcast_in_dim3A_352, %exp3A : vector<16xf32>
        %mul3A_359 = arith.mulf %exp3A, %gather3A_357 : vector<16xf32>
        %add3A_360 = arith.addf %broadcast_in_dim3A_354, %mul3A_359 : vector<16xf32>
        %add3A_361 = arith.addf %broadcast_in_dim3A_356, %gather3A_357 : vector<16xf32>
        %gather3A_362 = tpu.vector_load_idx %arg11[%add3A_350, %get3A_39] : memref<64x101xf32, #tpu.memory_space<vmem>>[vector<16xi32>, vector<16xi32>], vector<16xf32>,
        %exp3A_363 = math.exp %gather3A_362 : vector<16xf32>
        %gather3A_364 = tpu.vector_load_idx %arg15[%add3A_350, %get3A_107] : memref<64x21xf32, #tpu.memory_space<vmem>>[vector<16xi32>, vector<16xi32>], vector<16xf32>,
        %add3A_365 = arith.addf %add3A_358, %exp3A_363 : vector<16xf32>
        %mul3A_366 = arith.mulf %exp3A_363, %gather3A_364 : vector<16xf32>
        %add3A_367 = arith.addf %add3A_360, %mul3A_366 : vector<16xf32>
        %add3A_368 = arith.addf %add3A_361, %gather3A_364 : vector<16xf32>
        %gather3A_369 = tpu.vector_load_idx %arg11[%add3A_350, %get3A_43] : memref<64x101xf32, #tpu.memory_space<vmem>>[vector<16xi32>, vector<16xi32>], vector<16xf32>,
        %exp3A_370 = math.exp %gather3A_369 : vector<16xf32>
        %gather3A_371 = tpu.vector_load_idx %arg15[%add3A_350, %get3A_111] : memref<64x21xf32, #tpu.memory_space<vmem>>[vector<16xi32>, vector<16xi32>], vector<16xf32>,
        %add3A_372 = arith.addf %add3A_365, %exp3A_370 : vector<16xf32>
        %mul3A_373 = arith.mulf %exp3A_370, %gather3A_371 : vector<16xf32>
        %add3A_374 = arith.addf %add3A_367, %mul3A_373 : vector<16xf32>
        %add3A_375 = arith.addf %add3A_368, %gather3A_371 : vector<16xf32>
        %gather3A_376 = tpu.vector_load_idx %arg11[%add3A_350, %get3A_47] : memref<64x101xf32, #tpu.memory_space<vmem>>[vector<16xi32>, vector<16xi32>], vector<16xf32>,
        %exp3A_377 = math.exp %gather3A_376 : vector<16xf32>
        %gather3A_378 = tpu.vector_load_idx %arg15[%add3A_350, %get3A_115] : memref<64x21xf32, #tpu.memory_space<vmem>>[vector<16xi32>, vector<16xi32>], vector<16xf32>,
        %add3A_379 = arith.addf %add3A_372, %exp3A_377 : vector<16xf32>
        %mul3A_380 = arith.mulf %exp3A_377, %gather3A_378 : vector<16xf32>
        %add3A_381 = arith.addf %add3A_374, %mul3A_380 : vector<16xf32>
        %add3A_382 = arith.addf %add3A_375, %gather3A_378 : vector<16xf32>
        %gather3A_383 = tpu.vector_load_idx %arg11[%add3A_350, %get3A_51] : memref<64x101xf32, #tpu.memory_space<vmem>>[vector<16xi32>, vector<16xi32>], vector<16xf32>,
        %exp3A_384 = math.exp %gather3A_383 : vector<16xf32>
        %gather3A_385 = tpu.vector_load_idx %arg15[%add3A_350, %get3A_119] : memref<64x21xf32, #tpu.memory_space<vmem>>[vector<16xi32>, vector<16xi32>], vector<16xf32>,
        %add3A_386 = arith.addf %add3A_379, %exp3A_384 : vector<16xf32>
        %mul3A_387 = arith.mulf %exp3A_384, %gather3A_385 : vector<16xf32>
        %add3A_388 = arith.addf %add3A_381, %mul3A_387 : vector<16xf32>
        %add3A_389 = arith.addf %add3A_382, %gather3A_385 : vector<16xf32>
        %gather3A_390 = tpu.vector_load_idx %arg11[%add3A_350, %get3A_55] : memref<64x101xf32, #tpu.memory_space<vmem>>[vector<16xi32>, vector<16xi32>], vector<16xf32>,
        %exp3A_391 = math.exp %gather3A_390 : vector<16xf32>
        %gather3A_392 = tpu.vector_load_idx %arg15[%add3A_350, %get3A_123] : memref<64x21xf32, #tpu.memory_space<vmem>>[vector<16xi32>, vector<16xi32>], vector<16xf32>,
        %add3A_393 = arith.addf %add3A_386, %exp3A_391 : vector<16xf32>
        %mul3A_394 = arith.mulf %exp3A_391, %gather3A_392 : vector<16xf32>
        %add3A_395 = arith.addf %add3A_388, %mul3A_394 : vector<16xf32>
        %add3A_396 = arith.addf %add3A_389, %gather3A_392 : vector<16xf32>
        %gather3A_397 = tpu.vector_load_idx %arg11[%add3A_350, %get3A_59] : memref<64x101xf32, #tpu.memory_space<vmem>>[vector<16xi32>, vector<16xi32>], vector<16xf32>,
        %exp3A_398 = math.exp %gather3A_397 : vector<16xf32>
        %gather3A_399 = tpu.vector_load_idx %arg15[%add3A_350, %get3A_127] : memref<64x21xf32, #tpu.memory_space<vmem>>[vector<16xi32>, vector<16xi32>], vector<16xf32>,
        %add3A_400 = arith.addf %add3A_393, %exp3A_398 : vector<16xf32>
        %mul3A_401 = arith.mulf %exp3A_398, %gather3A_399 : vector<16xf32>
        %add3A_402 = arith.addf %add3A_395, %mul3A_401 : vector<16xf32>
        %add3A_403 = arith.addf %add3A_396, %gather3A_399 : vector<16xf32>
        %gather3A_404 = tpu.vector_load_idx %arg11[%add3A_350, %get3A_63] : memref<64x101xf32, #tpu.memory_space<vmem>>[vector<16xi32>, vector<16xi32>], vector<16xf32>,
        %exp3A_405 = math.exp %gather3A_404 : vector<16xf32>
        %gather3A_406 = tpu.vector_load_idx %arg15[%add3A_350, %get3A_131] : memref<64x21xf32, #tpu.memory_space<vmem>>[vector<16xi32>, vector<16xi32>], vector<16xf32>,
        %add3A_407 = arith.addf %add3A_400, %exp3A_405 : vector<16xf32>
        %mul3A_408 = arith.mulf %exp3A_405, %gather3A_406 : vector<16xf32>
        %add3A_409 = arith.addf %add3A_402, %mul3A_408 : vector<16xf32>
        %add3A_410 = arith.addf %add3A_403, %gather3A_406 : vector<16xf32>
        %gather3A_411 = tpu.vector_load_idx %arg11[%add3A_350, %get3A_67] : memref<64x101xf32, #tpu.memory_space<vmem>>[vector<16xi32>, vector<16xi32>], vector<16xf32>,
        %exp3A_412 = math.exp %gather3A_411 : vector<16xf32>
        %gather3A_413 = tpu.vector_load_idx %arg15[%add3A_350, %get3A_135] : memref<64x21xf32, #tpu.memory_space<vmem>>[vector<16xi32>, vector<16xi32>], vector<16xf32>,
        %add3A_414 = arith.addf %add3A_407, %exp3A_412 : vector<16xf32>
        %mul3A_415 = arith.mulf %exp3A_412, %gather3A_413 : vector<16xf32>
        %add3A_416 = arith.addf %add3A_409, %mul3A_415 : vector<16xf32>
        %add3A_417 = arith.addf %add3A_410, %gather3A_413 : vector<16xf32>
        %gather3A_418 = tpu.vector_load_idx %arg11[%add3A_350, %get3A_71] : memref<64x101xf32, #tpu.memory_space<vmem>>[vector<16xi32>, vector<16xi32>], vector<16xf32>,
        %exp3A_419 = math.exp %gather3A_418 : vector<16xf32>
        %gather3A_420 = tpu.vector_load_idx %arg15[%add3A_350, %get3A_139] : memref<64x21xf32, #tpu.memory_space<vmem>>[vector<16xi32>, vector<16xi32>], vector<16xf32>,
        %add3A_421 = arith.addf %add3A_414, %exp3A_419 : vector<16xf32>
        %mul3A_422 = arith.mulf %exp3A_419, %gather3A_420 : vector<16xf32>
        %add3A_423 = arith.addf %add3A_416, %mul3A_422 : vector<16xf32>
        %add3A_424 = arith.addf %add3A_417, %gather3A_420 : vector<16xf32>
        %gather3A_425 = tpu.vector_load_idx %arg11[%add3A_350, %get3A_75] : memref<64x101xf32, #tpu.memory_space<vmem>>[vector<16xi32>, vector<16xi32>], vector<16xf32>,
        %exp3A_426 = math.exp %gather3A_425 : vector<16xf32>
        %gather3A_427 = tpu.vector_load_idx %arg15[%add3A_350, %get3A_143] : memref<64x21xf32, #tpu.memory_space<vmem>>[vector<16xi32>, vector<16xi32>], vector<16xf32>,
        %add3A_428 = arith.addf %add3A_421, %exp3A_426 : vector<16xf32>
        %mul3A_429 = arith.mulf %exp3A_426, %gather3A_427 : vector<16xf32>
        %add3A_430 = arith.addf %add3A_423, %mul3A_429 : vector<16xf32>
        %add3A_431 = arith.addf %add3A_424, %gather3A_427 : vector<16xf32>
        %gather3A_432 = tpu.vector_load_idx %arg11[%add3A_350, %get3A_79] : memref<64x101xf32, #tpu.memory_space<vmem>>[vector<16xi32>, vector<16xi32>], vector<16xf32>,
        %exp3A_433 = math.exp %gather3A_432 : vector<16xf32>
        %gather3A_434 = tpu.vector_load_idx %arg15[%add3A_350, %get3A_147] : memref<64x21xf32, #tpu.memory_space<vmem>>[vector<16xi32>, vector<16xi32>], vector<16xf32>,
        %add3A_435 = arith.addf %add3A_428, %exp3A_433 : vector<16xf32>
        %mul3A_436 = arith.mulf %exp3A_433, %gather3A_434 : vector<16xf32>
        %add3A_437 = arith.addf %add3A_430, %mul3A_436 : vector<16xf32>
        %add3A_438 = arith.addf %add3A_431, %gather3A_434 : vector<16xf32>
        %gather3A_439 = tpu.vector_load_idx %arg11[%add3A_350, %get3A_83] : memref<64x101xf32, #tpu.memory_space<vmem>>[vector<16xi32>, vector<16xi32>], vector<16xf32>,
        %exp3A_440 = math.exp %gather3A_439 : vector<16xf32>
        %gather3A_441 = tpu.vector_load_idx %arg15[%add3A_350, %get3A_151] : memref<64x21xf32, #tpu.memory_space<vmem>>[vector<16xi32>, vector<16xi32>], vector<16xf32>,
        %add3A_442 = arith.addf %add3A_435, %exp3A_440 : vector<16xf32>
        %mul3A_443 = arith.mulf %exp3A_440, %gather3A_441 : vector<16xf32>
        %add3A_444 = arith.addf %add3A_437, %mul3A_443 : vector<16xf32>
        %add3A_445 = arith.addf %add3A_438, %gather3A_441 : vector<16xf32>
        %gather3A_446 = tpu.vector_load_idx %arg11[%add3A_350, %get3A_87] : memref<64x101xf32, #tpu.memory_space<vmem>>[vector<16xi32>, vector<16xi32>], vector<16xf32>,
        %exp3A_447 = math.exp %gather3A_446 : vector<16xf32>
        %gather3A_448 = tpu.vector_load_idx %arg15[%add3A_350, %get3A_155] : memref<64x21xf32, #tpu.memory_space<vmem>>[vector<16xi32>, vector<16xi32>], vector<16xf32>,
        %add3A_449 = arith.addf %add3A_442, %exp3A_447 : vector<16xf32>
        %mul3A_450 = arith.mulf %exp3A_447, %gather3A_448 : vector<16xf32>
        %add3A_451 = arith.addf %add3A_444, %mul3A_450 : vector<16xf32>
        %add3A_452 = arith.addf %add3A_445, %gather3A_448 : vector<16xf32>
        %gather3A_453 = tpu.vector_load_idx %arg11[%add3A_350, %get3A_91] : memref<64x101xf32, #tpu.memory_space<vmem>>[vector<16xi32>, vector<16xi32>], vector<16xf32>,
        %exp3A_454 = math.exp %gather3A_453 : vector<16xf32>
        %gather3A_455 = tpu.vector_load_idx %arg15[%add3A_350, %get3A_159] : memref<64x21xf32, #tpu.memory_space<vmem>>[vector<16xi32>, vector<16xi32>], vector<16xf32>,
        %add3A_456 = arith.addf %add3A_449, %exp3A_454 : vector<16xf32>
        %mul3A_457 = arith.mulf %exp3A_454, %gather3A_455 : vector<16xf32>
        %add3A_458 = arith.addf %add3A_451, %mul3A_457 : vector<16xf32>
        %add3A_459 = arith.addf %add3A_452, %gather3A_455 : vector<16xf32>
        %gather3A_460 = tpu.vector_load_idx %arg11[%add3A_350, %get3A_95] : memref<64x101xf32, #tpu.memory_space<vmem>>[vector<16xi32>, vector<16xi32>], vector<16xf32>,
        %exp3A_461 = math.exp %gather3A_460 : vector<16xf32>
        %gather3A_462 = tpu.vector_load_idx %arg15[%add3A_350, %get3A_163] : memref<64x21xf32, #tpu.memory_space<vmem>>[vector<16xi32>, vector<16xi32>], vector<16xf32>,
        %add3A_463 = arith.addf %add3A_456, %exp3A_461 : vector<16xf32>
        %mul3A_464 = arith.mulf %exp3A_461, %gather3A_462 : vector<16xf32>
        %add3A_465 = arith.addf %add3A_458, %mul3A_464 : vector<16xf32>
        %add3A_466 = arith.addf %add3A_459, %gather3A_462 : vector<16xf32>
        %gather3A_467 = tpu.vector_load_idx %arg11[%add3A_350, %get3A_99] : memref<64x101xf32, #tpu.memory_space<vmem>>[vector<16xi32>, vector<16xi32>], vector<16xf32>,
        %exp3A_468 = math.exp %gather3A_467 : vector<16xf32>
        %gather3A_469 = tpu.vector_load_idx %arg15[%add3A_350, %get3A_167] : memref<64x21xf32, #tpu.memory_space<vmem>>[vector<16xi32>, vector<16xi32>], vector<16xf32>,
        %add3A_470 = arith.addf %add3A_463, %exp3A_468 : vector<16xf32>
        %mul3A_471 = arith.mulf %exp3A_468, %gather3A_469 : vector<16xf32>
        %add3A_472 = arith.addf %add3A_465, %mul3A_471 : vector<16xf32>
        %add3A_473 = arith.addf %add3A_466, %gather3A_469 : vector<16xf32>
        %div3A_474 = arith.divf %add3A_472, %add3A_470 : vector<16xf32>
        %add3A_475 = arith.addf %scan3A_345, %div3A_474 : vector<16xf32>
        %add3A_476 = arith.addf %scan3A_346, %add3A_473 : vector<16xf32>
        scf.yield %add3A_475, %add3A_476 : vector<16xf32>, vector<16xf32>
      }
      %scan3A_311 = arith.constant 4 : i32
      %lt3A_312 = arith.constant 31 : i32
      %lt3A_313 = arith.cmpi slt, %scan3A_236, %lt3A_312 : i32
      %convert_element_type3A_314 = arith.extui %lt3A_313 : i1 to i32
      %cond3A_315 = arith.constant 0 : i32
      %cond3A_316 = arith.cmpi ne, %convert_element_type3A_314, %cond3A_315 : i32
      scf.if %cond3A_316 {
        %mul3A_344 = arith.constant 4 : i32
        %mul3A_345 = arith.muli %mul3A_344, %scan3A_236 : i32
        %add3A_346 = arith.constant 2 : i32
        %add3A_347 = arith.addi %mul3A_345, %add3A_346 : i32
        %add3A_348 = arith.constant 4 : i32
        %add3A_349 = arith.addi %add3A_347, %add3A_348 : i32
        %mul3A_350 = arith.constant 64 : i32
        %mul3A_351 = arith.muli %add3A_349, %mul3A_350 : i32
        %add3A_352 = arith.addi %mul3A_32, %mul3A_351 : i32
        %dma_start3A_353 = arith.constant 0 : i32
        %dma_start3A_354 = tpu.memref_slice %arg2[%select_n3A, %add3A_352, %dma_start3A_353] : memref<4x65536x101xf32, #tpu.memory_space<hbm>> -> memref<1x64x101xf32, #tpu.memory_space<hbm>>
        %dma_start3A_355 = tpu.memref_squeeze %dma_start3A_354 : memref<1x64x101xf32, #tpu.memory_space<hbm>> -> memref<64x101xf32, #tpu.memory_space<hbm>>
        %dma_start3A_356 = arith.constant 0 : i32
        %dma_start3A_357 = tpu.memref_slice %arg2[%select_n3A, %add3A_352, %dma_start3A_356] : memref<4x65536x101xf32, #tpu.memory_space<hbm>> -> memref<1x64x101xf32, #tpu.memory_space<hbm>>
        %dma_start3A_358 = tpu.memref_squeeze %dma_start3A_357 : memref<1x64x101xf32, #tpu.memory_space<hbm>> -> memref<64x101xf32, #tpu.memory_space<hbm>>
        tpu.enqueue_dma source(%dma_start3A_358 : memref<64x101xf32, #tpu.memory_space<hbm>>) target(%arg11 : memref<64x101xf32, #tpu.memory_space<vmem>>) target_semaphore(%arg20 : memref<!tpu.dma_semaphore, #tpu.memory_space<semaphore_mem>>)
        %dma_start3A_359 = arith.constant 0 : i32
        %dma_start3A_360 = tpu.memref_slice %arg3[%select_n3A, %add3A_352, %dma_start3A_359] : memref<4x65536x21xf32, #tpu.memory_space<hbm>> -> memref<1x64x21xf32, #tpu.memory_space<hbm>>
        %dma_start3A_361 = tpu.memref_squeeze %dma_start3A_360 : memref<1x64x21xf32, #tpu.memory_space<hbm>> -> memref<64x21xf32, #tpu.memory_space<hbm>>
        %dma_start3A_362 = arith.constant 0 : i32
        %dma_start3A_363 = tpu.memref_slice %arg3[%select_n3A, %add3A_352, %dma_start3A_362] : memref<4x65536x21xf32, #tpu.memory_space<hbm>> -> memref<1x64x21xf32, #tpu.memory_space<hbm>>
        %dma_start3A_364 = tpu.memref_squeeze %dma_start3A_363 : memref<1x64x21xf32, #tpu.memory_space<hbm>> -> memref<64x21xf32, #tpu.memory_space<hbm>>
        tpu.enqueue_dma source(%dma_start3A_364 : memref<64x21xf32, #tpu.memory_space<hbm>>) target(%arg15 : memref<64x21xf32, #tpu.memory_space<vmem>>) target_semaphore(%arg24 : memref<!tpu.dma_semaphore, #tpu.memory_space<semaphore_mem>>)
      } else {
      }
      %dma_wait3A_317 = arith.constant 0 : i32
      %dma_wait3A_318 = arith.constant 0 : i32
      %dma_wait3A_319 = tpu.memref_slice %arg2[%select_n3A, %dma_wait3A_317, %dma_wait3A_318] : memref<4x65536x101xf32, #tpu.memory_space<hbm>> -> memref<1x64x101xf32, #tpu.memory_space<hbm>>
      %dma_wait3A_320 = tpu.memref_squeeze %dma_wait3A_319 : memref<1x64x101xf32, #tpu.memory_space<hbm>> -> memref<64x101xf32, #tpu.memory_space<hbm>>
      %dma_wait3A_321 = arith.constant 0 : i32
      %dma_wait3A_322 = arith.constant 0 : i32
      %dma_wait3A_323 = tpu.memref_slice %arg2[%select_n3A, %dma_wait3A_321, %dma_wait3A_322] : memref<4x65536x101xf32, #tpu.memory_space<hbm>> -> memref<1x64x101xf32, #tpu.memory_space<hbm>>
      %dma_wait3A_324 = tpu.memref_squeeze %dma_wait3A_323 : memref<1x64x101xf32, #tpu.memory_space<hbm>> -> memref<64x101xf32, #tpu.memory_space<hbm>>
      tpu.wait_dma2 semaphore(%arg21 : memref<!tpu.dma_semaphore, #tpu.memory_space<semaphore_mem>>) src(%dma_wait3A_324 : memref<64x101xf32, #tpu.memory_space<hbm>>) dst(%arg12 : memref<64x101xf32, #tpu.memory_space<vmem>>)
      %dma_wait3A_325 = arith.constant 0 : i32
      %dma_wait3A_326 = arith.constant 0 : i32
      %dma_wait3A_327 = tpu.memref_slice %arg3[%select_n3A, %dma_wait3A_325, %dma_wait3A_326] : memref<4x65536x21xf32, #tpu.memory_space<hbm>> -> memref<1x64x21xf32, #tpu.memory_space<hbm>>
      %dma_wait3A_328 = tpu.memref_squeeze %dma_wait3A_327 : memref<1x64x21xf32, #tpu.memory_space<hbm>> -> memref<64x21xf32, #tpu.memory_space<hbm>>
      %dma_wait3A_329 = arith.constant 0 : i32
      %dma_wait3A_330 = arith.constant 0 : i32
      %dma_wait3A_331 = tpu.memref_slice %arg3[%select_n3A, %dma_wait3A_329, %dma_wait3A_330] : memref<4x65536x21xf32, #tpu.memory_space<hbm>> -> memref<1x64x21xf32, #tpu.memory_space<hbm>>
      %dma_wait3A_332 = tpu.memref_squeeze %dma_wait3A_331 : memref<1x64x21xf32, #tpu.memory_space<hbm>> -> memref<64x21xf32, #tpu.memory_space<hbm>>
      tpu.wait_dma2 semaphore(%arg25 : memref<!tpu.dma_semaphore, #tpu.memory_space<semaphore_mem>>) src(%dma_wait3A_332 : memref<64x21xf32, #tpu.memory_space<hbm>>) dst(%arg16 : memref<64x21xf32, #tpu.memory_space<vmem>>)
      %scan3A_333 = arith.constant 0 : i32
      %scan3A_334 = arith.constant 4 : i32
      %scan3A_335 = arith.addi %scan3A_333, %scan3A_334 : i32
      %scan3A_336 = arith.constant 1 : i32
      %scan3A_337:2 = scf.for %scan3A_344 = %scan3A_333 to %scan3A_335 step %scan3A_336 iter_args(%scan3A_345 = %scan3A_310#0, %scan3A_346 = %scan3A_310#1) -> (vector<16xf32>, vector<16xf32>)  : i32 {
        %mul3A_347 = arith.constant 16 : i32
        %mul3A_348 = arith.muli %scan3A_344, %mul3A_347 : i32
        %add3A_349 = vector.broadcast %mul3A_348 : i32 to vector<16xi32>
        %add3A_350 = arith.addi %add3A_349, %iota3A : vector<16xi32>
        %broadcast_in_dim3A_351 = arith.constant 0.000000e+00 : f32
        %broadcast_in_dim3A_352 = vector.broadcast %broadcast_in_dim3A_351 : f32 to vector<16xf32>
        %broadcast_in_dim3A_353 = arith.constant 0.000000e+00 : f32
        %broadcast_in_dim3A_354 = vector.broadcast %broadcast_in_dim3A_353 : f32 to vector<16xf32>
        %broadcast_in_dim3A_355 = arith.constant 0.000000e+00 : f32
        %broadcast_in_dim3A_356 = vector.broadcast %broadcast_in_dim3A_355 : f32 to vector<16xf32>
        %gather3A = tpu.vector_load_idx %arg12[%add3A_350, %get3A_35] : memref<64x101xf32, #tpu.memory_space<vmem>>[vector<16xi32>, vector<16xi32>], vector<16xf32>,
        %exp3A = math.exp %gather3A : vector<16xf32>
        %gather3A_357 = tpu.vector_load_idx %arg16[%add3A_350, %get3A_103] : memref<64x21xf32, #tpu.memory_space<vmem>>[vector<16xi32>, vector<16xi32>], vector<16xf32>,
        %add3A_358 = arith.addf %broadcast_in_dim3A_352, %exp3A : vector<16xf32>
        %mul3A_359 = arith.mulf %exp3A, %gather3A_357 : vector<16xf32>
        %add3A_360 = arith.addf %broadcast_in_dim3A_354, %mul3A_359 : vector<16xf32>
        %add3A_361 = arith.addf %broadcast_in_dim3A_356, %gather3A_357 : vector<16xf32>
        %gather3A_362 = tpu.vector_load_idx %arg12[%add3A_350, %get3A_39] : memref<64x101xf32, #tpu.memory_space<vmem>>[vector<16xi32>, vector<16xi32>], vector<16xf32>,
        %exp3A_363 = math.exp %gather3A_362 : vector<16xf32>
        %gather3A_364 = tpu.vector_load_idx %arg16[%add3A_350, %get3A_107] : memref<64x21xf32, #tpu.memory_space<vmem>>[vector<16xi32>, vector<16xi32>], vector<16xf32>,
        %add3A_365 = arith.addf %add3A_358, %exp3A_363 : vector<16xf32>
        %mul3A_366 = arith.mulf %exp3A_363, %gather3A_364 : vector<16xf32>
        %add3A_367 = arith.addf %add3A_360, %mul3A_366 : vector<16xf32>
        %add3A_368 = arith.addf %add3A_361, %gather3A_364 : vector<16xf32>
        %gather3A_369 = tpu.vector_load_idx %arg12[%add3A_350, %get3A_43] : memref<64x101xf32, #tpu.memory_space<vmem>>[vector<16xi32>, vector<16xi32>], vector<16xf32>,
        %exp3A_370 = math.exp %gather3A_369 : vector<16xf32>
        %gather3A_371 = tpu.vector_load_idx %arg16[%add3A_350, %get3A_111] : memref<64x21xf32, #tpu.memory_space<vmem>>[vector<16xi32>, vector<16xi32>], vector<16xf32>,
        %add3A_372 = arith.addf %add3A_365, %exp3A_370 : vector<16xf32>
        %mul3A_373 = arith.mulf %exp3A_370, %gather3A_371 : vector<16xf32>
        %add3A_374 = arith.addf %add3A_367, %mul3A_373 : vector<16xf32>
        %add3A_375 = arith.addf %add3A_368, %gather3A_371 : vector<16xf32>
        %gather3A_376 = tpu.vector_load_idx %arg12[%add3A_350, %get3A_47] : memref<64x101xf32, #tpu.memory_space<vmem>>[vector<16xi32>, vector<16xi32>], vector<16xf32>,
        %exp3A_377 = math.exp %gather3A_376 : vector<16xf32>
        %gather3A_378 = tpu.vector_load_idx %arg16[%add3A_350, %get3A_115] : memref<64x21xf32, #tpu.memory_space<vmem>>[vector<16xi32>, vector<16xi32>], vector<16xf32>,
        %add3A_379 = arith.addf %add3A_372, %exp3A_377 : vector<16xf32>
        %mul3A_380 = arith.mulf %exp3A_377, %gather3A_378 : vector<16xf32>
        %add3A_381 = arith.addf %add3A_374, %mul3A_380 : vector<16xf32>
        %add3A_382 = arith.addf %add3A_375, %gather3A_378 : vector<16xf32>
        %gather3A_383 = tpu.vector_load_idx %arg12[%add3A_350, %get3A_51] : memref<64x101xf32, #tpu.memory_space<vmem>>[vector<16xi32>, vector<16xi32>], vector<16xf32>,
        %exp3A_384 = math.exp %gather3A_383 : vector<16xf32>
        %gather3A_385 = tpu.vector_load_idx %arg16[%add3A_350, %get3A_119] : memref<64x21xf32, #tpu.memory_space<vmem>>[vector<16xi32>, vector<16xi32>], vector<16xf32>,
        %add3A_386 = arith.addf %add3A_379, %exp3A_384 : vector<16xf32>
        %mul3A_387 = arith.mulf %exp3A_384, %gather3A_385 : vector<16xf32>
        %add3A_388 = arith.addf %add3A_381, %mul3A_387 : vector<16xf32>
        %add3A_389 = arith.addf %add3A_382, %gather3A_385 : vector<16xf32>
        %gather3A_390 = tpu.vector_load_idx %arg12[%add3A_350, %get3A_55] : memref<64x101xf32, #tpu.memory_space<vmem>>[vector<16xi32>, vector<16xi32>], vector<16xf32>,
        %exp3A_391 = math.exp %gather3A_390 : vector<16xf32>
        %gather3A_392 = tpu.vector_load_idx %arg16[%add3A_350, %get3A_123] : memref<64x21xf32, #tpu.memory_space<vmem>>[vector<16xi32>, vector<16xi32>], vector<16xf32>,
        %add3A_393 = arith.addf %add3A_386, %exp3A_391 : vector<16xf32>
        %mul3A_394 = arith.mulf %exp3A_391, %gather3A_392 : vector<16xf32>
        %add3A_395 = arith.addf %add3A_388, %mul3A_394 : vector<16xf32>
        %add3A_396 = arith.addf %add3A_389, %gather3A_392 : vector<16xf32>
        %gather3A_397 = tpu.vector_load_idx %arg12[%add3A_350, %get3A_59] : memref<64x101xf32, #tpu.memory_space<vmem>>[vector<16xi32>, vector<16xi32>], vector<16xf32>,
        %exp3A_398 = math.exp %gather3A_397 : vector<16xf32>
        %gather3A_399 = tpu.vector_load_idx %arg16[%add3A_350, %get3A_127] : memref<64x21xf32, #tpu.memory_space<vmem>>[vector<16xi32>, vector<16xi32>], vector<16xf32>,
        %add3A_400 = arith.addf %add3A_393, %exp3A_398 : vector<16xf32>
        %mul3A_401 = arith.mulf %exp3A_398, %gather3A_399 : vector<16xf32>
        %add3A_402 = arith.addf %add3A_395, %mul3A_401 : vector<16xf32>
        %add3A_403 = arith.addf %add3A_396, %gather3A_399 : vector<16xf32>
        %gather3A_404 = tpu.vector_load_idx %arg12[%add3A_350, %get3A_63] : memref<64x101xf32, #tpu.memory_space<vmem>>[vector<16xi32>, vector<16xi32>], vector<16xf32>,
        %exp3A_405 = math.exp %gather3A_404 : vector<16xf32>
        %gather3A_406 = tpu.vector_load_idx %arg16[%add3A_350, %get3A_131] : memref<64x21xf32, #tpu.memory_space<vmem>>[vector<16xi32>, vector<16xi32>], vector<16xf32>,
        %add3A_407 = arith.addf %add3A_400, %exp3A_405 : vector<16xf32>
        %mul3A_408 = arith.mulf %exp3A_405, %gather3A_406 : vector<16xf32>
        %add3A_409 = arith.addf %add3A_402, %mul3A_408 : vector<16xf32>
        %add3A_410 = arith.addf %add3A_403, %gather3A_406 : vector<16xf32>
        %gather3A_411 = tpu.vector_load_idx %arg12[%add3A_350, %get3A_67] : memref<64x101xf32, #tpu.memory_space<vmem>>[vector<16xi32>, vector<16xi32>], vector<16xf32>,
        %exp3A_412 = math.exp %gather3A_411 : vector<16xf32>
        %gather3A_413 = tpu.vector_load_idx %arg16[%add3A_350, %get3A_135] : memref<64x21xf32, #tpu.memory_space<vmem>>[vector<16xi32>, vector<16xi32>], vector<16xf32>,
        %add3A_414 = arith.addf %add3A_407, %exp3A_412 : vector<16xf32>
        %mul3A_415 = arith.mulf %exp3A_412, %gather3A_413 : vector<16xf32>
        %add3A_416 = arith.addf %add3A_409, %mul3A_415 : vector<16xf32>
        %add3A_417 = arith.addf %add3A_410, %gather3A_413 : vector<16xf32>
        %gather3A_418 = tpu.vector_load_idx %arg12[%add3A_350, %get3A_71] : memref<64x101xf32, #tpu.memory_space<vmem>>[vector<16xi32>, vector<16xi32>], vector<16xf32>,
        %exp3A_419 = math.exp %gather3A_418 : vector<16xf32>
        %gather3A_420 = tpu.vector_load_idx %arg16[%add3A_350, %get3A_139] : memref<64x21xf32, #tpu.memory_space<vmem>>[vector<16xi32>, vector<16xi32>], vector<16xf32>,
        %add3A_421 = arith.addf %add3A_414, %exp3A_419 : vector<16xf32>
        %mul3A_422 = arith.mulf %exp3A_419, %gather3A_420 : vector<16xf32>
        %add3A_423 = arith.addf %add3A_416, %mul3A_422 : vector<16xf32>
        %add3A_424 = arith.addf %add3A_417, %gather3A_420 : vector<16xf32>
        %gather3A_425 = tpu.vector_load_idx %arg12[%add3A_350, %get3A_75] : memref<64x101xf32, #tpu.memory_space<vmem>>[vector<16xi32>, vector<16xi32>], vector<16xf32>,
        %exp3A_426 = math.exp %gather3A_425 : vector<16xf32>
        %gather3A_427 = tpu.vector_load_idx %arg16[%add3A_350, %get3A_143] : memref<64x21xf32, #tpu.memory_space<vmem>>[vector<16xi32>, vector<16xi32>], vector<16xf32>,
        %add3A_428 = arith.addf %add3A_421, %exp3A_426 : vector<16xf32>
        %mul3A_429 = arith.mulf %exp3A_426, %gather3A_427 : vector<16xf32>
        %add3A_430 = arith.addf %add3A_423, %mul3A_429 : vector<16xf32>
        %add3A_431 = arith.addf %add3A_424, %gather3A_427 : vector<16xf32>
        %gather3A_432 = tpu.vector_load_idx %arg12[%add3A_350, %get3A_79] : memref<64x101xf32, #tpu.memory_space<vmem>>[vector<16xi32>, vector<16xi32>], vector<16xf32>,
        %exp3A_433 = math.exp %gather3A_432 : vector<16xf32>
        %gather3A_434 = tpu.vector_load_idx %arg16[%add3A_350, %get3A_147] : memref<64x21xf32, #tpu.memory_space<vmem>>[vector<16xi32>, vector<16xi32>], vector<16xf32>,
        %add3A_435 = arith.addf %add3A_428, %exp3A_433 : vector<16xf32>
        %mul3A_436 = arith.mulf %exp3A_433, %gather3A_434 : vector<16xf32>
        %add3A_437 = arith.addf %add3A_430, %mul3A_436 : vector<16xf32>
        %add3A_438 = arith.addf %add3A_431, %gather3A_434 : vector<16xf32>
        %gather3A_439 = tpu.vector_load_idx %arg12[%add3A_350, %get3A_83] : memref<64x101xf32, #tpu.memory_space<vmem>>[vector<16xi32>, vector<16xi32>], vector<16xf32>,
        %exp3A_440 = math.exp %gather3A_439 : vector<16xf32>
        %gather3A_441 = tpu.vector_load_idx %arg16[%add3A_350, %get3A_151] : memref<64x21xf32, #tpu.memory_space<vmem>>[vector<16xi32>, vector<16xi32>], vector<16xf32>,
        %add3A_442 = arith.addf %add3A_435, %exp3A_440 : vector<16xf32>
        %mul3A_443 = arith.mulf %exp3A_440, %gather3A_441 : vector<16xf32>
        %add3A_444 = arith.addf %add3A_437, %mul3A_443 : vector<16xf32>
        %add3A_445 = arith.addf %add3A_438, %gather3A_441 : vector<16xf32>
        %gather3A_446 = tpu.vector_load_idx %arg12[%add3A_350, %get3A_87] : memref<64x101xf32, #tpu.memory_space<vmem>>[vector<16xi32>, vector<16xi32>], vector<16xf32>,
        %exp3A_447 = math.exp %gather3A_446 : vector<16xf32>
        %gather3A_448 = tpu.vector_load_idx %arg16[%add3A_350, %get3A_155] : memref<64x21xf32, #tpu.memory_space<vmem>>[vector<16xi32>, vector<16xi32>], vector<16xf32>,
        %add3A_449 = arith.addf %add3A_442, %exp3A_447 : vector<16xf32>
        %mul3A_450 = arith.mulf %exp3A_447, %gather3A_448 : vector<16xf32>
        %add3A_451 = arith.addf %add3A_444, %mul3A_450 : vector<16xf32>
        %add3A_452 = arith.addf %add3A_445, %gather3A_448 : vector<16xf32>
        %gather3A_453 = tpu.vector_load_idx %arg12[%add3A_350, %get3A_91] : memref<64x101xf32, #tpu.memory_space<vmem>>[vector<16xi32>, vector<16xi32>], vector<16xf32>,
        %exp3A_454 = math.exp %gather3A_453 : vector<16xf32>
        %gather3A_455 = tpu.vector_load_idx %arg16[%add3A_350, %get3A_159] : memref<64x21xf32, #tpu.memory_space<vmem>>[vector<16xi32>, vector<16xi32>], vector<16xf32>,
        %add3A_456 = arith.addf %add3A_449, %exp3A_454 : vector<16xf32>
        %mul3A_457 = arith.mulf %exp3A_454, %gather3A_455 : vector<16xf32>
        %add3A_458 = arith.addf %add3A_451, %mul3A_457 : vector<16xf32>
        %add3A_459 = arith.addf %add3A_452, %gather3A_455 : vector<16xf32>
        %gather3A_460 = tpu.vector_load_idx %arg12[%add3A_350, %get3A_95] : memref<64x101xf32, #tpu.memory_space<vmem>>[vector<16xi32>, vector<16xi32>], vector<16xf32>,
        %exp3A_461 = math.exp %gather3A_460 : vector<16xf32>
        %gather3A_462 = tpu.vector_load_idx %arg16[%add3A_350, %get3A_163] : memref<64x21xf32, #tpu.memory_space<vmem>>[vector<16xi32>, vector<16xi32>], vector<16xf32>,
        %add3A_463 = arith.addf %add3A_456, %exp3A_461 : vector<16xf32>
        %mul3A_464 = arith.mulf %exp3A_461, %gather3A_462 : vector<16xf32>
        %add3A_465 = arith.addf %add3A_458, %mul3A_464 : vector<16xf32>
        %add3A_466 = arith.addf %add3A_459, %gather3A_462 : vector<16xf32>
        %gather3A_467 = tpu.vector_load_idx %arg12[%add3A_350, %get3A_99] : memref<64x101xf32, #tpu.memory_space<vmem>>[vector<16xi32>, vector<16xi32>], vector<16xf32>,
        %exp3A_468 = math.exp %gather3A_467 : vector<16xf32>
        %gather3A_469 = tpu.vector_load_idx %arg16[%add3A_350, %get3A_167] : memref<64x21xf32, #tpu.memory_space<vmem>>[vector<16xi32>, vector<16xi32>], vector<16xf32>,
        %add3A_470 = arith.addf %add3A_463, %exp3A_468 : vector<16xf32>
        %mul3A_471 = arith.mulf %exp3A_468, %gather3A_469 : vector<16xf32>
        %add3A_472 = arith.addf %add3A_465, %mul3A_471 : vector<16xf32>
        %add3A_473 = arith.addf %add3A_466, %gather3A_469 : vector<16xf32>
        %div3A_474 = arith.divf %add3A_472, %add3A_470 : vector<16xf32>
        %add3A_475 = arith.addf %scan3A_345, %div3A_474 : vector<16xf32>
        %add3A_476 = arith.addf %scan3A_346, %add3A_473 : vector<16xf32>
        scf.yield %add3A_475, %add3A_476 : vector<16xf32>, vector<16xf32>
      }
      %scan3A_338 = arith.constant 4 : i32
      %lt3A_339 = arith.constant 31 : i32
      %lt3A_340 = arith.cmpi slt, %scan3A_236, %lt3A_339 : i32
      %convert_element_type3A_341 = arith.extui %lt3A_340 : i1 to i32
      %cond3A_342 = arith.constant 0 : i32
      %cond3A_343 = arith.cmpi ne, %convert_element_type3A_341, %cond3A_342 : i32
      scf.if %cond3A_343 {
        %mul3A_344 = arith.constant 4 : i32
        %mul3A_345 = arith.muli %mul3A_344, %scan3A_236 : i32
        %add3A_346 = arith.constant 3 : i32
        %add3A_347 = arith.addi %mul3A_345, %add3A_346 : i32
        %add3A_348 = arith.constant 4 : i32
        %add3A_349 = arith.addi %add3A_347, %add3A_348 : i32
        %mul3A_350 = arith.constant 64 : i32
        %mul3A_351 = arith.muli %add3A_349, %mul3A_350 : i32
        %add3A_352 = arith.addi %mul3A_32, %mul3A_351 : i32
        %dma_start3A_353 = arith.constant 0 : i32
        %dma_start3A_354 = tpu.memref_slice %arg2[%select_n3A, %add3A_352, %dma_start3A_353] : memref<4x65536x101xf32, #tpu.memory_space<hbm>> -> memref<1x64x101xf32, #tpu.memory_space<hbm>>
        %dma_start3A_355 = tpu.memref_squeeze %dma_start3A_354 : memref<1x64x101xf32, #tpu.memory_space<hbm>> -> memref<64x101xf32, #tpu.memory_space<hbm>>
        %dma_start3A_356 = arith.constant 0 : i32
        %dma_start3A_357 = tpu.memref_slice %arg2[%select_n3A, %add3A_352, %dma_start3A_356] : memref<4x65536x101xf32, #tpu.memory_space<hbm>> -> memref<1x64x101xf32, #tpu.memory_space<hbm>>
        %dma_start3A_358 = tpu.memref_squeeze %dma_start3A_357 : memref<1x64x101xf32, #tpu.memory_space<hbm>> -> memref<64x101xf32, #tpu.memory_space<hbm>>
        tpu.enqueue_dma source(%dma_start3A_358 : memref<64x101xf32, #tpu.memory_space<hbm>>) target(%arg12 : memref<64x101xf32, #tpu.memory_space<vmem>>) target_semaphore(%arg21 : memref<!tpu.dma_semaphore, #tpu.memory_space<semaphore_mem>>)
        %dma_start3A_359 = arith.constant 0 : i32
        %dma_start3A_360 = tpu.memref_slice %arg3[%select_n3A, %add3A_352, %dma_start3A_359] : memref<4x65536x21xf32, #tpu.memory_space<hbm>> -> memref<1x64x21xf32, #tpu.memory_space<hbm>>
        %dma_start3A_361 = tpu.memref_squeeze %dma_start3A_360 : memref<1x64x21xf32, #tpu.memory_space<hbm>> -> memref<64x21xf32, #tpu.memory_space<hbm>>
        %dma_start3A_362 = arith.constant 0 : i32
        %dma_start3A_363 = tpu.memref_slice %arg3[%select_n3A, %add3A_352, %dma_start3A_362] : memref<4x65536x21xf32, #tpu.memory_space<hbm>> -> memref<1x64x21xf32, #tpu.memory_space<hbm>>
        %dma_start3A_364 = tpu.memref_squeeze %dma_start3A_363 : memref<1x64x21xf32, #tpu.memory_space<hbm>> -> memref<64x21xf32, #tpu.memory_space<hbm>>
        tpu.enqueue_dma source(%dma_start3A_364 : memref<64x21xf32, #tpu.memory_space<hbm>>) target(%arg16 : memref<64x21xf32, #tpu.memory_space<vmem>>) target_semaphore(%arg25 : memref<!tpu.dma_semaphore, #tpu.memory_space<semaphore_mem>>)
      } else {
      }
      scf.yield %scan3A_337#0, %scan3A_337#1 : vector<16xf32>, vector<16xf32>
    }
    %scan3A_228 = arith.constant 32 : i32
    %swap3A = arith.constant 0 : i32
    %swap3A_229 = arith.index_cast %swap3A : i32 to index
    %swap3A_230 = arith.constant 0 : index
    %swap3A_231 = tpu.vector_load %arg17[%swap3A_229, %swap3A_230] {strides = array<i32>} : memref<2x16xf32, #tpu.memory_space<vmem>>, vector<16xf32>,
    tpu.vector_store %arg17[%swap3A_229, %swap3A_230], %scan3A_227#0 {strides = array<i32>} : memref<2x16xf32, #tpu.memory_space<vmem>>, vector<16xf32>,
    %swap3A_232 = arith.constant 1 : i32
    %swap3A_233 = arith.index_cast %swap3A_232 : i32 to index
    %swap3A_234 = arith.constant 0 : index
    %swap3A_235 = tpu.vector_load %arg17[%swap3A_233, %swap3A_234] {strides = array<i32>} : memref<2x16xf32, #tpu.memory_space<vmem>>, vector<16xf32>,
    tpu.vector_store %arg17[%swap3A_233, %swap3A_234], %scan3A_227#1 {strides = array<i32>} : memref<2x16xf32, #tpu.memory_space<vmem>>, vector<16xf32>,
    "tpu.region"() ({
      %run_scoped3A = tpu.sem_alloc : memref<!tpu.dma_semaphore, #tpu.memory_space<semaphore_mem>>
      %dma_start3A_236 = arith.constant 0 : i32
      %dma_start3A_237 = arith.constant 0 : i32
      %dma_start3A_238 = tpu.memref_slice %arg6[%add3A, %dma_start3A_236, %dma_start3A_237] : memref<32x2x16xf32, #tpu.memory_space<hbm>> -> memref<1x2x16xf32, #tpu.memory_space<hbm>>
      %dma_start3A_239 = tpu.memref_squeeze %dma_start3A_238 : memref<1x2x16xf32, #tpu.memory_space<hbm>> -> memref<2x16xf32, #tpu.memory_space<hbm>>
      %dma_start3A_240 = arith.constant 0 : i32
      %dma_start3A_241 = arith.constant 0 : i32
      %dma_start3A_242 = tpu.memref_slice %arg6[%add3A, %dma_start3A_240, %dma_start3A_241] : memref<32x2x16xf32, #tpu.memory_space<hbm>> -> memref<1x2x16xf32, #tpu.memory_space<hbm>>
      %dma_start3A_243 = tpu.memref_squeeze %dma_start3A_242 : memref<1x2x16xf32, #tpu.memory_space<hbm>> -> memref<2x16xf32, #tpu.memory_space<hbm>>
      tpu.enqueue_dma source(%arg17 : memref<2x16xf32, #tpu.memory_space<vmem>>) target(%dma_start3A_243 : memref<2x16xf32, #tpu.memory_space<hbm>>) target_semaphore(%run_scoped3A : memref<!tpu.dma_semaphore, #tpu.memory_space<semaphore_mem>>)
      %dma_wait3A = arith.constant 0 : i32
      %dma_wait3A_244 = arith.constant 0 : i32
      %dma_wait3A_245 = tpu.memref_slice %arg6[%add3A, %dma_wait3A, %dma_wait3A_244] : memref<32x2x16xf32, #tpu.memory_space<hbm>> -> memref<1x2x16xf32, #tpu.memory_space<hbm>>
      %dma_wait3A_246 = tpu.memref_squeeze %dma_wait3A_245 : memref<1x2x16xf32, #tpu.memory_space<hbm>> -> memref<2x16xf32, #tpu.memory_space<hbm>>
      %dma_wait3A_247 = arith.constant 0 : i32
      %dma_wait3A_248 = arith.constant 0 : i32
      %dma_wait3A_249 = tpu.memref_slice %arg6[%add3A, %dma_wait3A_247, %dma_wait3A_248] : memref<32x2x16xf32, #tpu.memory_space<hbm>> -> memref<1x2x16xf32, #tpu.memory_space<hbm>>
      %dma_wait3A_250 = tpu.memref_squeeze %dma_wait3A_249 : memref<1x2x16xf32, #tpu.memory_space<hbm>> -> memref<2x16xf32, #tpu.memory_space<hbm>>
      tpu.wait_dma2 semaphore(%run_scoped3A : memref<!tpu.dma_semaphore, #tpu.memory_space<semaphore_mem>>) src(%arg17 : memref<2x16xf32, #tpu.memory_space<vmem>>) dst(%dma_wait3A_250 : memref<2x16xf32, #tpu.memory_space<hbm>>)
      tpu.yield
    }) : () -> ()
    return
  }
}

module attributes {stable_mosaic.version = 14 : i64} {
  func.func @_combine_body(%arg0: memref<32x2x16xf32, #tpu.memory_space<vmem>>, %arg1: memref<1x1xf32, #tpu.memory_space<smem>>) attributes {dimension_semantics = [], scalar_prefetch = 0 : i64, scratch_operands = 0 : i64, tpu.core_type = #tpu.core_type<tc>} {
    %get3A = arith.constant 0 : index
    %get3A_0 = arith.constant 0 : index
    %get3A_1 = arith.constant 0 : index
    %get3A_2 = vector.load %arg0[%get3A, %get3A_0, %get3A_1] : memref<32x2x16xf32, #tpu.memory_space<vmem>>, vector<32x2x16xf32>
    %slice3A = vector.extract_strided_slice %get3A_2 {offsets = [0, 0, 0], sizes = [8, 1, 16], strides = [1, 1, 1]} : vector<32x2x16xf32> to vector<8x1x16xf32>
    %squeeze3A = vector.shape_cast %slice3A : vector<8x1x16xf32> to vector<8x16xf32>
    %reduce_sum3A = vector.shape_cast %squeeze3A : vector<8x16xf32> to vector<1x8x16xf32>
    %reduce_sum3A_3 = arith.constant dense<0.000000e+00> : vector<1xf32>
    %reduce_sum3A_4 = vector.multi_reduction <add>, %reduce_sum3A, %reduce_sum3A_3 [1, 2] : vector<1x8x16xf32> to vector<1xf32>
    %reduce_sum3A_5 = vector.shape_cast %reduce_sum3A_4 : vector<1xf32> to vector<1x1x1xf32>
    %reduce_sum3A_6 = vector.extract %reduce_sum3A_5[0, 0, 0] : f32 from vector<1x1x1xf32>
    %slice3A_7 = vector.extract_strided_slice %get3A_2 {offsets = [0, 1, 0], sizes = [8, 1, 16], strides = [1, 1, 1]} : vector<32x2x16xf32> to vector<8x1x16xf32>
    %squeeze3A_8 = vector.shape_cast %slice3A_7 : vector<8x1x16xf32> to vector<8x16xf32>
    %reduce_sum3A_9 = vector.shape_cast %squeeze3A_8 : vector<8x16xf32> to vector<1x8x16xf32>
    %reduce_sum3A_10 = arith.constant dense<0.000000e+00> : vector<1xf32>
    %reduce_sum3A_11 = vector.multi_reduction <add>, %reduce_sum3A_9, %reduce_sum3A_10 [1, 2] : vector<1x8x16xf32> to vector<1xf32>
    %reduce_sum3A_12 = vector.shape_cast %reduce_sum3A_11 : vector<1xf32> to vector<1x1x1xf32>
    %reduce_sum3A_13 = vector.extract %reduce_sum3A_12[0, 0, 0] : f32 from vector<1x1x1xf32>
    %mul3A = arith.constant 2.000000e+00 : f32
    %mul3A_14 = arith.mulf %mul3A, %reduce_sum3A_6 : f32
    %add3A = arith.constant 1.000000e+00 : f32
    %add3A_15 = arith.addf %mul3A_14, %add3A : f32
    %add3A_16 = arith.constant 6.553600e+04 : f32
    %add3A_17 = arith.addf %add3A_16, %reduce_sum3A_13 : f32
    %add3A_18 = arith.constant 1.000000e+00 : f32
    %add3A_19 = arith.addf %add3A_17, %add3A_18 : f32
    %div3A = arith.divf %add3A_15, %add3A_19 : f32
    %sub3A = arith.constant 1.000000e+00 : f32
    %sub3A_20 = arith.subf %sub3A, %div3A : f32
    %add3A_21 = arith.constant 0.000000e+00 : f32
    %add3A_22 = arith.addf %add3A_21, %sub3A_20 : f32
    %slice3A_23 = vector.extract_strided_slice %get3A_2 {offsets = [8, 0, 0], sizes = [8, 1, 16], strides = [1, 1, 1]} : vector<32x2x16xf32> to vector<8x1x16xf32>
    %squeeze3A_24 = vector.shape_cast %slice3A_23 : vector<8x1x16xf32> to vector<8x16xf32>
    %reduce_sum3A_25 = vector.shape_cast %squeeze3A_24 : vector<8x16xf32> to vector<1x8x16xf32>
    %reduce_sum3A_26 = arith.constant dense<0.000000e+00> : vector<1xf32>
    %reduce_sum3A_27 = vector.multi_reduction <add>, %reduce_sum3A_25, %reduce_sum3A_26 [1, 2] : vector<1x8x16xf32> to vector<1xf32>
    %reduce_sum3A_28 = vector.shape_cast %reduce_sum3A_27 : vector<1xf32> to vector<1x1x1xf32>
    %reduce_sum3A_29 = vector.extract %reduce_sum3A_28[0, 0, 0] : f32 from vector<1x1x1xf32>
    %slice3A_30 = vector.extract_strided_slice %get3A_2 {offsets = [8, 1, 0], sizes = [8, 1, 16], strides = [1, 1, 1]} : vector<32x2x16xf32> to vector<8x1x16xf32>
    %squeeze3A_31 = vector.shape_cast %slice3A_30 : vector<8x1x16xf32> to vector<8x16xf32>
    %reduce_sum3A_32 = vector.shape_cast %squeeze3A_31 : vector<8x16xf32> to vector<1x8x16xf32>
    %reduce_sum3A_33 = arith.constant dense<0.000000e+00> : vector<1xf32>
    %reduce_sum3A_34 = vector.multi_reduction <add>, %reduce_sum3A_32, %reduce_sum3A_33 [1, 2] : vector<1x8x16xf32> to vector<1xf32>
    %reduce_sum3A_35 = vector.shape_cast %reduce_sum3A_34 : vector<1xf32> to vector<1x1x1xf32>
    %reduce_sum3A_36 = vector.extract %reduce_sum3A_35[0, 0, 0] : f32 from vector<1x1x1xf32>
    %mul3A_37 = arith.constant 2.000000e+00 : f32
    %mul3A_38 = arith.mulf %mul3A_37, %reduce_sum3A_29 : f32
    %add3A_39 = arith.constant 1.000000e+00 : f32
    %add3A_40 = arith.addf %mul3A_38, %add3A_39 : f32
    %add3A_41 = arith.constant 6.553600e+04 : f32
    %add3A_42 = arith.addf %add3A_41, %reduce_sum3A_36 : f32
    %add3A_43 = arith.constant 1.000000e+00 : f32
    %add3A_44 = arith.addf %add3A_42, %add3A_43 : f32
    %div3A_45 = arith.divf %add3A_40, %add3A_44 : f32
    %sub3A_46 = arith.constant 1.000000e+00 : f32
    %sub3A_47 = arith.subf %sub3A_46, %div3A_45 : f32
    %add3A_48 = arith.addf %add3A_22, %sub3A_47 : f32
    %slice3A_49 = vector.extract_strided_slice %get3A_2 {offsets = [16, 0, 0], sizes = [8, 1, 16], strides = [1, 1, 1]} : vector<32x2x16xf32> to vector<8x1x16xf32>
    %squeeze3A_50 = vector.shape_cast %slice3A_49 : vector<8x1x16xf32> to vector<8x16xf32>
    %reduce_sum3A_51 = vector.shape_cast %squeeze3A_50 : vector<8x16xf32> to vector<1x8x16xf32>
    %reduce_sum3A_52 = arith.constant dense<0.000000e+00> : vector<1xf32>
    %reduce_sum3A_53 = vector.multi_reduction <add>, %reduce_sum3A_51, %reduce_sum3A_52 [1, 2] : vector<1x8x16xf32> to vector<1xf32>
    %reduce_sum3A_54 = vector.shape_cast %reduce_sum3A_53 : vector<1xf32> to vector<1x1x1xf32>
    %reduce_sum3A_55 = vector.extract %reduce_sum3A_54[0, 0, 0] : f32 from vector<1x1x1xf32>
    %slice3A_56 = vector.extract_strided_slice %get3A_2 {offsets = [16, 1, 0], sizes = [8, 1, 16], strides = [1, 1, 1]} : vector<32x2x16xf32> to vector<8x1x16xf32>
    %squeeze3A_57 = vector.shape_cast %slice3A_56 : vector<8x1x16xf32> to vector<8x16xf32>
    %reduce_sum3A_58 = vector.shape_cast %squeeze3A_57 : vector<8x16xf32> to vector<1x8x16xf32>
    %reduce_sum3A_59 = arith.constant dense<0.000000e+00> : vector<1xf32>
    %reduce_sum3A_60 = vector.multi_reduction <add>, %reduce_sum3A_58, %reduce_sum3A_59 [1, 2] : vector<1x8x16xf32> to vector<1xf32>
    %reduce_sum3A_61 = vector.shape_cast %reduce_sum3A_60 : vector<1xf32> to vector<1x1x1xf32>
    %reduce_sum3A_62 = vector.extract %reduce_sum3A_61[0, 0, 0] : f32 from vector<1x1x1xf32>
    %mul3A_63 = arith.constant 2.000000e+00 : f32
    %mul3A_64 = arith.mulf %mul3A_63, %reduce_sum3A_55 : f32
    %add3A_65 = arith.constant 1.000000e+00 : f32
    %add3A_66 = arith.addf %mul3A_64, %add3A_65 : f32
    %add3A_67 = arith.constant 6.553600e+04 : f32
    %add3A_68 = arith.addf %add3A_67, %reduce_sum3A_62 : f32
    %add3A_69 = arith.constant 1.000000e+00 : f32
    %add3A_70 = arith.addf %add3A_68, %add3A_69 : f32
    %div3A_71 = arith.divf %add3A_66, %add3A_70 : f32
    %sub3A_72 = arith.constant 1.000000e+00 : f32
    %sub3A_73 = arith.subf %sub3A_72, %div3A_71 : f32
    %add3A_74 = arith.addf %add3A_48, %sub3A_73 : f32
    %slice3A_75 = vector.extract_strided_slice %get3A_2 {offsets = [24, 0, 0], sizes = [8, 1, 16], strides = [1, 1, 1]} : vector<32x2x16xf32> to vector<8x1x16xf32>
    %squeeze3A_76 = vector.shape_cast %slice3A_75 : vector<8x1x16xf32> to vector<8x16xf32>
    %reduce_sum3A_77 = vector.shape_cast %squeeze3A_76 : vector<8x16xf32> to vector<1x8x16xf32>
    %reduce_sum3A_78 = arith.constant dense<0.000000e+00> : vector<1xf32>
    %reduce_sum3A_79 = vector.multi_reduction <add>, %reduce_sum3A_77, %reduce_sum3A_78 [1, 2] : vector<1x8x16xf32> to vector<1xf32>
    %reduce_sum3A_80 = vector.shape_cast %reduce_sum3A_79 : vector<1xf32> to vector<1x1x1xf32>
    %reduce_sum3A_81 = vector.extract %reduce_sum3A_80[0, 0, 0] : f32 from vector<1x1x1xf32>
    %slice3A_82 = vector.extract_strided_slice %get3A_2 {offsets = [24, 1, 0], sizes = [8, 1, 16], strides = [1, 1, 1]} : vector<32x2x16xf32> to vector<8x1x16xf32>
    %squeeze3A_83 = vector.shape_cast %slice3A_82 : vector<8x1x16xf32> to vector<8x16xf32>
    %reduce_sum3A_84 = vector.shape_cast %squeeze3A_83 : vector<8x16xf32> to vector<1x8x16xf32>
    %reduce_sum3A_85 = arith.constant dense<0.000000e+00> : vector<1xf32>
    %reduce_sum3A_86 = vector.multi_reduction <add>, %reduce_sum3A_84, %reduce_sum3A_85 [1, 2] : vector<1x8x16xf32> to vector<1xf32>
    %reduce_sum3A_87 = vector.shape_cast %reduce_sum3A_86 : vector<1xf32> to vector<1x1x1xf32>
    %reduce_sum3A_88 = vector.extract %reduce_sum3A_87[0, 0, 0] : f32 from vector<1x1x1xf32>
    %mul3A_89 = arith.constant 2.000000e+00 : f32
    %mul3A_90 = arith.mulf %mul3A_89, %reduce_sum3A_81 : f32
    %add3A_91 = arith.constant 1.000000e+00 : f32
    %add3A_92 = arith.addf %mul3A_90, %add3A_91 : f32
    %add3A_93 = arith.constant 6.553600e+04 : f32
    %add3A_94 = arith.addf %add3A_93, %reduce_sum3A_88 : f32
    %add3A_95 = arith.constant 1.000000e+00 : f32
    %add3A_96 = arith.addf %add3A_94, %add3A_95 : f32
    %div3A_97 = arith.divf %add3A_92, %add3A_96 : f32
    %sub3A_98 = arith.constant 1.000000e+00 : f32
    %sub3A_99 = arith.subf %sub3A_98, %div3A_97 : f32
    %add3A_100 = arith.addf %add3A_74, %sub3A_99 : f32
    %div3A_101 = arith.constant 4.000000e+00 : f32
    %div3A_102 = arith.divf %add3A_100, %div3A_101 : f32
    %swap3A = arith.constant 0 : index
    %swap3A_103 = arith.constant 0 : index
    %swap3A_104 = memref.load %arg1[%swap3A, %swap3A_103] : memref<1x1xf32, #tpu.memory_space<smem>>
    memref.store %div3A_102, %arg1[%swap3A, %swap3A_103] : memref<1x1xf32, #tpu.memory_space<smem>>
    return
  }
}

</mosaic_0001>

<sc_bundles>
// kernel: kernel.4.cloned.1.call-start
scs
__scs_entry_jumppad:
0x0: {  	(pc) =	sbr.rel $0x88, $3  }
0x1: {  	(tag) =	ssettag $0x0;
	lr =	simm.s32 $0x1  }
0x2: {  	[smem:$0x3F9D] =	sst lr;
	_ =	strace $0xD0000000  }
0x3: {  	_ = 	snop  }
0x4: {  	_ = 	snop  }
0x5: {  	_ = 	snop  }
0x6: {  	_ = 	snop  }
0x7: {  	_ = 	snop  }
__scs_overlays_trampoline_lowered:
0x8: {  	[smem:$0x3FAC] =	sst s0  }
0x9: {  	[smem:$0x3FAD] =	sst s1  }
0xa: {  	[smem:$0x3FAE] =	sst s2  }
0xb: {  	[smem:$0x3FAF] =	sst s3  }
0xc: {  	[smem:$0x3FB0] =	sst s4  }
0xd: {  	[smem:$0x3FB1] =	sst s5  }
0xe: {  	[smem:$0x3FB2] =	sst s6  }
0xf: {  	[smem:$0x3FB3] =	sst s7  }
0x10: {  	[smem:$0x3FB4] =	sst s8  }
0x11: {  	[smem:$0x3FB5] =	sst s9;
	s0 =	simm.s32 @!p0 $0x0  }
0x12: {  	s1 =	sld [smem:$0x3F9B];
	s0 =	simm.s32 @p0 $0x1  }
0x13: {  	[smem:$0x3FB6] =	sst s0;
	s0 =	simm.s32 @!p1 $0x0  }
0x14: {  	s2 =	sld [smem:$0x3F9A];
	s0 =	simm.s32 @p1 $0x1  }
0x15: {  	[smem:$0x3FB7] =	sst s0;
	s0 =	simm.s32 @!p2 $0x0  }
0x16: {  	s3 =	sld [smem:$0x3FDB];
	s0 =	simm.s32 @p2 $0x1  }
0x17: {  	s4 =	simm.s32 $0x1BF5;
	[smem:$0x3FB9] =	sst s0  }
0x18: {  	s0 =	sld [smem:$0x3F9C];
	_ =	swait.ge [sflag:s4], $0x0  }
0x19: {  	s7 =	sld [smem:$0x3F9D]  }
0x1a: {  	s8 =	sadd.s32 $0xFFFFE003, lr  }
0x1b: {  	s9 =	sadd.s32 $0xFFFFFEF7, lr;
	s5 =	simm.s32 $0xFFFFFFFF;
	p2 =	slt.u32 s8, $0xFFFFF086  }
0x1c: {  	p1 =	slt.u32 s9, $0xF7A;
	s5 =	simm.s32 @!p2 $0x0  }
0x1d: {  	s5 =	simm.s32 @p1 $0x1;
	p0 =	seq.s32 s7, s2  }
0x1e: {  	s7 =	smul.u32 @!p0 $0xF7A, s2;
	p2 =	seq.s32 @!p0 s5, $0x0  }
0x1f: {  	s9 =	smul.u32 $0xF7A, s1;
	s8 =	simm.s32 @!p0 $0x1BF5;
	p2 =	por !p2, p0  }
0x20: {  	[sflag:s8] =	ssyncset.s32 @!p0 $0xFFFFF086;
	s6 =	sadd.s32 @!p0 s3, s7;
	s7 =	simm.s32 @!p0 $0x108  }
0x21: {  	s3 =	sadd.s32 s3, s9;
	s6 =	sadd.s32 @!p0 $0x88, s6;
	s7 =	simm.s32 @p2 $0x1082  }
0x22: {  	[simem:s7], [sflag:s8] =	dma.local @!p0 [hbm:s6], $0xF7A  }
0x23: {  	s9 =	sor.u32 $0xD0000000, s2;
	s6 =	simm.s32 $0x108;
	_ =	swait.ge @!p0 [sflag:s8], $0x0  }
0x24: {  	s3 =	sadd.s32 $0x88, s3;
	s6 =	simm.s32 @!p1 $0x1082;
	[sflag:s4] =	ssyncset.s32 $0xFFFFF086  }
0x25: {  	[simem:s6], [sflag:s4] =	dma.local [hbm:s3], $0xF7A  }
0x26: {  	[smem:$0x3F9D] =	sst s1;
	(tag) =	ssettag s2;
	_ =	strace s9  }
0x27: {  	s1 =	sld [smem:$0x3FAD]  }
0x28: {  	s2 =	sld [smem:$0x3FAE]  }
0x29: {  	s4 =	sld [smem:$0x3FB0]  }
0x2a: {  	p0 =	seq.s32 s5, $0x0;
	s5 =	sld [smem:$0x3FB1]  }
0x2b: {  	s6 =	sld [smem:$0x3FB2]  }
0x2c: {  	s7 =	sld [smem:$0x3FB3]  }
0x2d: {  	s3 =	simm.s32 $0x108;
	s8 =	sld [smem:$0x3FB4]  }
0x2e: {  	s3 =	simm.s32 @!p0 $0x1082;
	s9 =	sld [smem:$0x3FB5]  }
0x2f: {  	lr =	sadd.s32 s0, s3;
	s0 =	sld [smem:$0x3FAC]  }
0x30: {  	s3 =	sld [smem:$0x3FAF]  }
0x31: {  	[smem:$0x3FB8] =	sst s10  }
0x32: {  	s10 =	sld [smem:$0x3FB6];
	_ =	sdelay $0x3  }
0x33: {  	p0 =	seq.s32 s10, $0x1;
	s10 =	sld [smem:$0x3FB8];
	_ =	sdelay $0x3  }
0x34: {  	[smem:$0x3FB8] =	sst s10  }
0x35: {  	s10 =	sld [smem:$0x3FB7];
	_ =	sdelay $0x3  }
0x36: {  	p1 =	seq.s32 s10, $0x1;
	s10 =	sld [smem:$0x3FB8];
	_ =	sdelay $0x3  }
0x37: {  	[smem:$0x3FB8] =	sst s10  }
0x38: {  	s10 =	sld [smem:$0x3FB9]  }
0x39: {  	_ = 	snop;
	(pc) =	sbr.ind lr, $3  }
0x3a: {  	_ = 	snop  }
0x3b: {  	_ = 	snop  }
0x3c: {  	p2 =	seq.s32 s10, $0x1;
	s10 =	sld [smem:$0x3FB8]  }
0x3d: {  	_ =	shalt  }
0x3e: {  	_ =	shalt  }
0x3f: {  	_ =	shalt  }
0x40: {  	_ =	shalt  }
0x41: {  	_ =	shalt  }
0x42: {  	_ =	shalt  }
0x43: {  	_ =	shalt  }
0x44: {  	_ =	shalt  }
0x45: {  	_ =	shalt  }
0x46: {  	_ =	shalt  }
0x47: {  	_ =	shalt  }
0x48: {  	_ =	shalt  }
0x49: {  	_ =	shalt  }
0x4a: {  	_ =	shalt  }
0x4b: {  	_ =	shalt  }
0x4c: {  	_ =	shalt  }
0x4d: {  	_ =	shalt  }
0x4e: {  	_ =	shalt  }
0x4f: {  	_ =	shalt  }
0x50: {  	_ =	shalt  }
0x51: {  	_ =	shalt  }
0x52: {  	_ =	shalt  }
0x53: {  	_ =	shalt  }
0x54: {  	_ =	shalt  }
0x55: {  	_ =	shalt  }
0x56: {  	_ =	shalt  }
0x57: {  	_ =	shalt  }
0x58: {  	_ =	shalt  }
0x59: {  	_ =	shalt  }
0x5a: {  	_ =	shalt  }
0x5b: {  	_ =	shalt  }
0x5c: {  	_ =	shalt  }
0x5d: {  	_ =	shalt  }
0x5e: {  	_ =	shalt  }
0x5f: {  	_ =	shalt  }
0x60: {  	_ =	shalt  }
0x61: {  	_ =	shalt  }
0x62: {  	_ =	shalt  }
0x63: {  	_ =	shalt  }
0x64: {  	_ =	shalt  }
0x65: {  	_ =	shalt  }
0x66: {  	_ =	shalt  }
0x67: {  	_ =	shalt  }
0x68: {  	_ =	shalt  }
0x69: {  	_ =	shalt  }
0x6a: {  	_ =	shalt  }
0x6b: {  	_ =	shalt  }
0x6c: {  	_ =	shalt  }
0x6d: {  	_ =	shalt  }
0x6e: {  	_ =	shalt  }
0x6f: {  	_ =	shalt  }
0x70: {  	_ =	shalt  }
0x71: {  	_ =	shalt  }
0x72: {  	_ =	shalt  }
0x73: {  	_ =	shalt  }
0x74: {  	_ =	shalt  }
0x75: {  	_ =	shalt  }
0x76: {  	_ =	shalt  }
0x77: {  	_ =	shalt  }
0x78: {  	_ =	shalt  }
0x79: {  	_ =	shalt  }
0x7a: {  	_ =	shalt  }
0x7b: {  	_ =	shalt  }
0x7c: {  	_ =	shalt  }
0x7d: {  	_ =	shalt  }
0x7e: {  	_ =	shalt  }
0x7f: {  	_ =	shalt  }
0x80: {  	_ =	shalt  }
0x81: {  	_ =	shalt  }
0x82: {  	_ =	shalt  }
0x83: {  	_ =	shalt  }
0x84: {  	_ =	shalt  }
0x85: {  	_ =	shalt  }
0x86: {  	_ =	shalt  }
0x87: {  	_ =	shalt  }
.Lfunc_end0:
.L_simem_size_0:
called_computation_lowered:
.L_overlay_start_0:
0x88: {  	s2 =	sld [smem:$0x3FD9]  }
0x89: {  	s3 =	sld [smem:$0x3FFE];
	_ =	sdelay $0x1  }
0x8a: {  	s1 =	srdreg.scid  }
0x8b: {  	s0 =	sand.u32 $0x1, s1  }
0x8c: {  	s16 =	sshll.u32 s0, $0xA;
	s2 =	sadd.s32 s3, s2  }
0x8d: {  	s2 =	sadd.s32 s2, s16  }
0x8e: {  	[smem:$0x3FC4] =	sst s2  }
0x8f: {  	_ = 	snop  }
0x90: {  	(tm) =	ssettm $0x1  }
0x91: {  	s17 =	sld [smem:$0x3FFB];
	_ =	sdelay $0x3  }
0x92: {  	_ =	strace s17  }
0x93: {  	s2 =	sld [smem:$0x3FFC];
	_ =	sdelay $0x3  }
0x94: {  	_ =	strace s2  }
0x95: {  	s2 =	sld [smem:$0x3FFD];
	_ =	sdelay $0x3  }
0x96: {  	_ =	strace s2  }
0x97: {  	_ =	strace $0x8FFFFFFF  }
0x98: {  	s18 =	sld [smem:$0x3FDB];
	_ =	sdelay $0x1  }
0x99: {  	s19 =	simm.s32 $_scs_section_size  }
0x9a: {  	s4 =	simm.s32 $_size__tile_overlayer_lowered;
	s5 =	simm.s32 $_tile_overlayer_lowered  }
0x9b: {  	s22 =	simm.s32 $0x1BFF;
	s21 =	sshll.u32 s5, $0x1;
	s2 =	sadd.s32 s19, s18  }
0x9c: {  	s6 =	simm.s32 $0x0;
	s20 =	sshll.u32 s4, $0x1;
	s4 =	sadd.s32 s21, s2  }
0x9d: {  	[timem:s6], [sflag:s22] =	dma.local [hbm:s4], s20  }
0x9e: {  	_ =	swait.ge [sflag:s22], s20  }
0x9f: {  	s3 =	ssub.s32 $0x0, s20;
	[sflag:s22] =	ssyncset.done $0x0  }
0xa0: {  	[sflag:s22] =	ssyncadd.s32 s3;
	_ =	sdelay $0x1  }
0xa1: {  	s23 =	simm.s32 $0x1B8B  }
0xa2: {  	_ =	swait.ge [sflag:s23], $0x1  }
0xa3: {  	[sflag:s23] =	ssyncset.done $0x0  }
0xa4: {  	s25 =	simm.s32 $0x1B8E;
	s24 =	sld [smem:$0x3FFE];
	[sflag:s23] =	ssyncadd.s32 $0xFFFFFFFF  }
0xa5: {  	s26 =	simm.s32 $execute0_lowered;
	[smem:$0x3FD2] =	sst s25  }
0xa6: {  	s4 =	sshll.u32 s26, $0x1;
	_ =	strace $0x80000046;
	[dreg:$0x1] =	wrdreg $0xFFFFFFFF  }
0xa7: {  	s28 =	simm.s32 $_size_execute0_lowered;
	s2 =	sadd.s32 s2, s4;
	[dreg:$0x0] =	wrdreg $0x0  }
0xa8: {  	s4 =	sshll.u32 s28, $0x1;
	[dreg:$0x2] =	wrdreg s2  }
0xa9: {  	[dreg:$0x3] =	wrdreg s4  }
0xaa: {  	[dreg:$0x4] =	wrdreg $0xC0  }
0xab: {  	_ =	task [dreg:s6], $0x5FFFF  }
0xac: {  	[dreg:$0x1] =	wrdreg $0xFFFFFFFF  }
0xad: {  	[dreg:$0x0] =	wrdreg $0x60  }
0xae: {  	[dreg:$0x2] =	wrdreg s24  }
0xaf: {  	[dreg:$0x3] =	wrdreg $0x9  }
0xb0: {  	_ =	task.clear_ibuf [dreg:s6], $0x4FFFF;
	_ =	strace $0x90000046  }
0xb1: {  	s29 =	simm.s32 $0x9;
	_ =	strace $0x80000048  }
0xb2: {  	_ =	swait.ge [sflag:s29], $0x1  }
0xb3: {  	[sflag:s29] =	ssyncadd.s32 $0xFFFFFFFF  }
0xb4: {  	_ =	strace $0x90000048  }
0xb5: {  	_ =	sfence  }
0xb6: {  	s30 =	sld [smem:$0x0];
	_ =	sdelay $0x2  }
0xb7: {  	s31 =	sshll.u32 s1, $0xD;
	s1 =	sshrl.u32 s1, $0x2  }
0xb8: {  	s3 =	sand.u32 $0x4000, s31;
	s1 =	sadd.s32 s1, s30  }
0xb9: {  	s0 =	sor.u32 s3, s0;
	s1 =	sshll.u32 s1, $0x11  }
0xba: {  	s0 =	sor.u32 s1, s0  }
0xbb: {  	s0 =	sadd.s32 $0x8F2B, s0  }
0xbc: {  	[sflag:s0] =	ssyncadd.remote.s32 $0x1  }
0xbd: {  	_ =	sfence.sel $0xFFFF  }
0xbe: {  	[dreg:$0x0] =	wrdreg $0xFFFFFFFF;
	(pc) =	sbr.abs _section_cstart, $3  }
0xbf: {  	[dreg:$0x1] =	wrdreg $0xFFFFFFFF  }
0xc0: {  	_ =	task.clear_ibuf [dreg:s6], $0x2FFFF;
	_ =	strace $0x9FFFFFFF  }
0xc1: {  	(tm) =	ssettm $0x7FFFFFFF  }
tec
execute0_lowered:
.L_overlay_start_1:
0x0: {  	(tag) =	ssettag $0x1  }
0x1: {  	s0 =	rddreg [dreg:$0x0];
	s2 =	simm.s32 $0x0  }
0x2: {  	s4 =	stileid.u32;
	s3 =	srdreg.scid;
	s28 =	simm.s32 $0x5800  }
0x3: {  	s29 =	simm.s32 $0xD800;
	s30 =	simm.s32 $0x7800;
	s31 =	simm.s32 $0xF800  }
0x4: {  	s10 =	simm.s32 $0x0;
	[smem:$0x7FF] =	sst s2;
	s1 =	sshrl.u32 s4, $0x2  }
0x5: {  	s6 =	sand.u32 $0x1, s3;
	s4 =	sshll.u32 s4, $0x1;
	s3 =	sadd.s32 $0x2A00, s0  }
0x6: {  	s5 =	smul.u32 $0x180, s1;
	_ =	strace $0x80000047;
	s7 =	sor.u32 s6, s4  }
0x7: {  	s4 =	sadd.s32 $0x402A00, s0;
	s6 =	ssub.s32 $0x2, s6;
	s1 =	sshll.u32 s1, $0x17  }
0x8: {  	s8 =	sshll.u32 s7, $0x14;
	s7 =	sshll.u32 s7, $0x5;
	s9 =	sshrl.u32 s6, $0x1  }
0x9: {  	s5 =	sadd.s32 s5, s0;
	s8 =	sand.u32 $0x700000, s8;
	s0 =	sadd.s32 s7, s0  }
0xa: {  	s6 =	ssub.s32 s6, s9;
	s9 =	simm.s32 $0x8;
	s17 =	sadd.s32 $0x2400, s5  }
0xb: {  	s1 =	sor.u32 s1, s8;
	s5 =	sadd.s32 $0x1E00, s5;
	[dreg:$0x2] =	wrdreg s17  }
0xc: {  	s0 =	sadd.s32 $0x802A00, s0;
	s26 =	smax.u32 s6, $0x1;
	[dreg:$0x3] =	wrdreg s5  }
0xd: {  	s6 =	simm.s32 $0x3;
	s8 =	simm.s32 $0x4;
	[dreg:$0xc] =	wrdreg s0  }
0xe: {  	s16 =	sshrl.u32 s1, $0x3;
	[dreg:$0xd] =	wrdreg s26;
	s17 =	sor.u32 $0x8000, s1  }
0xf: {  	s26 =	simm.s32 $0xB800;
	s0 =	simm.s32 $0x1;
	s19 =	sadd.s32 s3, s16  }
0x10: {  	s18 =	sor.u32 $0x400, s16;
	s20 =	sadd.s32 s4, s16;
	[dreg:$0x4] =	wrdreg s19  }
0x11: {  	s22 =	sor.u32 $0x800, s16;
	s7 =	sor.u32 $0xC00, s16;
	[dreg:$0x5] =	wrdreg s20  }
0x12: {  	s21 =	sadd.s32 s3, s18;
	s5 =	sadd.s32 s4, s18;
	s23 =	sadd.s32 s3, s22  }
0x13: {  	s24 =	sadd.s32 s3, s7;
	s25 =	sadd.s32 s4, s7;
	[dreg:$0x6] =	wrdreg s21  }
0x14: {  	s18 =	sor.u32 $0xA000, s1;
	s19 =	sor.u32 $0xC000, s1;
	[dreg:$0x7] =	wrdreg s5  }
.Ltmp0:
0x15: {  	s20 =	sor.u32 $0xE000, s1;
	[dreg:$0x8] =	wrdreg s23;
	(pc) =	sbr.rel .LBB2_1-.Ltmp0, $4  }
0x16: {  	v0 =	vlaneseq.u32;
	s1 =	simm.s32 $0x5;
	s7 =	simm.s32 $0x7;
	[dreg:$0xa] =	wrdreg s24  }
0x17: {  	v22 =	vmul.u32 $0x80, v0;
	s5 =	sadd.s32 s4, s22;
	[dreg:$0xb] =	wrdreg s25;
	s21 =	simm.s32 $0x9  }
0x18: {  	s23 =	simm.s32 $0x1800;
	s24 =	simm.s32 $0x9800;
	s25 =	simm.s32 $0x3800  }
0x19: {  	[tilespmem:$0x1FFF0] =	vst v22;
	s22 =	simm.s32 $0x2;
	[dreg:$0x9] =	wrdreg s5;
	s5 =	simm.s32 $0x6  }
.LBB2_12:
0x1a: {  	[tilespmem:$0x11800] =	vst v35  }
0x1b: {  	[tilespmem:$0x11880] =	vst v1;
	s11 =	rddreg [dreg:$0xc];
	s12 =	simm.s32 $0x11800  }
0x1c: {  	[hbm4b:s11+s2] =	stream.linear.scatter [tilespmem:s12], [sflag:$0x9], $0x100, $0x38;
	[tilespmem:$0x11900] =	vst v63  }
0x1d: {  	_ =	swait.ge [sflag:s21], $0x100  }
0x1e: {  	s10 =	sadd.s32 $0x1, s10;
	s16 =	rddreg [dreg:$0xd]  }
0x1f: {  	p0 =	sne.s32 s10, s16  }
.Ltmp1:
0x20: {  	_ = 	snop;
	(pc) =	sbr.rel @!p0 .LBB2_13-.Ltmp1, $3  }
0x21: {  	_ =	sdelay $0x1  }
0x22: {  	[sflag:s21] =	ssyncset.done $0x0  }
0x23: {  	[sflag:s21] =	ssyncadd.s32 $0xFFFFFF00  }
.LBB2_1:
0x24: {  	s11 =	rddreg [dreg:$0x2]  }
0x25: {  	[tilespmem:s2], [sflag:$0x9] =	stream.linear.gather [hbm4b:s11+s2], $0x880, $0x38;
	[tilespmem:$0x11900] =	vst v63  }
0x26: {  	_ =	swait.ge [sflag:s21], $0x880  }
0x27: {  	[sflag:s21] =	ssyncset.done $0x0  }
0x28: {  	s12 =	simm.s32 $0xC00;
	s13 =	rddreg [dreg:$0x3];
	[sflag:s21] =	ssyncadd.s32 $0xFFFFF780  }
0x29: {  	[tilespmem:s12], [sflag:$0x9] =	stream.linear.gather [hbm4b:s13+s2], $0x880, $0x38;
	[tilespmem:$0x11900] =	vst v63  }
0x2a: {  	_ =	swait.ge [sflag:s21], $0x880  }
0x2b: {  	[sflag:s21] =	ssyncset.done $0x0  }
0x2c: {  	[sflag:s21] =	ssyncadd.s32 $0xFFFFF780  }
0x2d: {  	v23 =	vld [tilespmem:$0x0]  }
0x2e: {  	v24 =	vld [tilespmem:$0x80]  }
0x2f: {  	v25 =	vld [tilespmem:$0x100]  }
0x30: {  	v26 =	vld [tilespmem:$0x180]  }
0x31: {  	v27 =	vld [tilespmem:$0x200]  }
0x32: {  	v28 =	vld [tilespmem:$0x280]  }
0x33: {  	v29 =	vld [tilespmem:$0x300]  }
0x34: {  	v30 =	vld [tilespmem:$0x380]  }
0x35: {  	v31 =	vld [tilespmem:$0x400]  }
0x36: {  	v32 =	vld [tilespmem:$0x480]  }
0x37: {  	v33 =	vld [tilespmem:$0x500]  }
0x38: {  	v34 =	vld [tilespmem:$0x580]  }
0x39: {  	v20 =	vld [tilespmem:$0x600]  }
0x3a: {  	v21 =	vld [tilespmem:$0x680]  }
0x3b: {  	v11 =	vld [tilespmem:$0x700]  }
0x3c: {  	v12 =	vld [tilespmem:$0x780]  }
0x3d: {  	v13 =	vld [tilespmem:$0x800]  }
0x3e: {  	v59 =	vld [tilespmem:$0xC00]  }
0x3f: {  	v60 =	vld [tilespmem:$0xC80]  }
0x40: {  	v17 =	vld [tilespmem:$0xD00]  }
0x41: {  	v18 =	vld [tilespmem:$0xD80]  }
0x42: {  	v19 =	vld [tilespmem:$0xE00]  }
0x43: {  	v1 =	vld [tilespmem:$0xE80]  }
0x44: {  	v61 =	vld [tilespmem:$0xF00]  }
0x45: {  	v2 =	vld [tilespmem:$0xF80]  }
0x46: {  	v36 =	vld [tilespmem:$0x1000]  }
0x47: {  	v48 =	vld [tilespmem:$0x1080]  }
0x48: {  	v15 =	vld [tilespmem:$0x1100]  }
0x49: {  	v63 =	vld [tilespmem:$0x1180]  }
0x4a: {  	v16 =	vld [tilespmem:$0x1200]  }
0x4b: {  	v52 =	vld [tilespmem:$0x1280]  }
0x4c: {  	v57 =	vld [tilespmem:$0x1300]  }
0x4d: {  	s14 =	rddreg [dreg:$0x4];
	v53 =	vld [tilespmem:$0x1380]  }
0x4e: {  	v55 =	vld [tilespmem:$0x1400];
	[tilespmem:s23], [sflag:$0x1] =	stream.linear.gather [hbm4b:s14+s2], $0x2000, $0x38  }
0x4f: {  	s15 =	rddreg [dreg:$0x5]  }
0x50: {  	v0 =	vimm.f32 $0.0e+00;
	[tilespmem:s24], [sflag:$0x5] =	stream.linear.gather [hbm4b:s15+s2], $0x2000, $0x38;
	[tilespmem:$0x11900] =	vst v63  }
0x51: {  	s16 =	rddreg [dreg:$0x6];
	[tilespmem:$0x1FE90] =	vst v0  }
0x52: {  	[tilespmem:s25], [sflag:$0x2] =	stream.linear.gather [hbm4b:s16+s2], $0x2000, $0x38;
	[tilespmem:$0x11900] =	vst v63  }
0x53: {  	[tilespmem:$0x1FEA0] =	vst v60  }
0x54: {  	[tilespmem:$0x1FEB0] =	vst v17  }
0x55: {  	[tilespmem:$0x1FEC0] =	vst v18  }
0x56: {  	[tilespmem:$0x1FED0] =	vst v19  }
0x57: {  	[tilespmem:$0x1FEE0] =	vst v1  }
0x58: {  	[tilespmem:$0x1FEF0] =	vst v61  }
0x59: {  	[tilespmem:$0x1FF00] =	vst v2  }
0x5a: {  	[tilespmem:$0x1FF10] =	vst v36  }
0x5b: {  	[tilespmem:$0x1FF20] =	vst v48  }
0x5c: {  	[tilespmem:$0x1FF30] =	vst v15  }
0x5d: {  	[tilespmem:$0x1FF40] =	vst v63  }
0x5e: {  	[tilespmem:$0x1FF50] =	vst v16  }
0x5f: {  	[tilespmem:$0x1FF60] =	vst v52  }
0x60: {  	[tilespmem:$0x1FF70] =	vst v53  }
0x61: {  	[tilespmem:$0x1FF80] =	vst v55  }
0x62: {  	[tilespmem:$0x1FF90] =	vst v13  }
0x63: {  	s12 =	rddreg [dreg:$0x7];
	[tilespmem:$0x1FFA0] =	vst v12  }
0x64: {  	[tilespmem:s26], [sflag:$0x6] =	stream.linear.gather [hbm4b:s12+s2], $0x2000, $0x38;
	[tilespmem:$0x11900] =	vst v63  }
0x65: {  	s13 =	rddreg [dreg:$0x8];
	[tilespmem:$0x1FFB0] =	vst v57  }
0x66: {  	[tilespmem:s28], [sflag:$0x3] =	stream.linear.gather [hbm4b:s13+s2], $0x2000, $0x38;
	[tilespmem:$0x11900] =	vst v63  }
0x67: {  	s14 =	rddreg [dreg:$0x9];
	[tilespmem:$0x1FFC0] =	vst v11  }
0x68: {  	[tilespmem:s29], [sflag:$0x7] =	stream.linear.gather [hbm4b:s14+s2], $0x2000, $0x38;
	[tilespmem:$0x11900] =	vst v63  }
0x69: {  	s15 =	rddreg [dreg:$0xa];
	[tilespmem:$0x1FFD0] =	vst v59  }
0x6a: {  	[tilespmem:s30], [sflag:$0x4] =	stream.linear.gather [hbm4b:s15+s2], $0x2000, $0x38;
	[tilespmem:$0x11900] =	vst v63  }
0x6b: {  	s11 =	simm.s32 $0x0;
	s16 =	rddreg [dreg:$0xb];
	[tilespmem:$0x1FFE0] =	vst v23  }
0x6c: {  	v35 =	vimm.f32 $0.0e+00;
	[tilespmem:s31], [sflag:$0x8] =	stream.linear.gather [hbm4b:s16+s2], $0x2000, $0x38;
	[tilespmem:$0x11900] =	vst v63  }
.LBB2_2:
0x6d: {  	s12 =	simm.s32 $0x0  }
0x6e: {  	v0 =	vmov s12  }
0x6f: {  	v0 =	vshll.u32 v0, $0x7  }
0x70: {  	_ =	swait.ge [sflag:s0], $0x2000;
	v0 =	vor.u32 v22, v0  }
0x71: {  	v8 =	vmov v1;
	[sflag:s0] =	ssyncset.done $0x0;
	v1 =	vadd.s32 v24, v0  }
0x72: {  	v14 =	vmov v2;
	[sflag:s0] =	ssyncadd.s32 $0xFFFFE000;
	v2 =	vadd.s32 v25, v0  }
0x73: {  	_ =	swait.ge [sflag:s1], $0x2000;
	v3 =	vadd.s32 v26, v0  }
0x74: {  	[sflag:s1] =	ssyncset.done $0x0;
	v4 =	vadd.s32 v60, v0  }
0x75: {  	v5 =	vadd.s32 v30, v0;
	[sflag:s1] =	ssyncadd.s32 $0xFFFFE000  }
0x76: {  	v6 =	vadd.s32 v59, v0;
	v1 =	vld.idx.msk [tilespmem:v1+s23+$0x0], $0xffff  }
0x77: {  	v7 =	vadd.s32 v18, v0;
	v2 =	vld.idx.msk [tilespmem:v2+s23+$0x0], $0xffff  }
0x78: {  	v8 =	vadd.s32 v8, v0;
	v3 =	vld.idx.msk [tilespmem:v3+s23+$0x0], $0xffff  }
0x79: {  	v9 =	vadd.s32 v33, v0;
	v4 =	vld.idx.msk [tilespmem:v4+s24+$0x0], $0xffff  }
0x7a: {  	v10 =	vadd.s32 v23, v0;
	v5 =	vld.idx.msk [tilespmem:v5+s23+$0x0], $0xffff  }
0x7b: {  	v37 =	vadd.s32 v17, v0;
	v6 =	vld.idx.msk [tilespmem:v6+s24+$0x0], $0xffff  }
0x7c: {  	v38 =	vadd.s32 v28, v0;
	v7 =	vld.idx.msk [tilespmem:v7+s24+$0x0], $0xffff  }
0x7d: {  	v41 =	vadd.s32 v27, v0;
	v8 =	vld.idx.msk [tilespmem:v8+s24+$0x0], $0xffff  }
0x7e: {  	v44 =	vadd.s32 v29, v0;
	v9 =	vld.idx.msk [tilespmem:v9+s23+$0x0], $0xffff  }
0x7f: {  	v39 =	vadd.s32 v19, v0;
	v42 =	vadd.s32 v31, v0;
	v10 =	vld.idx.msk [tilespmem:v10+s23+$0x0], $0xffff  }
0x80: {  	v40 =	vadd.s32 v34, v0;
	v43 =	vadd.s32 v32, v0;
	v37 =	vld.idx.msk [tilespmem:v37+s24+$0x0], $0xffff;
	v1 =	vmul.f32 $1.442695020e+00, v1  }
0x81: {  	v45 =	vadd.s32 v20, v0;
	v47 =	vadd.s32 v61, v0;
	v38 =	vld.idx.msk [tilespmem:v38+s23+$0x0], $0xffff;
	v5 =	vmul.f32 $1.442695020e+00, v5  }
0x82: {  	v41 =	vld.idx.msk [tilespmem:v41+s23+$0x0], $0xffff;
	v46 =	vadd.f32 $0.0e+00, v6;
	v3 =	vmul.f32 $1.442695020e+00, v3;
	(erf) = vpow2.f32 v1  }
0x83: {  	v62 =	vadd.s32 v11, v0;
	v44 =	vld.idx.msk [tilespmem:v44+s23+$0x0], $0xffff;
	v2 =	vmul.f32 $1.442695020e+00, v2;
	(erf) = vpow2.f32 v5  }
0x84: {  	v42 =	vld.idx.msk [tilespmem:v42+s23+$0x0], $0xffff;
	v10 =	vmul.f32 $1.442695020e+00, v10;
	v5 =	vadd.f32 v4, v46;
	(erf) = vpow2.f32 v3  }
0x85: {  	v54 =	vadd.s32 v21, v0;
	v56 =	vadd.s32 v48, v0;
	v1 =	vld.idx.msk [tilespmem:v39+s24+$0x0], $0xffff;
	(erf) = vpow2.f32 v2  }
0x86: {  	v49 =	vadd.s32 v16, v0;
	v43 =	vld.idx.msk [tilespmem:v43+s23+$0x0], $0xffff;
	v2 =	vadd.f32 v37, v5;
	(erf) = vpow2.f32 v10  }
0x87: {  	v50 =	vadd.s32 v52, v0;
	v53 =	vadd.s32 v53, v0;
	v45 =	vld.idx.msk [tilespmem:v45+s23+$0x0], $0xffff;
	v3 =	vadd.s32 v14, v0  }
0x88: {  	v47 =	vld.idx.msk [tilespmem:v47+s24+$0x0], $0xffff;
	v38 =	vmul.f32 $1.442695020e+00, v38;
	v44 =	vmul.f32 $1.442695020e+00, v44;
	v2 =	vadd.f32 v7, v2  }
0x89: {  	v58 =	vmul.f32 $1.442695020e+00, v41;
	v9 =	vmul.f32 $1.442695020e+00, v9;
	v41 =	vld.idx.msk [tilespmem:v62+s23+$0x0], $0xffff;
	v5 =	vadd.s32 v36, v0  }
0x8a: {  	v42 =	vmul.f32 $1.442695020e+00, v42;
	v39 =	vld.idx.msk [tilespmem:v40+s23+$0x0], $0xffff;
	(erf) = vpow2.f32 v38;
	v2 =	vadd.f32 v1, v2  }
0x8b: {  	v55 =	vadd.s32 v55, v0;
	v43 =	vmul.f32 $1.442695020e+00, v43;
	v40 =	vld.idx.msk [tilespmem:v54+s23+$0x0], $0xffff;
	v51 =	vpop (erf);
	(erf) = vpow2.f32 v58  }
0x8c: {  	v10 =	vadd.s32 v15, v0;
	v3 =	vld.idx.msk [tilespmem:v3+s24+$0x0], $0xffff;
	v2 =	vadd.f32 v8, v2;
	(erf) = vpow2.f32 v44;
	v44 =	vpop (erf)  }
0x8d: {  	v58 =	vmul.f32 $1.442695020e+00, v45;
	v45 =	vadd.s32 v12, v0;
	v12 =	vmov v52;
	v52 =	vpop (erf)  }
0x8e: {  	v14 =	vmov v48;
	v48 =	vadd.s32 v63, v0;
	v41 =	vmul.f32 $1.442695020e+00, v41;
	v5 =	vld.idx.msk [tilespmem:v5+s24+$0x0], $0xffff;
	v54 =	vpop (erf)  }
0x8f: {  	v39 =	vmul.f32 $1.442695020e+00, v39;
	v2 =	vadd.f32 v47, v2;
	(erf) = vpow2.f32 v58;
	v62 =	vpop (erf)  }
0x90: {  	v46 =	vld.idx.msk [tilespmem:v56+s24+$0x0], $0xffff;
	v38 =	vadd.s32 v13, v0;
	v40 =	vmul.f32 $1.442695020e+00, v40;
	v58 =	vadd.f32 $0.0e+00, v62  }
0x91: {  	v13 =	vmovc v36;
	(erf) = vpow2.f32 v42;
	v2 =	vadd.f32 v3, v2;
	v6 =	vmul.f32 v62, v6  }
0x92: {  	v36 =	vld.idx.msk [tilespmem:v10+s24+$0x0], $0xffff;
	v0 =	vadd.s32 v57, v0;
	v4 =	vmul.f32 v51, v4;
	v62 =	vadd.f32 v51, v58  }
0x93: {  	v7 =	vmul.f32 v52, v7;
	v45 =	vld.idx.msk [tilespmem:v45+s23+$0x0], $0xffff;
	v2 =	vadd.f32 v5, v2;
	v6 =	vadd.f32 $0.0e+00, v6  }
0x94: {  	v48 =	vld.idx.msk [tilespmem:v48+s24+$0x0], $0xffff;
	v56 =	vmul.f32 v54, v37;
	(erf) = vpow2.f32 v40;
	v42 =	vpop (erf);
	v40 =	vadd.f32 v54, v62  }
0x95: {  	v8 =	vmul.f32 v42, v8;
	v2 =	vadd.f32 v46, v2;
	v4 =	vadd.f32 v4, v6  }
0x96: {  	v37 =	vld.idx.msk [tilespmem:v49+s24+$0x0], $0xffff;
	v49 =	vpop (erf);
	(erf) = vpow2.f32 v9;
	v62 =	vmul.f32 v44, v3;
	v6 =	vadd.f32 v52, v40  }
0x97: {  	v57 =	vpop (erf);
	v1 =	vmul.f32 v49, v1;
	v2 =	vadd.f32 v36, v2;
	v4 =	vadd.f32 v56, v4  }
0x98: {  	s16 =	simm.s32 $0x10;
	v51 =	vld.idx.msk [tilespmem:v38+s23+$0x0], $0xffff;
	v58 =	vmul.f32 $1.442695020e+00, v45;
	v38 =	vpop (erf);
	(erf) = vpow2.f32 v43;
	v6 =	vadd.f32 v49, v6  }
0x99: {  	v11 =	vld.idx.msk [tilespmem:v50+s24+$0x0], $0xffff;
	v52 =	vmov s16;
	v2 =	vadd.f32 v48, v2;
	v4 =	vadd.f32 v7, v4  }
0x9a: {  	v50 =	vpop (erf);
	(erf) = vpow2.f32 v41;
	v41 =	vmul.f32 v57, v47;
	v6 =	vadd.f32 v42, v6  }
0x9b: {  	v0 =	vld.idx.msk [tilespmem:v0+s24+$0x0], $0xffff;
	(erf) = vpow2.f32 v58;
	v2 =	vadd.f32 v37, v2;
	v1 =	vadd.f32 v1, v4  }
0x9c: {  	(erf) = vpow2.f32 v39;
	v39 =	vshll.u32 v52, $0x7;
	v6 =	vadd.f32 v57, v6  }
0x9d: {  	v51 =	vmul.f32 $1.442695020e+00, v51;
	v39 =	vor.u32 v22, v39;
	v1 =	vadd.f32 v8, v1  }
0x9e: {  	v2 =	vadd.f32 v11, v2;
	v6 =	vadd.f32 v44, v6;
	v44 =	vld.idx.msk [tilespmem:v55+s24+$0x0], $0xffff;
	v55 =	vadd.s32 v60, v39  }
0x9f: {  	v10 =	vmul.f32 v50, v5;
	v56 =	vpop (erf);
	v58 =	vld.idx.msk [tilespmem:v53+s24+$0x0], $0xffff;
	v3 =	vadd.s32 v17, v39;
	v1 =	vadd.f32 v41, v1  }
0xa0: {  	[tilespmem:$0x1FE70] =	vst v3;
	v52 =	vadd.f32 v0, v2;
	v2 =	vadd.s32 v23, v39;
	v4 =	vpop (erf);
	v6 =	vadd.f32 v50, v6  }
0xa1: {  	v40 =	vadd.s32 v24, v39;
	[tilespmem:$0x1FE50] =	vst v2;
	v2 =	vadd.s32 v27, v39;
	v54 =	vpop (erf);
	v1 =	vadd.f32 v62, v1  }
0xa2: {  	v42 =	vadd.s32 v25, v39;
	v3 =	vld [tilespmem:$0x1FEE0];
	[tilespmem:$0x1FE80] =	vst v2;
	v2 =	vadd.s32 v28, v39;
	v6 =	vadd.f32 v54, v6  }
0xa3: {  	(erf) = vpow2.f32 v51;
	[tilespmem:$0x1FE60] =	vst v2;
	v2 =	vmul.f32 v54, v46;
	v1 =	vadd.f32 v10, v1;
	v51 =	vld.idx.msk [tilespmem:v55+s24+$0x0], $0xffff  }
0xa4: {  	v43 =	vadd.s32 v26, v39;
	v55 =	vmul.f32 v4, v36;
	v4 =	vadd.f32 v4, v6;
	v6 =	vld [tilespmem:$0x1FF00]  }
0xa5: {  	v49 =	vadd.s32 v30, v39;
	v2 =	vadd.f32 v2, v1;
	v1 =	vld [tilespmem:$0x1FE50]  }
0xa6: {  	v8 =	vld [tilespmem:$0x1FE90];
	v50 =	vadd.s32 v59, v39  }
0xa7: {  	v59 =	vld.idx.msk [tilespmem:v40+s23+$0x0], $0xffff  }
0xa8: {  	v47 =	vadd.f32 v58, v52;
	v5 =	vpop (erf);
	v42 =	vld.idx.msk [tilespmem:v42+s23+$0x0], $0xffff  }
0xa9: {  	v45 =	vld.idx.msk [tilespmem:v43+s23+$0x0], $0xffff;
	v60 =	vpop (erf)  }
0xaa: {  	v7 =	vld.idx.msk [tilespmem:v49+s23+$0x0], $0xffff;
	v43 =	vadd.s32 v3, v39;
	v41 =	vpop (erf);
	v53 =	vadd.s32 v6, v39;
	v6 =	vadd.f32 v44, v47  }
0xab: {  	v50 =	vld.idx.msk [tilespmem:v50+s24+$0x0], $0xffff;
	v4 =	vadd.f32 v41, v4  }
0xac: {  	v3 =	vadd.s32 v33, v39;
	v36 =	vadd.f32 v6, v8;
	v8 =	vadd.f32 v55, v2;
	v2 =	vld [tilespmem:$0x1FE70]  }
0xad: {  	v9 =	vadd.s32 v32, v39;
	v52 =	vadd.s32 v13, v39;
	v46 =	vadd.s32 v18, v39;
	v13 =	vld.idx.msk [tilespmem:v1+s23+$0x0], $0xffff  }
0xae: {  	v54 =	vadd.s32 v61, v39;
	v61 =	vmul.f32 v41, v48;
	v1 =	vadd.f32 v38, v4;
	v4 =	vld [tilespmem:$0x1FE60]  }
0xaf: {  	v17 =	vadd.s32 v19, v39;
	v43 =	vld.idx.msk [tilespmem:v43+s24+$0x0], $0xffff  }
0xb0: {  	v57 =	vadd.s32 v31, v39;
	v62 =	vpop (erf);
	v61 =	vadd.f32 v61, v8;
	v8 =	vld [tilespmem:$0x1FE80]  }
0xb1: {  	v49 =	vadd.s32 v14, v39;
	v40 =	vmul.f32 v62, v44;
	v44 =	vadd.s32 v63, v39;
	v63 =	vld.idx.msk [tilespmem:v3+s23+$0x0], $0xffff  }
0xb2: {  	v10 =	vadd.s32 v34, v39;
	v41 =	vmul.f32 v5, v0;
	v0 =	vmul.f32 $1.442695020e+00, v42;
	v47 =	vld.idx.msk [tilespmem:v46+s24+$0x0], $0xffff  }
0xb3: {  	v48 =	vadd.s32 v16, v39;
	v42 =	vmul.f32 v60, v58;
	v6 =	vmul.f32 $1.442695020e+00, v59;
	v59 =	vld.idx.msk [tilespmem:v9+s23+$0x0], $0xffff  }
0xb4: {  	v46 =	vadd.s32 v15, v39;
	v3 =	vmul.f32 $1.442695020e+00, v45;
	v45 =	vadd.s32 v12, v39;
	v55 =	vld.idx.msk [tilespmem:v17+s24+$0x0], $0xffff  }
0xb5: {  	(erf) = vpow2.f32 v6;
	v1 =	vadd.f32 v56, v1;
	v58 =	vld.idx.msk [tilespmem:v2+s24+$0x0], $0xffff;
	v2 =	vmul.f32 $1.442695020e+00, v7  }
0xb6: {  	v6 =	vadd.s32 v21, v39;
	v56 =	vmul.f32 v56, v11;
	v63 =	vmul.f32 $1.442695020e+00, v63;
	v4 =	vld.idx.msk [tilespmem:v4+s23+$0x0], $0xffff  }
0xb7: {  	v9 =	vadd.f32 v5, v1;
	v5 =	vadd.s32 v20, v39;
	(erf) = vpow2.f32 v2;
	v2 =	vld.idx.msk [tilespmem:v10+s23+$0x0], $0xffff  }
0xb8: {  	s12 =	simm.s32 $0x20;
	v1 =	vadd.f32 $0.0e+00, v50;
	v7 =	vadd.s32 v29, v39;
	v10 =	vmul.f32 $1.442695020e+00, v13;
	v8 =	vld.idx.msk [tilespmem:v8+s23+$0x0], $0xffff  }
.LBB2_3:
0xb9: {  	v11 =	vld [tilespmem:$0x1FFA0];
	_ =	sdelay $0x4  }
0xba: {  	v17 =	vadd.s32 v11, v39;
	v11 =	vld [tilespmem:$0x1FF90];
	_ =	sdelay $0x1  }
0xbb: {  	v7 =	vld.idx.msk [tilespmem:v7+s23+$0x0], $0xffff;
	(erf) = vpow2.f32 v3;
	v1 =	vadd.f32 v51, v1  }
0xbc: {  	v3 =	vmul.f32 v38, v37;
	v5 =	vld.idx.msk [tilespmem:v5+s23+$0x0], $0xffff;
	(erf) = vpow2.f32 v0;
	v0 =	vadd.f32 v60, v9  }
0xbd: {  	v9 =	vld [tilespmem:$0x1FFC0];
	v4 =	vmul.f32 $1.442695020e+00, v4;
	(erf) = vpow2.f32 v10;
	v1 =	vadd.f32 v58, v1  }
0xbe: {  	v3 =	vadd.f32 v3, v61;
	v0 =	vadd.f32 v62, v0;
	v61 =	vadd.s32 v11, v39;
	v11 =	vld [tilespmem:$0x1FF80]  }
0xbf: {  	v10 =	vld.idx.msk [tilespmem:v57+s23+$0x0], $0xffff;
	(erf) = vpow2.f32 v4;
	v1 =	vadd.f32 v47, v1  }
0xc0: {  	v6 =	vld.idx.msk [tilespmem:v6+s23+$0x0], $0xffff;
	v3 =	vadd.f32 v56, v3;
	v60 =	vpop (erf);
	(erf) = vrcp.f32 v0  }
0xc1: {  	v4 =	vmul.f32 $1.442695020e+00, v8;
	v8 =	vld [tilespmem:$0x1FF70]  }
0xc2: {  	v12 =	vmul.f32 $1.442695020e+00, v7;
	v5 =	vmul.f32 $1.442695020e+00, v5;
	v3 =	vadd.f32 v41, v3;
	v41 =	vld.idx.msk [tilespmem:v49+s24+$0x0], $0xffff  }
0xc3: {  	v0 =	vadd.f32 v55, v1;
	(erf) = vpow2.f32 v4;
	v1 =	vpop (erf);
	v49 =	vadd.s32 v11, v39;
	v11 =	vld [tilespmem:$0x1FFB0]  }
0xc4: {  	v9 =	vadd.s32 v9, v39;
	v10 =	vmul.f32 $1.442695020e+00, v10;
	v4 =	vld.idx.msk [tilespmem:v52+s24+$0x0], $0xffff;
	(erf) = vpow2.f32 v12;
	v52 =	vpop (erf)  }
0xc5: {  	v6 =	vmul.f32 $1.442695020e+00, v6;
	v62 =	vpop (erf);
	(erf) = vpow2.f32 v5  }
0xc6: {  	v3 =	vadd.f32 v42, v3;
	v15 =	vpop (erf);
	(erf) = vpow2.f32 v10  }
0xc7: {  	v8 =	vadd.s32 v8, v39  }
0xc8: {  	v3 =	vadd.f32 v40, v3;
	v16 =	vpop (erf);
	v39 =	vadd.s32 v11, v39;
	v11 =	vadd.f32 $0.0e+00, v15  }
0xc9: {  	v9 =	vld.idx.msk [tilespmem:v9+s23+$0x0], $0xffff;
	v50 =	vmul.f32 v15, v50;
	(erf) = vpow2.f32 v6;
	v6 =	vpop (erf)  }
0xca: {  	v5 =	vld.idx.msk [tilespmem:v17+s23+$0x0], $0xffff;
	v3 =	vmul.f32 v6, v3;
	v38 =	vadd.f32 v60, v11  }
0xcb: {  	v2 =	vmul.f32 $1.442695020e+00, v2;
	v51 =	vmul.f32 v60, v51;
	v60 =	vadd.f32 $0.0e+00, v50  }
0xcc: {  	v40 =	vmul.f32 v52, v47;
	v10 =	vmul.f32 v62, v58;
	v61 =	vld.idx.msk [tilespmem:v61+s23+$0x0], $0xffff;
	v17 =	vpop (erf);
	v35 =	vadd.f32 v3, v35  }
0xcd: {  	v6 =	vmul.f32 $1.442695020e+00, v59;
	v11 =	vadd.f32 v62, v38;
	v62 =	vpop (erf);
	v3 =	vadd.f32 v51, v60  }
0xce: {  	v9 =	vmul.f32 $1.442695020e+00, v9;
	(erf) = vpow2.f32 v63;
	v38 =	vpop (erf)  }
0xcf: {  	v54 =	vld.idx.msk [tilespmem:v54+s24+$0x0], $0xffff;
	v5 =	vmul.f32 $1.442695020e+00, v5;
	v3 =	vadd.f32 v10, v3;
	v15 =	vpop (erf);
	(erf) = vpow2.f32 v6  }
0xd0: {  	v13 =	vmul.f32 v17, v55;
	v14 =	vadd.f32 v52, v11;
	(erf) = vpow2.f32 v9  }
0xd1: {  	v7 =	vld.idx.msk [tilespmem:v53+s24+$0x0], $0xffff;
	v11 =	vmul.f32 $1.442695020e+00, v61;
	v3 =	vadd.f32 v40, v3;
	(erf) = vpow2.f32 v5  }
0xd2: {  	v0 =	vadd.f32 v43, v0;
	v43 =	vmul.f32 v16, v43;
	(erf) = vpow2.f32 v2  }
0xd3: {  	v6 =	vadd.f32 v17, v14;
	v2 =	vpop (erf);
	v3 =	vadd.f32 v13, v3;
	(erf) = vpow2.f32 v11;
	v11 =	vld [tilespmem:$0x1FEA0]  }
0xd4: {  	s13 =	smov.u32 s12;
	v0 =	vadd.f32 v54, v0;
	v9 =	vmul.f32 v62, v54  }
0xd5: {  	v5 =	vadd.f32 v16, v6;
	v16 =	vmov s13;
	v3 =	vadd.f32 v43, v3  }
0xd6: {  	v0 =	vadd.f32 v7, v0;
	v10 =	vshll.u32 v16, $0x7  }
0xd7: {  	v7 =	vmul.f32 v1, v7;
	v55 =	vld.idx.msk [tilespmem:v39+s24+$0x0], $0xffff;
	v39 =	vor.u32 v22, v10;
	v3 =	vadd.f32 v9, v3  }
0xd8: {  	v44 =	vld.idx.msk [tilespmem:v44+s24+$0x0], $0xffff;
	v54 =	vadd.s32 v11, v39  }
0xd9: {  	v7 =	vadd.f32 v7, v3;
	v3 =	vld [tilespmem:$0x1FEF0]  }
0xda: {  	v37 =	vld.idx.msk [tilespmem:v48+s24+$0x0], $0xffff  }
0xdb: {  	v56 =	vld.idx.msk [tilespmem:v45+s24+$0x0], $0xffff  }
0xdc: {  	v42 =	vld.idx.msk [tilespmem:v46+s24+$0x0], $0xffff  }
0xdd: {  	v5 =	vadd.f32 v62, v5;
	v51 =	vld.idx.msk [tilespmem:v54+s24+$0x0], $0xffff  }
0xde: {  	v0 =	vadd.f32 v4, v0;
	v54 =	vadd.s32 v3, v39;
	v3 =	vld [tilespmem:$0x1FF00]  }
0xdf: {  	v48 =	vld.idx.msk [tilespmem:v49+s24+$0x0], $0xffff;
	v1 =	vadd.f32 v1, v5  }
0xe0: {  	v0 =	vadd.f32 v41, v0;
	v40 =	vld [tilespmem:$0x1FED0];
	v17 =	vadd.s32 v24, v39  }
0xe1: {  	v13 =	vld [tilespmem:$0x1FEC0];
	v6 =	vpop (erf);
	v1 =	vadd.f32 v15, v1  }
0xe2: {  	v0 =	vadd.f32 v42, v0;
	v16 =	vld [tilespmem:$0x1FFD0];
	v52 =	vadd.s32 v26, v39;
	v53 =	vpop (erf)  }
0xe3: {  	v63 =	vmul.f32 v53, v41;
	v1 =	vadd.f32 v53, v1;
	v53 =	vadd.s32 v3, v39;
	v3 =	vld [tilespmem:$0x1FF10]  }
0xe4: {  	v5 =	vld.idx.msk [tilespmem:v8+s24+$0x0], $0xffff  }
0xe5: {  	v0 =	vadd.f32 v44, v0;
	v10 =	vadd.s32 v23, v39;
	v59 =	vld.idx.msk [tilespmem:v17+s23+$0x0], $0xffff  }
0xe6: {  	v8 =	vadd.s32 v25, v39;
	v17 =	vld [tilespmem:$0x1FEB0]  }
0xe7: {  	v0 =	vadd.f32 v37, v0;
	v49 =	vadd.s32 v30, v39;
	v45 =	vld.idx.msk [tilespmem:v52+s23+$0x0], $0xffff  }
0xe8: {  	v52 =	vadd.s32 v3, v39;
	v3 =	vld [tilespmem:$0x1FF20]  }
0xe9: {  	v0 =	vadd.f32 v56, v0;
	v4 =	vmul.f32 v15, v4;
	v43 =	vadd.s32 v16, v39;
	v15 =	vld [tilespmem:$0x1FEE0]  }
0xea: {  	v10 =	vld.idx.msk [tilespmem:v10+s23+$0x0], $0xffff  }
0xeb: {  	v0 =	vadd.f32 v55, v0;
	v11 =	vpop (erf);
	v41 =	vadd.s32 v13, v39;
	v8 =	vld.idx.msk [tilespmem:v8+s23+$0x0], $0xffff  }
0xec: {  	v56 =	vmul.f32 v2, v56;
	v60 =	vpop (erf);
	v12 =	vadd.s32 v17, v39;
	v17 =	vld.idx.msk [tilespmem:v49+s23+$0x0], $0xffff  }
0xed: {  	v14 =	vadd.s32 v32, v39;
	v9 =	vpop (erf);
	v0 =	vadd.f32 v5, v0;
	v49 =	vadd.s32 v3, v39;
	v3 =	vld [tilespmem:$0x1FF30]  }
0xee: {  	v18 =	vmul.f32 v6, v42;
	v16 =	vadd.s32 v33, v39;
	v13 =	vadd.s32 v40, v39;
	v62 =	vpop (erf);
	v50 =	vld.idx.msk [tilespmem:v43+s24+$0x0], $0xffff  }
0xef: {  	v1 =	vadd.f32 v6, v1;
	v40 =	vmul.f32 v62, v48;
	v6 =	vadd.f32 v48, v0;
	v48 =	vld [tilespmem:$0x1FF50]  }
0xf0: {  	v61 =	vadd.s32 v27, v39;
	v58 =	vadd.s32 v28, v39;
	v57 =	vadd.s32 v31, v39;
	v47 =	vld.idx.msk [tilespmem:v41+s24+$0x0], $0xffff  }
0xf1: {  	v15 =	vadd.s32 v15, v39;
	v41 =	vmul.f32 v11, v55;
	v55 =	vadd.f32 v4, v7;
	v4 =	vld [tilespmem:$0x1FF60]  }
0xf2: {  	v42 =	vmul.f32 v60, v5;
	v1 =	vadd.f32 v9, v1;
	v46 =	vadd.s32 v3, v39;
	v3 =	vld [tilespmem:$0x1FF40]  }
0xf3: {  	v19 =	vmul.f32 v9, v44;
	v36 =	vadd.f32 v6, v36;
	v6 =	vmul.f32 $1.442695020e+00, v59;
	v59 =	vld.idx.msk [tilespmem:v14+s23+$0x0], $0xffff  }
0xf4: {  	v9 =	vadd.s32 v34, v39;
	v0 =	vmul.f32 $1.442695020e+00, v8;
	v8 =	vld.idx.msk [tilespmem:v16+s23+$0x0], $0xffff;
	v1 =	vadd.f32 v38, v1  }
0xf5: {  	p0 =	sne.s32 s12, $0x30;
	v5 =	vadd.s32 v20, v39;
	v7 =	vadd.s32 v29, v39;
	v63 =	vadd.f32 v63, v55;
	v55 =	vld.idx.msk [tilespmem:v13+s24+$0x0], $0xffff  }
.Ltmp2:
0xf6: {  	v10 =	vmul.f32 $1.442695020e+00, v10;
	(erf) = vpow2.f32 v6;
	v43 =	vld.idx.msk [tilespmem:v15+s24+$0x0], $0xffff;
	v15 =	vadd.f32 v2, v1;
	(pc) =	sbr.rel @p0 .LBB2_3-.Ltmp2, $4  }
0xf7: {  	v44 =	vadd.s32 v3, v39;
	v3 =	vmul.f32 $1.442695020e+00, v45;
	v45 =	vadd.s32 v4, v39;
	v4 =	vld.idx.msk [tilespmem:v58+s23+$0x0], $0xffff  }
0xf8: {  	v6 =	vadd.s32 v21, v39;
	v58 =	vld.idx.msk [tilespmem:v12+s24+$0x0], $0xffff;
	v12 =	vmul.f32 $1.442695020e+00, v17;
	v17 =	vadd.f32 v18, v63  }
0xf9: {  	v48 =	vadd.s32 v48, v39;
	v1 =	vadd.f32 $0.0e+00, v50;
	v2 =	vld.idx.msk [tilespmem:v9+s23+$0x0], $0xffff;
	v9 =	vadd.f32 v11, v15  }
0xfa: {  	s12 =	sadd.s32 $0x10, s12;
	v63 =	vmul.f32 $1.442695020e+00, v8;
	v8 =	vld.idx.msk [tilespmem:v61+s23+$0x0], $0xffff;
	(erf) = vpow2.f32 v12;
	v61 =	vadd.f32 v19, v17  }
0xfb: {  	_ = 	snop  }
0xfc: {  	(erf) = vpow2.f32 v3  }
0xfd: {  	(erf) = vpow2.f32 v0  }
0xfe: {  	(erf) = vpow2.f32 v10  }
0xff: {  	v5 =	vld.idx.msk [tilespmem:v5+s23+$0x0], $0xffff;
	v0 =	vadd.f32 v60, v9  }
0x100: {  	v3 =	vmul.f32 $1.442695020e+00, v4;
	v4 =	vld.idx.msk [tilespmem:v7+s23+$0x0], $0xffff  }
0x101: {  	v60 =	vld [tilespmem:$0x1FFC0];
	v0 =	vadd.f32 v62, v0  }
0x102: {  	v10 =	vld.idx.msk [tilespmem:v57+s23+$0x0], $0xffff;
	v7 =	vpop (erf);
	(erf) = vpow2.f32 v3;
	v3 =	vmul.f32 $1.442695020e+00, v8  }
0x103: {  	v57 =	vld [tilespmem:$0x1FFA0]  }
0x104: {  	v6 =	vld.idx.msk [tilespmem:v6+s23+$0x0], $0xffff;
	v8 =	vpop (erf);
	(erf) = vrcp.f32 v0  }
0x105: {  	v0 =	vpop (erf)  }
0x106: {  	v9 =	vadd.s32 v60, v39;
	(erf) = vpow2.f32 v3;
	v3 =	vpop (erf)  }
0x107: {  	v4 =	vmul.f32 $1.442695020e+00, v4;
	v12 =	vpop (erf)  }
0x108: {  	v11 =	vadd.s32 v57, v39;
	v10 =	vmul.f32 $1.442695020e+00, v10;
	v13 =	vadd.f32 $0.0e+00, v12  }
0x109: {  	v5 =	vmul.f32 $1.442695020e+00, v5;
	v6 =	vmul.f32 $1.442695020e+00, v6  }
0x10a: {  	(erf) = vpow2.f32 v4;
	v4 =	vadd.f32 v7, v13  }
0x10b: {  	v9 =	vld.idx.msk [tilespmem:v9+s23+$0x0], $0xffff;
	(erf) = vpow2.f32 v5  }
0x10c: {  	(erf) = vpow2.f32 v10;
	v10 =	vpop (erf);
	v4 =	vadd.f32 v3, v4  }
0x10d: {  	v5 =	vld.idx.msk [tilespmem:v11+s23+$0x0], $0xffff;
	(erf) = vpow2.f32 v6;
	v6 =	vpop (erf)  }
0x10e: {  	[tilespmem:$0x1FE20] =	vst v6;
	v6 =	vmul.f32 $1.442695020e+00, v59;
	v4 =	vadd.f32 v0, v4;
	v59 =	vld [tilespmem:$0x1FF90]  }
0x10f: {  	v11 =	vpop (erf)  }
0x110: {  	v9 =	vmul.f32 $1.442695020e+00, v9;
	(erf) = vpow2.f32 v63;
	v4 =	vadd.f32 v11, v4  }
0x111: {  	(erf) = vpow2.f32 v6  }
0x112: {  	v5 =	vmul.f32 $1.442695020e+00, v5;
	v4 =	vadd.f32 v10, v4  }
0x113: {  	v2 =	vmul.f32 $1.442695020e+00, v2;
	(erf) = vpow2.f32 v9;
	v6 =	vadd.s32 v59, v39  }
0x114: {  	v9 =	vpop (erf);
	(erf) = vpow2.f32 v5  }
0x115: {  	(erf) = vpow2.f32 v2;
	v2 =	vadd.f32 v9, v4  }
0x116: {  	v4 =	vpop (erf)  }
0x117: {  	v2 =	vadd.f32 v8, v2;
	v5 =	vpop (erf)  }
0x118: {  	v6 =	vld.idx.msk [tilespmem:v6+s23+$0x0], $0xffff;
	v13 =	vpop (erf)  }
0x119: {  	v2 =	vadd.f32 v5, v2;
	v14 =	vpop (erf)  }
0x11a: {  	v15 =	vpop (erf)  }
0x11b: {  	v2 =	vadd.f32 v15, v2  }
0x11c: {  	v16 =	vpop (erf)  }
0x11d: {  	v17 =	vpop (erf);
	v6 =	vmul.f32 $1.442695020e+00, v6;
	v2 =	vadd.f32 v14, v2  }
0x11e: {  	v12 =	vmul.f32 v12, v50;
	v18 =	vpop (erf)  }
0x11f: {  	(erf) = vpow2.f32 v6;
	v2 =	vadd.f32 v18, v2  }
0x120: {  	v6 =	vmul.f32 v7, v51;
	v7 =	vadd.f32 $0.0e+00, v12  }
0x121: {  	v2 =	vadd.f32 v4, v2  }
0x122: {  	v3 =	vmul.f32 v3, v58;
	v6 =	vadd.f32 v6, v7  }
0x123: {  	v1 =	vadd.f32 v51, v1;
	v62 =	vld.idx.msk [tilespmem:v49+s24+$0x0], $0xffff;
	v2 =	vadd.f32 v13, v2  }
0x124: {  	v49 =	vld [tilespmem:$0x1FF70];
	v0 =	vmul.f32 v0, v47;
	v7 =	vmul.f32 v11, v55;
	v3 =	vadd.f32 v3, v6  }
0x125: {  	v1 =	vadd.f32 v58, v1;
	v6 =	vld.idx.msk [tilespmem:v54+s24+$0x0], $0xffff;
	v2 =	vadd.f32 v16, v2  }
0x126: {  	v54 =	vld [tilespmem:$0x1FF80];
	v0 =	vadd.f32 v0, v3  }
0x127: {  	v1 =	vadd.f32 v47, v1;
	v3 =	vld.idx.msk [tilespmem:v53+s24+$0x0], $0xffff;
	v2 =	vadd.f32 v17, v2  }
0x128: {  	v10 =	vmul.f32 v10, v43;
	v51 =	vld [tilespmem:$0x1FFB0];
	v0 =	vadd.f32 v7, v0;
	v7 =	vpop (erf)  }
0x129: {  	v1 =	vadd.f32 v55, v1;
	v11 =	vld.idx.msk [tilespmem:v52+s24+$0x0], $0xffff;
	v2 =	vadd.f32 v7, v2  }
0x12a: {  	v63 =	vadd.s32 v49, v39;
	v9 =	vmul.f32 v9, v6;
	v0 =	vadd.f32 v10, v0  }
0x12b: {  	v46 =	vld.idx.msk [tilespmem:v46+s24+$0x0], $0xffff;
	v1 =	vadd.f32 v43, v1;
	v10 =	vadd.s32 v54, v39;
	(erf) = vrcp.f32 v2  }
0x12c: {  	v8 =	vmul.f32 v8, v3;
	v0 =	vadd.f32 v9, v0  }
0x12d: {  	v44 =	vld.idx.msk [tilespmem:v44+s24+$0x0], $0xffff;
	p0 =	seq.s32 s11, $0x1F;
	v19 =	vadd.s32 v51, v39;
	v1 =	vadd.f32 v6, v1  }
0x12e: {  	s12 =	sshll.u32 @!p0 s11, $0xF;
	v5 =	vmul.f32 v5, v11;
	v6 =	vld.idx.msk [tilespmem:v45+s24+$0x0], $0xffff;
	v0 =	vadd.f32 v8, v0  }
0x12f: {  	s13 =	sadd.s32 @!p0 s17, s12;
	v1 =	vadd.f32 v3, v1;
	v3 =	vld.idx.msk [tilespmem:v63+s24+$0x0], $0xffff  }
0x130: {  	s13 =	sshrl.u32 @!p0 s13, $0x3;
	v8 =	vld.idx.msk [tilespmem:v10+s24+$0x0], $0xffff;
	v10 =	vmul.f32 v15, v62;
	v0 =	vadd.f32 v5, v0;
	v5 =	vmul.f32 v14, v46  }
0x131: {  	s15 =	simm.s32 @!p0 $0x0;
	s16 =	simm.s32 @!p0 $0x1800;
	s14 =	sadd.s32 @!p0 s3, s13;
	v2 =	vld.idx.msk [tilespmem:v48+s24+$0x0], $0xffff  }
0x132: {  	v9 =	vld.idx.msk [tilespmem:v19+s24+$0x0], $0xffff;
	[tilespmem:s16], [sflag:$0x1] =	stream.linear.gather @!p0 [hbm4b:s14+s15], $0x2000, $0x38;
	v0 =	vadd.f32 v10, v0  }
0x133: {  	s13 =	sadd.s32 @!p0 s4, s13;
	s16 =	simm.s32 @!p0 $0x9800  }
0x134: {  	[tilespmem:s16], [sflag:$0x5] =	stream.linear.gather @!p0 [hbm4b:s13+s15], $0x2000, $0x38;
	v0 =	vadd.f32 v5, v0;
	v5 =	vpop (erf);
	[tilespmem:$0x11900] =	vst v63  }
0x135: {  	v10 =	vmul.f32 v38, v37;
	_ =	swait.ge [sflag:s22], $0x2000  }
0x136: {  	[sflag:s22] =	ssyncset.done $0x0  }
0x137: {  	v10 =	vadd.f32 v10, v61;
	[sflag:s22] =	ssyncadd.s32 $0xFFFFE000  }
0x138: {  	_ =	swait.ge [sflag:s5], $0x2000  }
0x139: {  	v1 =	vadd.f32 v11, v1;
	s14 =	simm.s32 $0x0;
	v10 =	vadd.f32 v56, v10;
	v56 =	vld [tilespmem:$0x1FEA0]  }
0x13a: {  	v11 =	vmov s14;
	v55 =	vld [tilespmem:$0x1FFD0]  }
0x13b: {  	v1 =	vadd.f32 v62, v1;
	v11 =	vshll.u32 v11, $0x7;
	v61 =	vld [tilespmem:$0x1FEC0]  }
0x13c: {  	v37 =	vor.u32 v22, v11;
	v62 =	vld [tilespmem:$0x1FEE0]  }
0x13d: {  	v1 =	vadd.f32 v46, v1;
	v11 =	vadd.s32 v24, v37;
	v39 =	vld [tilespmem:$0x1FE20]  }
0x13e: {  	v45 =	vmul.f32 v18, v44;
	v47 =	vadd.s32 v25, v37;
	v58 =	vld [tilespmem:$0x1FEB0]  }
0x13f: {  	v1 =	vadd.f32 v44, v1;
	v50 =	vadd.s32 v30, v37;
	v63 =	vld [tilespmem:$0x1FED0]  }
0x140: {  	v4 =	vmul.f32 v4, v2;
	v0 =	vadd.f32 v45, v0;
	[sflag:s5] =	ssyncset.done $0x0;
	v45 =	vld [tilespmem:$0x1FF40]  }
0x141: {  	v13 =	vmul.f32 v13, v6;
	v1 =	vadd.f32 v2, v1;
	v46 =	vld [tilespmem:$0x1FF50];
	[sflag:s5] =	ssyncadd.s32 $0xFFFFE000  }
0x142: {  	v48 =	vmul.f32 v16, v9;
	v16 =	vadd.s32 v32, v37;
	v0 =	vadd.f32 v4, v0;
	v11 =	vld.idx.msk [tilespmem:v11+s25+$0x0], $0xffff  }
0x143: {  	v1 =	vadd.f32 v6, v1;
	v4 =	vadd.s32 v26, v37;
	v12 =	vld.idx.msk [tilespmem:v47+s25+$0x0], $0xffff  }
0x144: {  	v10 =	vadd.f32 v41, v10;
	v41 =	vadd.s32 v29, v37;
	v0 =	vadd.f32 v13, v0;
	v13 =	vld.idx.msk [tilespmem:v50+s25+$0x0], $0xffff  }
0x145: {  	v1 =	vadd.f32 v9, v1;
	v50 =	vld [tilespmem:$0x1FF00]  }
0x146: {  	v47 =	vld [tilespmem:$0x1FF60]  }
0x147: {  	v10 =	vadd.f32 v42, v10;
	v42 =	vadd.s32 v20, v37;
	v1 =	vadd.f32 v3, v1;
	v16 =	vld.idx.msk [tilespmem:v16+s25+$0x0], $0xffff  }
0x148: {  	v52 =	vmul.f32 v17, v3;
	v3 =	vadd.s32 v23, v37;
	v0 =	vadd.f32 v48, v0;
	v4 =	vld.idx.msk [tilespmem:v4+s25+$0x0], $0xffff  }
0x149: {  	v7 =	vmul.f32 v7, v8;
	v1 =	vadd.f32 v8, v1;
	v17 =	vld.idx.msk [tilespmem:v41+s25+$0x0], $0xffff;
	v2 =	vadd.s32 v56, v37  }
0x14a: {  	v10 =	vadd.f32 v40, v10;
	v0 =	vadd.f32 v52, v0;
	v52 =	vld [tilespmem:$0x1FF10];
	v6 =	vadd.s32 v55, v37  }
0x14b: {  	v53 =	vadd.s32 v61, v37;
	v1 =	vadd.f32 v1, v36;
	v36 =	vld [tilespmem:$0x1FF20]  }
0x14c: {  	v10 =	vmul.f32 v39, v10;
	v18 =	vld.idx.msk [tilespmem:v42+s25+$0x0], $0xffff;
	v0 =	vadd.f32 v7, v0  }
0x14d: {  	v38 =	vadd.s32 v33, v37;
	v3 =	vld.idx.msk [tilespmem:v3+s25+$0x0], $0xffff  }
0x14e: {  	v7 =	vadd.s32 v58, v37;
	v10 =	vadd.f32 v10, v35;
	v0 =	vmul.f32 v5, v0;
	v2 =	vld.idx.msk [tilespmem:v2+s26+$0x0], $0xffff  }
0x14f: {  	v8 =	vadd.s32 v28, v37;
	v6 =	vld.idx.msk [tilespmem:v6+s26+$0x0], $0xffff  }
0x150: {  	v15 =	vadd.s32 v21, v37;
	v14 =	vld.idx.msk [tilespmem:v53+s26+$0x0], $0xffff;
	v35 =	vadd.f32 v0, v10;
	v0 =	vadd.s32 v27, v37  }
0x151: {  	v40 =	vadd.s32 v34, v37;
	v48 =	vadd.s32 v57, v37;
	v11 =	vmul.f32 $1.442695020e+00, v11;
	v53 =	vld [tilespmem:$0x1FEF0]  }
0x152: {  	v9 =	vadd.s32 v62, v37;
	[tilespmem:$0x1FE30] =	vst v1;
	v1 =	vld.idx.msk [tilespmem:v38+s25+$0x0], $0xffff;
	v13 =	vmul.f32 $1.442695020e+00, v13;
	v5 =	vadd.s32 v63, v37  }
0x153: {  	v39 =	vadd.s32 v45, v37;
	v4 =	vmul.f32 $1.442695020e+00, v4;
	(erf) = vpow2.f32 v11;
	v7 =	vld.idx.msk [tilespmem:v7+s26+$0x0], $0xffff  }
0x154: {  	v8 =	vld.idx.msk [tilespmem:v8+s25+$0x0], $0xffff;
	v11 =	vmul.f32 $1.442695020e+00, v12;
	(erf) = vpow2.f32 v13;
	v43 =	vadd.f32 $0.0e+00, v6  }
0x155: {  	v10 =	vadd.s32 v31, v37;
	v3 =	vmul.f32 $1.442695020e+00, v3;
	(erf) = vpow2.f32 v4;
	v0 =	vld.idx.msk [tilespmem:v0+s25+$0x0], $0xffff  }
0x156: {  	v12 =	vld.idx.msk [tilespmem:v40+s25+$0x0], $0xffff;
	(erf) = vpow2.f32 v11;
	v38 =	vadd.s32 v53, v37;
	v44 =	vadd.f32 v2, v43  }
0x157: {  	s16 =	simm.s32 $0x10;
	v41 =	vadd.s32 v47, v37;
	v16 =	vmul.f32 $1.442695020e+00, v16;
	v5 =	vld.idx.msk [tilespmem:v5+s26+$0x0], $0xffff;
	(erf) = vpow2.f32 v3  }
0x158: {  	v47 =	vmov s16;
	v9 =	vld.idx.msk [tilespmem:v9+s26+$0x0], $0xffff;
	v4 =	vadd.s32 v50, v37;
	v11 =	vadd.f32 v7, v44  }
0x159: {  	v17 =	vmul.f32 $1.442695020e+00, v17;
	v40 =	vadd.s32 v46, v37;
	v3 =	vld [tilespmem:$0x1FF30];
	v8 =	vmul.f32 $1.442695020e+00, v8  }
0x15a: {  	v13 =	vadd.s32 v52, v37;
	v10 =	vld.idx.msk [tilespmem:v10+s25+$0x0], $0xffff;
	v0 =	vmul.f32 $1.442695020e+00, v0;
	v11 =	vadd.f32 v14, v11  }
0x15b: {  	v46 =	vadd.s32 v54, v37;
	v19 =	vadd.s32 v36, v37;
	(erf) = vpow2.f32 v8;
	v42 =	vld.idx.msk [tilespmem:v38+s26+$0x0], $0xffff  }
0x15c: {  	v15 =	vld.idx.msk [tilespmem:v15+s25+$0x0], $0xffff;
	v1 =	vmul.f32 $1.442695020e+00, v1;
	v38 =	vpop (erf);
	(erf) = vpow2.f32 v0;
	v8 =	vadd.f32 v5, v11  }
0x15d: {  	v12 =	vmul.f32 $1.442695020e+00, v12;
	v4 =	vld.idx.msk [tilespmem:v4+s26+$0x0], $0xffff;
	v11 =	vadd.s32 v60, v37;
	(erf) = vpow2.f32 v17;
	v17 =	vpop (erf)  }
0x15e: {  	v3 =	vadd.s32 v3, v37;
	v44 =	vadd.s32 v59, v37;
	v43 =	vpop (erf);
	v0 =	vadd.f32 v9, v8  }
0x15f: {  	v13 =	vld.idx.msk [tilespmem:v13+s26+$0x0], $0xffff;
	v59 =	vadd.s32 v51, v37;
	v10 =	vmul.f32 $1.442695020e+00, v10;
	v8 =	vmul.f32 $1.442695020e+00, v18;
	v45 =	vpop (erf)  }
0x160: {  	v2 =	vmul.f32 v38, v2;
	v14 =	vmul.f32 v43, v14;
	v60 =	vpop (erf);
	v0 =	vadd.f32 v42, v0  }
0x161: {  	v19 =	vld.idx.msk [tilespmem:v19+s26+$0x0], $0xffff;
	(erf) = vpow2.f32 v8;
	v57 =	vadd.f32 $0.0e+00, v60;
	v6 =	vmul.f32 v60, v6  }
0x162: {  	(erf) = vpow2.f32 v10;
	v10 =	vmul.f32 $1.442695020e+00, v15;
	v11 =	vld.idx.msk [tilespmem:v11+s25+$0x0], $0xffff;
	v0 =	vadd.f32 v4, v0  }
0x163: {  	v18 =	vld.idx.msk [tilespmem:v48+s25+$0x0], $0xffff;
	v7 =	vmul.f32 v45, v7;
	v8 =	vadd.s32 v49, v37;
	v6 =	vadd.f32 $0.0e+00, v6  }
0x164: {  	v3 =	vld.idx.msk [tilespmem:v3+s26+$0x0], $0xffff;
	v15 =	vpop (erf);
	(erf) = vpow2.f32 v10;
	v10 =	vadd.f32 v38, v57;
	v0 =	vadd.f32 v13, v0  }
0x165: {  	v9 =	vmul.f32 v15, v9;
	v51 =	vpop (erf);
	(erf) = vpow2.f32 v1;
	v2 =	vadd.f32 v2, v6  }
0x166: {  	v49 =	vld.idx.msk [tilespmem:v39+s26+$0x0], $0xffff;
	v10 =	vadd.f32 v45, v10;
	v1 =	vmul.f32 v51, v5;
	v0 =	vadd.f32 v19, v0  }
0x167: {  	v11 =	vmul.f32 $1.442695020e+00, v11;
	v2 =	vadd.f32 v7, v2;
	v7 =	vshll.u32 v47, $0x7  }
0x168: {  	v54 =	vld.idx.msk [tilespmem:v44+s25+$0x0], $0xffff;
	v6 =	vadd.f32 v43, v10;
	v10 =	vmul.f32 $1.442695020e+00, v18;
	v39 =	vor.u32 v22, v7  }
0x169: {  	v37 =	vld.idx.msk [tilespmem:v40+s26+$0x0], $0xffff;
	v60 =	vpop (erf);
	v0 =	vadd.f32 v3, v0;
	v2 =	vadd.f32 v14, v2;
	v14 =	vadd.s32 v25, v39  }
0x16a: {  	v48 =	vadd.s32 v26, v39;
	v44 =	vadd.s32 v61, v39;
	v38 =	vpop (erf);
	(erf) = vpow2.f32 v16  }
0x16b: {  	v5 =	vld.idx.msk [tilespmem:v41+s26+$0x0], $0xffff;
	v6 =	vadd.f32 v51, v6;
	v0 =	vadd.f32 v49, v0;
	v43 =	vpop (erf);
	(erf) = vpow2.f32 v11  }
0x16c: {  	v8 =	vld.idx.msk [tilespmem:v8+s26+$0x0], $0xffff;
	v11 =	vmul.f32 v60, v42;
	v1 =	vadd.f32 v1, v2;
	v42 =	vadd.s32 v30, v39  }
0x16d: {  	v16 =	vld.idx.msk [tilespmem:v59+s26+$0x0], $0xffff;
	(erf) = vpow2.f32 v10;
	v6 =	vadd.f32 v15, v6;
	v10 =	vmul.f32 $1.442695020e+00, v54  }
0x16e: {  	v18 =	vld.idx.msk [tilespmem:v46+s26+$0x0], $0xffff;
	v0 =	vadd.f32 v37, v0;
	(erf) = vpow2.f32 v12;
	v1 =	vadd.f32 v9, v1  }
0x16f: {  	v6 =	vadd.f32 v60, v6;
	(erf) = vpow2.f32 v10;
	v10 =	vadd.s32 v24, v39;
	v14 =	vld.idx.msk [tilespmem:v14+s25+$0x0], $0xffff  }
0x170: {  	v4 =	vmul.f32 v17, v4;
	v41 =	vadd.s32 v56, v39;
	v15 =	vld.idx.msk [tilespmem:v48+s25+$0x0], $0xffff;
	v0 =	vadd.f32 v5, v0  }
0x171: {  	v7 =	vadd.s32 v23, v39;
	v47 =	vld.idx.msk [tilespmem:v44+s26+$0x0], $0xffff;
	v1 =	vadd.f32 v11, v1;
	v6 =	vadd.f32 v17, v6  }
0x172: {  	v61 =	vadd.s32 v63, v39;
	[tilespmem:$0x1FE40] =	vst v5;
	v5 =	vpop (erf);
	v63 =	vld.idx.msk [tilespmem:v42+s25+$0x0], $0xffff;
	v0 =	vadd.f32 v16, v0  }
0x173: {  	v59 =	vmul.f32 v43, v13;
	v2 =	vpop (erf);
	v1 =	vadd.f32 v4, v1;
	v4 =	vld [tilespmem:$0x1FE30];
	v6 =	vadd.f32 v43, v6  }
0x174: {  	v43 =	vadd.s32 v55, v39;
	v51 =	vpop (erf);
	v10 =	vld.idx.msk [tilespmem:v10+s25+$0x0], $0xffff;
	v0 =	vadd.f32 v8, v0  }
0x175: {  	v1 =	vadd.f32 v59, v1;
	v19 =	vmul.f32 v51, v19;
	v6 =	vadd.f32 v51, v6;
	v51 =	vld.idx.msk [tilespmem:v41+s26+$0x0], $0xffff  }
0x176: {  	v13 =	vmul.f32 v2, v3;
	v3 =	vadd.f32 v18, v0;
	v0 =	vld [tilespmem:$0x1FF30]  }
0x177: {  	v55 =	vadd.s32 v58, v39;
	v58 =	vadd.s32 v33, v39;
	v9 =	vpop (erf);
	v1 =	vadd.f32 v19, v1;
	v19 =	vld.idx.msk [tilespmem:v7+s25+$0x0], $0xffff  }
0x178: {  	v45 =	vadd.s32 v28, v39;
	v57 =	vadd.s32 v31, v39;
	v60 =	vpop (erf);
	v2 =	vadd.f32 v2, v6;
	v6 =	vld [tilespmem:$0x1FF60]  }
0x179: {  	v56 =	vadd.s32 v32, v39;
	v52 =	vadd.s32 v52, v39;
	v54 =	vadd.s32 v53, v39;
	v11 =	vpop (erf);
	v7 =	vld [tilespmem:$0x1FE40]  }
0x17a: {  	v53 =	vadd.s32 v50, v39;
	v48 =	vadd.s32 v62, v39;
	v12 =	vmul.f32 v11, v49;
	v50 =	vld.idx.msk [tilespmem:v43+s26+$0x0], $0xffff  }
0x17b: {  	v49 =	vadd.s32 v36, v39;
	v36 =	vadd.f32 v3, v4;
	v3 =	vld [tilespmem:$0x1FF40];
	v4 =	vmul.f32 $1.442695020e+00, v10  }
0x17c: {  	v17 =	vadd.s32 v27, v39;
	v41 =	vmul.f32 v9, v16;
	v2 =	vadd.f32 v11, v2;
	v11 =	vld.idx.msk [tilespmem:v58+s25+$0x0], $0xffff  }
0x17d: {  	v42 =	vmul.f32 v60, v8;
	v62 =	vpop (erf);
	v1 =	vadd.f32 v13, v1;
	(erf) = vpow2.f32 v4;
	v4 =	vld [tilespmem:$0x1FF50]  }
0x17e: {  	v40 =	vmul.f32 v62, v18;
	v10 =	vadd.s32 v34, v39;
	v58 =	vld.idx.msk [tilespmem:v55+s26+$0x0], $0xffff;
	v46 =	vadd.s32 v0, v39  }
0x17f: {  	v55 =	vld.idx.msk [tilespmem:v61+s26+$0x0], $0xffff;
	v0 =	vmul.f32 $1.442695020e+00, v14;
	v2 =	vadd.f32 v38, v2;
	v61 =	vadd.f32 v12, v1  }
0x180: {  	v59 =	vld.idx.msk [tilespmem:v56+s25+$0x0], $0xffff;
	v56 =	vmul.f32 v5, v7;
	v7 =	vadd.s32 v29, v39;
	v44 =	vadd.s32 v3, v39  }
0x181: {  	v43 =	vld.idx.msk [tilespmem:v48+s26+$0x0], $0xffff;
	v3 =	vmul.f32 $1.442695020e+00, v15;
	v2 =	vadd.f32 v5, v2;
	v5 =	vadd.s32 v20, v39  }
0x182: {  	v48 =	vadd.s32 v4, v39;
	v4 =	vld.idx.msk [tilespmem:v45+s25+$0x0], $0xffff;
	v45 =	vadd.s32 v6, v39;
	v6 =	vmul.f32 $1.442695020e+00, v63  }
0x183: {  	v1 =	vadd.f32 $0.0e+00, v50;
	v9 =	vadd.f32 v9, v2;
	v2 =	vld.idx.msk [tilespmem:v10+s25+$0x0], $0xffff;
	v10 =	vmul.f32 $1.442695020e+00, v19  }
0x184: {  	s13 =	simm.s32 $0x20;
	v22 =	vmovc v21;
	v23 =	vmovc v20;
	v8 =	vld.idx.msk [tilespmem:v17+s25+$0x0], $0xffff;
	v63 =	vmul.f32 $1.442695020e+00, v11;
	(erf) = vpow2.f32 v6;
	v6 =	vadd.s32 v21, v39  }
.LBB2_5:
0x185: {  	_ =	sdelay $0x2  }
0x186: {  	v7 =	vld.idx.msk [tilespmem:v7+s25+$0x0], $0xffff;
	v1 =	vadd.f32 v51, v1;
	(erf) = vpow2.f32 v3  }
0x187: {  	v11 =	vld [tilespmem:$0x1FFA0];
	(erf) = vpow2.f32 v0;
	v0 =	vadd.f32 v60, v9  }
0x188: {  	v5 =	vld.idx.msk [tilespmem:v5+s25+$0x0], $0xffff;
	(erf) = vpow2.f32 v10;
	v4 =	vmul.f32 $1.442695020e+00, v4;
	v1 =	vadd.f32 v58, v1  }
0x189: {  	v3 =	vmul.f32 v38, v37;
	v9 =	vld [tilespmem:$0x1FFC0];
	v0 =	vadd.f32 v62, v0  }
0x18a: {  	v10 =	vld.idx.msk [tilespmem:v57+s25+$0x0], $0xffff;
	v1 =	vadd.f32 v47, v1;
	(erf) = vpow2.f32 v4  }
0x18b: {  	v6 =	vld.idx.msk [tilespmem:v6+s25+$0x0], $0xffff;
	v3 =	vadd.f32 v3, v61;
	v13 =	vpop (erf);
	(erf) = vrcp.f32 v0  }
0x18c: {  	v11 =	vadd.s32 v11, v39;
	v4 =	vmul.f32 $1.442695020e+00, v8  }
0x18d: {  	v17 =	vmul.f32 $1.442695020e+00, v7;
	v3 =	vadd.f32 v56, v3;
	v5 =	vmul.f32 $1.442695020e+00, v5  }
0x18e: {  	v14 =	vld [tilespmem:$0x1FF90];
	v9 =	vadd.s32 v9, v39;
	v0 =	vadd.f32 v55, v1;
	(erf) = vpow2.f32 v4;
	v1 =	vpop (erf)  }
0x18f: {  	v3 =	vadd.f32 v41, v3;
	v10 =	vmul.f32 $1.442695020e+00, v10;
	(erf) = vpow2.f32 v17;
	v16 =	vpop (erf)  }
0x190: {  	v20 =	vld [tilespmem:$0x1FFB0];
	v6 =	vmul.f32 $1.442695020e+00, v6;
	v19 =	vpop (erf);
	(erf) = vpow2.f32 v5  }
0x191: {  	v3 =	vadd.f32 v42, v3;
	v5 =	vld.idx.msk [tilespmem:v11+s25+$0x0], $0xffff;
	v11 =	vpop (erf);
	(erf) = vpow2.f32 v10  }
0x192: {  	v15 =	vmul.f32 v13, v51;
	v4 =	vld.idx.msk [tilespmem:v52+s26+$0x0], $0xffff;
	v51 =	vadd.f32 $0.0e+00, v11  }
0x193: {  	v14 =	vadd.s32 v14, v39;
	v3 =	vadd.f32 v40, v3;
	v9 =	vld.idx.msk [tilespmem:v9+s25+$0x0], $0xffff;
	v11 =	vmul.f32 v11, v50;
	v52 =	vpop (erf)  }
0x194: {  	v12 =	vld.idx.msk [tilespmem:v54+s26+$0x0], $0xffff;
	v2 =	vmul.f32 $1.442695020e+00, v2;
	(erf) = vpow2.f32 v6;
	v6 =	vpop (erf);
	v13 =	vadd.f32 v13, v51  }
0x195: {  	v17 =	vld.idx.msk [tilespmem:v49+s26+$0x0], $0xffff;
	v49 =	vadd.s32 v20, v39;
	v11 =	vadd.f32 $0.0e+00, v11;
	v3 =	vmul.f32 v6, v3  }
0x196: {  	v7 =	vld.idx.msk [tilespmem:v53+s26+$0x0], $0xffff;
	v53 =	vmul.f32 v16, v47;
	v10 =	vmul.f32 v19, v58;
	v13 =	vadd.f32 v19, v13  }
0x197: {  	v18 =	vld [tilespmem:$0x1FF80];
	v6 =	vmul.f32 $1.442695020e+00, v59;
	v61 =	vpop (erf);
	v35 =	vadd.f32 v3, v35;
	v3 =	vadd.f32 v15, v11  }
0x198: {  	v14 =	vld.idx.msk [tilespmem:v14+s25+$0x0], $0xffff;
	v9 =	vmul.f32 $1.442695020e+00, v9;
	v5 =	vmul.f32 $1.442695020e+00, v5;
	v62 =	vpop (erf)  }
0x199: {  	v37 =	vld.idx.msk [tilespmem:v48+s26+$0x0], $0xffff;
	(erf) = vpow2.f32 v63;
	v11 =	vadd.f32 v16, v13;
	v38 =	vpop (erf);
	v3 =	vadd.f32 v10, v3  }
0x19a: {  	v48 =	vmul.f32 v61, v55;
	v13 =	vld.idx.msk [tilespmem:v49+s26+$0x0], $0xffff;
	v49 =	vpop (erf);
	(erf) = vpow2.f32 v6  }
0x19b: {  	v6 =	vadd.f32 v61, v11;
	(erf) = vpow2.f32 v9;
	v3 =	vadd.f32 v53, v3  }
0x19c: {  	v44 =	vld.idx.msk [tilespmem:v44+s26+$0x0], $0xffff;
	v0 =	vadd.f32 v43, v0;
	v60 =	vmul.f32 v52, v43;
	(erf) = vpow2.f32 v5  }
0x19d: {  	v8 =	vld [tilespmem:$0x1FF70];
	v5 =	vadd.f32 v52, v6;
	v6 =	vmul.f32 $1.442695020e+00, v14;
	v3 =	vadd.f32 v48, v3  }
0x19e: {  	v54 =	vld [tilespmem:$0x1FEE0];
	v18 =	vadd.s32 v18, v39;
	v0 =	vadd.f32 v12, v0;
	(erf) = vpow2.f32 v2  }
0x19f: {  	v9 =	vmul.f32 v62, v12;
	v2 =	vpop (erf);
	(erf) = vpow2.f32 v6;
	v6 =	vld [tilespmem:$0x1FFF0];
	v3 =	vadd.f32 v60, v3  }
0x1a0: {  	v20 =	vld [tilespmem:$0x1FFD0]  }
0x1a1: {  	s14 =	smov.u32 s13;
	v56 =	vld.idx.msk [tilespmem:v45+s26+$0x0], $0xffff;
	v0 =	vadd.f32 v7, v0;
	v7 =	vmul.f32 v1, v7;
	v3 =	vadd.f32 v9, v3  }
0x1a2: {  	v41 =	vld.idx.msk [tilespmem:v46+s26+$0x0], $0xffff;
	v8 =	vadd.s32 v8, v39;
	v11 =	vmov s14  }
0x1a3: {  	v10 =	vshll.u32 v11, $0x7;
	v7 =	vadd.f32 v7, v3;
	v3 =	vld [tilespmem:$0x1FEF0]  }
0x1a4: {  	v0 =	vadd.f32 v4, v0;
	v15 =	vld.idx.msk [tilespmem:v18+s26+$0x0], $0xffff;
	v39 =	vor.u32 v6, v10  }
0x1a5: {  	v5 =	vadd.f32 v62, v5;
	v43 =	vadd.s32 v20, v39;
	v20 =	vld [tilespmem:$0x1FEB0]  }
0x1a6: {  	v0 =	vadd.f32 v17, v0;
	v53 =	vld [tilespmem:$0x1FEA0];
	v11 =	vadd.s32 v24, v39  }
0x1a7: {  	v1 =	vadd.f32 v1, v5;
	v5 =	vld.idx.msk [tilespmem:v8+s26+$0x0], $0xffff;
	v8 =	vadd.s32 v25, v39  }
0x1a8: {  	v0 =	vadd.f32 v41, v0;
	v18 =	vadd.s32 v54, v39;
	v54 =	vadd.s32 v3, v39;
	v3 =	vld [tilespmem:$0x1FF00]  }
0x1a9: {  	v10 =	vld [tilespmem:$0x1FFE0];
	v50 =	vadd.s32 v26, v39  }
0x1aa: {  	v0 =	vadd.f32 v44, v0;
	v55 =	vadd.s32 v20, v39;
	v20 =	vld [tilespmem:$0x1FEC0]  }
0x1ab: {  	v19 =	vadd.s32 v53, v39;
	v11 =	vld.idx.msk [tilespmem:v11+s25+$0x0], $0xffff  }
0x1ac: {  	v0 =	vadd.f32 v37, v0;
	v42 =	vadd.s32 v30, v39;
	v8 =	vld.idx.msk [tilespmem:v8+s25+$0x0], $0xffff  }
0x1ad: {  	v1 =	vadd.f32 v49, v1;
	v6 =	vpop (erf);
	v53 =	vadd.s32 v3, v39;
	v3 =	vld [tilespmem:$0x1FF10]  }
0x1ae: {  	v0 =	vadd.f32 v56, v0;
	v51 =	vpop (erf);
	v12 =	vld.idx.msk [tilespmem:v50+s25+$0x0], $0xffff  }
0x1af: {  	v1 =	vadd.f32 v51, v1;
	v45 =	vadd.s32 v20, v39;
	v20 =	vld [tilespmem:$0x1FED0]  }
0x1b0: {  	v0 =	vadd.f32 v13, v0;
	v61 =	vpop (erf);
	v17 =	vmul.f32 v51, v17;
	v10 =	vadd.s32 v10, v39;
	v51 =	vld.idx.msk [tilespmem:v19+s26+$0x0], $0xffff  }
0x1b1: {  	v60 =	vpop (erf);
	v1 =	vadd.f32 v6, v1;
	v19 =	vld.idx.msk [tilespmem:v42+s25+$0x0], $0xffff  }
0x1b2: {  	v0 =	vadd.f32 v5, v0;
	v9 =	vpop (erf);
	v52 =	vadd.s32 v3, v39;
	v3 =	vld [tilespmem:$0x1FF20]  }
0x1b3: {  	v21 =	vmul.f32 v9, v44;
	v50 =	vld.idx.msk [tilespmem:v43+s26+$0x0], $0xffff;
	v1 =	vadd.f32 v9, v1;
	v9 =	vadd.s32 v34, v39  }
0x1b4: {  	v43 =	vld.idx.msk [tilespmem:v18+s26+$0x0], $0xffff;
	v63 =	vadd.s32 v20, v39;
	v20 =	vmul.f32 v6, v41;
	v6 =	vadd.f32 v15, v0  }
0x1b5: {  	v59 =	vadd.s32 v33, v39;
	v10 =	vld.idx.msk [tilespmem:v10+s25+$0x0], $0xffff  }
0x1b6: {  	v1 =	vadd.f32 v38, v1;
	v36 =	vadd.f32 v6, v36;
	v6 =	vmul.f32 $1.442695020e+00, v11;
	v11 =	vld [tilespmem:$0x1FF50]  }
0x1b7: {  	v4 =	vmul.f32 v49, v4;
	v56 =	vmul.f32 v2, v56;
	v49 =	vadd.s32 v3, v39;
	v3 =	vld [tilespmem:$0x1FF30]  }
0x1b8: {  	v58 =	vadd.s32 v32, v39;
	v18 =	vmul.f32 $1.442695020e+00, v19;
	v19 =	vadd.f32 v2, v1;
	v2 =	vld.idx.msk [tilespmem:v9+s25+$0x0], $0xffff  }
0x1b9: {  	v14 =	vadd.s32 v27, v39;
	v47 =	vld.idx.msk [tilespmem:v45+s26+$0x0], $0xffff  }
0x1ba: {  	v16 =	vadd.s32 v28, v39;
	v57 =	vadd.s32 v31, v39;
	v62 =	vpop (erf);
	v0 =	vmul.f32 $1.442695020e+00, v8;
	v8 =	vld.idx.msk [tilespmem:v59+s25+$0x0], $0xffff  }
0x1bb: {  	v40 =	vmul.f32 v62, v15;
	v48 =	vadd.s32 v11, v39;
	v11 =	vadd.f32 v4, v7;
	v4 =	vld [tilespmem:$0x1FF60]  }
0x1bc: {  	p1 =	sne.s32 s13, $0x30;
	v42 =	vmul.f32 v60, v5;
	v5 =	vadd.s32 v23, v39;
	v46 =	vadd.s32 v3, v39;
	v3 =	vld [tilespmem:$0x1FF40]  }
.Ltmp3:
0x1bd: {  	v1 =	vadd.f32 $0.0e+00, v50;
	v10 =	vmul.f32 $1.442695020e+00, v10;
	v59 =	vld.idx.msk [tilespmem:v58+s25+$0x0], $0xffff;
	v11 =	vadd.f32 v17, v11;
	(pc) =	sbr.rel @p1 .LBB2_5-.Ltmp3, $4  }
0x1be: {  	v9 =	vadd.f32 v61, v19;
	v41 =	vmul.f32 v61, v13;
	v58 =	vld.idx.msk [tilespmem:v55+s26+$0x0], $0xffff;
	(erf) = vpow2.f32 v6  }
0x1bf: {  	v6 =	vadd.s32 v22, v39;
	v55 =	vld.idx.msk [tilespmem:v63+s26+$0x0], $0xffff;
	v63 =	vmul.f32 $1.442695020e+00, v8;
	v11 =	vadd.f32 v20, v11  }
0x1c0: {  	v8 =	vld.idx.msk [tilespmem:v14+s25+$0x0], $0xffff;
	(erf) = vpow2.f32 v18;
	v7 =	vadd.s32 v29, v39;
	v45 =	vadd.s32 v4, v39  }
0x1c1: {  	s13 =	sadd.s32 $0x10, s13;
	v4 =	vld.idx.msk [tilespmem:v16+s25+$0x0], $0xffff;
	v61 =	vadd.f32 v21, v11;
	v44 =	vadd.s32 v3, v39;
	v3 =	vmul.f32 $1.442695020e+00, v12  }
0x1c2: {  	_ = 	snop  }
0x1c3: {  	(erf) = vpow2.f32 v3  }
0x1c4: {  	(erf) = vpow2.f32 v0  }
0x1c5: {  	(erf) = vpow2.f32 v10  }
0x1c6: {  	v0 =	vadd.f32 v60, v9  }
0x1c7: {  	v60 =	vld [tilespmem:$0x1FFC0];
	v3 =	vmul.f32 $1.442695020e+00, v4  }
0x1c8: {  	v10 =	vld.idx.msk [tilespmem:v57+s25+$0x0], $0xffff;
	v0 =	vadd.f32 v62, v0  }
0x1c9: {  	v4 =	vld.idx.msk [tilespmem:v7+s25+$0x0], $0xffff;
	v7 =	vpop (erf);
	(erf) = vpow2.f32 v3;
	v3 =	vmul.f32 $1.442695020e+00, v8  }
0x1ca: {  	v57 =	vld [tilespmem:$0x1FFA0]  }
0x1cb: {  	v5 =	vld.idx.msk [tilespmem:v5+s25+$0x0], $0xffff;
	v8 =	vpop (erf)  }
0x1cc: {  	v6 =	vld.idx.msk [tilespmem:v6+s25+$0x0], $0xffff;
	(erf) = vrcp.f32 v0;
	v0 =	vpop (erf)  }
0x1cd: {  	v9 =	vadd.s32 v60, v39;
	(erf) = vpow2.f32 v3;
	v3 =	vpop (erf)  }
0x1ce: {  	v12 =	vpop (erf)  }
0x1cf: {  	v11 =	vadd.s32 v57, v39;
	v4 =	vmul.f32 $1.442695020e+00, v4;
	v13 =	vadd.f32 $0.0e+00, v12  }
0x1d0: {  	v5 =	vmul.f32 $1.442695020e+00, v5;
	v10 =	vmul.f32 $1.442695020e+00, v10  }
0x1d1: {  	v6 =	vmul.f32 $1.442695020e+00, v6;
	(erf) = vpow2.f32 v4;
	v4 =	vadd.f32 v7, v13  }
0x1d2: {  	v9 =	vld.idx.msk [tilespmem:v9+s25+$0x0], $0xffff;
	(erf) = vpow2.f32 v5  }
0x1d3: {  	(erf) = vpow2.f32 v10;
	v4 =	vadd.f32 v3, v4  }
0x1d4: {  	v5 =	vld.idx.msk [tilespmem:v11+s25+$0x0], $0xffff;
	v10 =	vpop (erf);
	(erf) = vpow2.f32 v6  }
0x1d5: {  	v6 =	vpop (erf);
	(erf) = vpow2.f32 v63;
	v63 =	vld [tilespmem:$0x1FF90];
	v4 =	vadd.f32 v0, v4  }
0x1d6: {  	[tilespmem:$0x1FE00] =	vst v6;
	v6 =	vmul.f32 $1.442695020e+00, v59;
	v11 =	vpop (erf)  }
0x1d7: {  	v9 =	vmul.f32 $1.442695020e+00, v9;
	v4 =	vadd.f32 v11, v4  }
0x1d8: {  	(erf) = vpow2.f32 v6  }
0x1d9: {  	v5 =	vmul.f32 $1.442695020e+00, v5;
	v4 =	vadd.f32 v10, v4  }
0x1da: {  	v2 =	vmul.f32 $1.442695020e+00, v2;
	(erf) = vpow2.f32 v9;
	v6 =	vadd.s32 v63, v39  }
0x1db: {  	v9 =	vpop (erf);
	(erf) = vpow2.f32 v5  }
0x1dc: {  	(erf) = vpow2.f32 v2;
	v2 =	vadd.f32 v9, v4  }
0x1dd: {  	v4 =	vpop (erf)  }
0x1de: {  	v2 =	vadd.f32 v8, v2;
	v5 =	vpop (erf)  }
0x1df: {  	v6 =	vld.idx.msk [tilespmem:v6+s25+$0x0], $0xffff;
	v13 =	vpop (erf)  }
0x1e0: {  	v2 =	vadd.f32 v5, v2;
	v14 =	vpop (erf)  }
0x1e1: {  	v15 =	vpop (erf)  }
0x1e2: {  	v2 =	vadd.f32 v15, v2  }
0x1e3: {  	v16 =	vpop (erf)  }
0x1e4: {  	v6 =	vmul.f32 $1.442695020e+00, v6;
	v17 =	vpop (erf);
	v2 =	vadd.f32 v14, v2  }
0x1e5: {  	v12 =	vmul.f32 v12, v50;
	v18 =	vpop (erf)  }
0x1e6: {  	v1 =	vadd.f32 v51, v1;
	(erf) = vpow2.f32 v6;
	v2 =	vadd.f32 v18, v2  }
0x1e7: {  	v6 =	vmul.f32 v7, v51;
	v7 =	vadd.f32 $0.0e+00, v12  }
0x1e8: {  	v21 =	vld.idx.msk [tilespmem:v46+s26+$0x0], $0xffff;
	v1 =	vadd.f32 v58, v1;
	v2 =	vadd.f32 v4, v2  }
0x1e9: {  	v46 =	vld [tilespmem:$0x1FF80];
	v3 =	vmul.f32 v3, v58;
	v6 =	vadd.f32 v6, v7  }
0x1ea: {  	v1 =	vadd.f32 v47, v1;
	v58 =	vld.idx.msk [tilespmem:v49+s26+$0x0], $0xffff;
	v2 =	vadd.f32 v13, v2  }
0x1eb: {  	v0 =	vmul.f32 v0, v47;
	v47 =	vld [tilespmem:$0x1FF70];
	v7 =	vmul.f32 v11, v55;
	v3 =	vadd.f32 v3, v6  }
0x1ec: {  	v6 =	vld.idx.msk [tilespmem:v54+s26+$0x0], $0xffff;
	v2 =	vadd.f32 v16, v2  }
0x1ed: {  	v49 =	vld [tilespmem:$0x1FFB0];
	v0 =	vadd.f32 v0, v3  }
0x1ee: {  	v3 =	vld.idx.msk [tilespmem:v53+s26+$0x0], $0xffff;
	v2 =	vadd.f32 v17, v2  }
0x1ef: {  	v10 =	vmul.f32 v10, v43;
	v0 =	vadd.f32 v7, v0;
	v7 =	vpop (erf)  }
0x1f0: {  	v1 =	vadd.f32 v55, v1;
	v11 =	vld.idx.msk [tilespmem:v52+s26+$0x0], $0xffff;
	v2 =	vadd.f32 v7, v2  }
0x1f1: {  	v20 =	vadd.s32 v47, v39;
	v9 =	vmul.f32 v9, v6;
	v0 =	vadd.f32 v10, v0  }
0x1f2: {  	v1 =	vadd.f32 v43, v1;
	v10 =	vadd.s32 v46, v39;
	(erf) = vrcp.f32 v2  }
0x1f3: {  	v19 =	vadd.s32 v49, v39;
	v8 =	vmul.f32 v8, v3;
	v0 =	vadd.f32 v9, v0  }
0x1f4: {  	v59 =	vld.idx.msk [tilespmem:v44+s26+$0x0], $0xffff;
	v1 =	vadd.f32 v6, v1  }
0x1f5: {  	v5 =	vmul.f32 v5, v11;
	v6 =	vld.idx.msk [tilespmem:v45+s26+$0x0], $0xffff;
	v0 =	vadd.f32 v8, v0  }
0x1f6: {  	s13 =	sadd.s32 @!p0 s18, s12;
	v1 =	vadd.f32 v3, v1;
	v3 =	vld.idx.msk [tilespmem:v20+s26+$0x0], $0xffff  }
0x1f7: {  	s13 =	sshrl.u32 @!p0 s13, $0x3;
	v8 =	vld.idx.msk [tilespmem:v10+s26+$0x0], $0xffff;
	v10 =	vmul.f32 v15, v58;
	v0 =	vadd.f32 v5, v0;
	v5 =	vmul.f32 v14, v21  }
0x1f8: {  	s15 =	simm.s32 @!p0 $0x0;
	s16 =	simm.s32 @!p0 $0x3800;
	s14 =	sadd.s32 @!p0 s3, s13;
	v9 =	vld.idx.msk [tilespmem:v19+s26+$0x0], $0xffff  }
0x1f9: {  	v2 =	vld.idx.msk [tilespmem:v48+s26+$0x0], $0xffff;
	[tilespmem:s16], [sflag:$0x2] =	stream.linear.gather @!p0 [hbm4b:s14+s15], $0x2000, $0x38;
	v0 =	vadd.f32 v10, v0  }
0x1fa: {  	s13 =	sadd.s32 @!p0 s4, s13;
	v1 =	vadd.f32 v11, v1;
	s16 =	simm.s32 @!p0 $0xB800  }
0x1fb: {  	[tilespmem:s16], [sflag:$0x6] =	stream.linear.gather @!p0 [hbm4b:s13+s15], $0x2000, $0x38;
	v0 =	vadd.f32 v5, v0;
	v5 =	vpop (erf);
	[tilespmem:$0x11900] =	vst v63  }
0x1fc: {  	v1 =	vadd.f32 v58, v1;
	_ =	swait.ge [sflag:s6], $0x2000  }
0x1fd: {  	v10 =	vmul.f32 v38, v37;
	[sflag:s6] =	ssyncset.done $0x0  }
0x1fe: {  	v1 =	vadd.f32 v21, v1;
	[sflag:s6] =	ssyncadd.s32 $0xFFFFE000  }
0x1ff: {  	v10 =	vadd.f32 v10, v61;
	v61 =	vld [tilespmem:$0x1FFF0];
	_ =	swait.ge [sflag:s7], $0x2000  }
0x200: {  	v1 =	vadd.f32 v59, v1;
	v51 =	vld [tilespmem:$0x1FEA0]  }
0x201: {  	v19 =	vmul.f32 v18, v59;
	v48 =	vld [tilespmem:$0x1FFD0]  }
0x202: {  	v1 =	vadd.f32 v2, v1;
	v10 =	vadd.f32 v56, v10;
	v56 =	vld [tilespmem:$0x1FEC0]  }
0x203: {  	v4 =	vmul.f32 v4, v2;
	v0 =	vadd.f32 v19, v0;
	v62 =	vld [tilespmem:$0x1FEE0]  }
0x204: {  	s14 =	simm.s32 $0x0;
	v1 =	vadd.f32 v6, v1;
	v55 =	vld [tilespmem:$0x1FFE0]  }
0x205: {  	v13 =	vmul.f32 v13, v6;
	v11 =	vmov s14;
	v0 =	vadd.f32 v4, v0;
	v59 =	vld [tilespmem:$0x1FE00]  }
0x206: {  	v11 =	vshll.u32 v11, $0x7;
	v1 =	vadd.f32 v9, v1;
	v54 =	vld [tilespmem:$0x1FEB0]  }
0x207: {  	v10 =	vadd.f32 v41, v10;
	v41 =	vmul.f32 v16, v9;
	v0 =	vadd.f32 v13, v0;
	v58 =	vld [tilespmem:$0x1FED0]  }
0x208: {  	v44 =	vmul.f32 v17, v3;
	v1 =	vadd.f32 v3, v1;
	v53 =	vld [tilespmem:$0x1FF00];
	v37 =	vor.u32 v61, v11  }
0x209: {  	v10 =	vadd.f32 v42, v10;
	v0 =	vadd.f32 v41, v0;
	v52 =	vld [tilespmem:$0x1FF10];
	v11 =	vadd.s32 v24, v37  }
0x20a: {  	v1 =	vadd.f32 v8, v1;
	v21 =	vld [tilespmem:$0x1FF40];
	v39 =	vadd.s32 v25, v37  }
0x20b: {  	v10 =	vadd.f32 v40, v10;
	v0 =	vadd.f32 v44, v0;
	v44 =	vld [tilespmem:$0x1FF50];
	v4 =	vadd.s32 v26, v37  }
0x20c: {  	[sflag:s7] =	ssyncset.done $0x0;
	v1 =	vadd.f32 v1, v36;
	v36 =	vld [tilespmem:$0x1FF20];
	v43 =	vadd.s32 v30, v37  }
0x20d: {  	[sflag:s7] =	ssyncadd.s32 $0xFFFFE000;
	v50 =	vadd.s32 v33, v37;
	v10 =	vmul.f32 v59, v10;
	v59 =	vld [tilespmem:$0x1FF30]  }
0x20e: {  	v7 =	vmul.f32 v7, v8;
	v8 =	vadd.s32 v28, v37;
	v11 =	vld.idx.msk [tilespmem:v11+s28+$0x0], $0xffff  }
0x20f: {  	v12 =	vld.idx.msk [tilespmem:v39+s28+$0x0], $0xffff  }
0x210: {  	v40 =	vadd.s32 v23, v37;
	v4 =	vld.idx.msk [tilespmem:v4+s28+$0x0], $0xffff  }
0x211: {  	v16 =	vadd.s32 v32, v37;
	v13 =	vld.idx.msk [tilespmem:v43+s28+$0x0], $0xffff  }
0x212: {  	[tilespmem:$0x1FE10] =	vst v1;
	v6 =	vadd.s32 v48, v37;
	v1 =	vld.idx.msk [tilespmem:v50+s28+$0x0], $0xffff  }
0x213: {  	v2 =	vadd.s32 v51, v37;
	v8 =	vld.idx.msk [tilespmem:v8+s28+$0x0], $0xffff  }
0x214: {  	v45 =	vadd.s32 v56, v37;
	v50 =	vld [tilespmem:$0x1FEF0]  }
0x215: {  	v0 =	vadd.f32 v7, v0;
	v3 =	vadd.s32 v55, v37;
	v18 =	vld.idx.msk [tilespmem:v40+s28+$0x0], $0xffff  }
0x216: {  	v7 =	vadd.s32 v54, v37;
	v16 =	vld.idx.msk [tilespmem:v16+s28+$0x0], $0xffff  }
0x217: {  	v0 =	vmul.f32 v5, v0;
	v5 =	vadd.s32 v58, v37;
	v6 =	vld.idx.msk [tilespmem:v6+s29+$0x0], $0xffff  }
0x218: {  	v10 =	vadd.f32 v10, v35;
	v2 =	vld.idx.msk [tilespmem:v2+s29+$0x0], $0xffff  }
0x219: {  	v38 =	vadd.s32 v34, v37;
	v57 =	vadd.s32 v57, v37;
	v39 =	vadd.s32 v29, v37;
	v14 =	vld.idx.msk [tilespmem:v45+s29+$0x0], $0xffff  }
0x21a: {  	v49 =	vadd.s32 v49, v37;
	v35 =	vadd.f32 v0, v10;
	v0 =	vadd.s32 v27, v37;
	v3 =	vld.idx.msk [tilespmem:v3+s28+$0x0], $0xffff  }
0x21b: {  	v9 =	vadd.s32 v62, v37;
	v10 =	vadd.s32 v31, v37;
	v7 =	vld.idx.msk [tilespmem:v7+s29+$0x0], $0xffff;
	v11 =	vmul.f32 $1.442695020e+00, v11  }
0x21c: {  	v21 =	vadd.s32 v21, v37;
	v5 =	vld.idx.msk [tilespmem:v5+s29+$0x0], $0xffff;
	v13 =	vmul.f32 $1.442695020e+00, v13;
	v41 =	vadd.f32 $0.0e+00, v6  }
0x21d: {  	v45 =	vld [tilespmem:$0x1FF60];
	v20 =	vadd.s32 v50, v37;
	v4 =	vmul.f32 $1.442695020e+00, v4;
	(erf) = vpow2.f32 v11  }
0x21e: {  	v17 =	vld.idx.msk [tilespmem:v39+s28+$0x0], $0xffff;
	v11 =	vmul.f32 $1.442695020e+00, v12;
	(erf) = vpow2.f32 v13;
	v42 =	vadd.f32 v2, v41  }
0x21f: {  	v19 =	vadd.s32 v36, v37;
	v0 =	vld.idx.msk [tilespmem:v0+s28+$0x0], $0xffff;
	v3 =	vmul.f32 $1.442695020e+00, v3;
	(erf) = vpow2.f32 v4  }
0x220: {  	v10 =	vld.idx.msk [tilespmem:v10+s28+$0x0], $0xffff;
	v4 =	vadd.s32 v53, v37;
	(erf) = vpow2.f32 v11;
	v11 =	vadd.f32 v7, v42  }
0x221: {  	v43 =	vadd.s32 v22, v37;
	v9 =	vld.idx.msk [tilespmem:v9+s29+$0x0], $0xffff;
	v8 =	vmul.f32 $1.442695020e+00, v8;
	(erf) = vpow2.f32 v3  }
0x222: {  	v1 =	vmul.f32 $1.442695020e+00, v1;
	v12 =	vld.idx.msk [tilespmem:v38+s28+$0x0], $0xffff;
	v13 =	vadd.s32 v52, v37;
	v11 =	vadd.f32 v14, v11  }
0x223: {  	v16 =	vmul.f32 $1.442695020e+00, v16;
	v38 =	vadd.s32 v44, v37;
	v20 =	vld.idx.msk [tilespmem:v20+s29+$0x0], $0xffff;
	v17 =	vmul.f32 $1.442695020e+00, v17  }
0x224: {  	v0 =	vmul.f32 $1.442695020e+00, v0;
	(erf) = vpow2.f32 v8;
	v8 =	vadd.f32 v5, v11  }
0x225: {  	v39 =	vadd.s32 v45, v37;
	v3 =	vadd.s32 v59, v37;
	v10 =	vmul.f32 $1.442695020e+00, v10;
	v4 =	vld.idx.msk [tilespmem:v4+s29+$0x0], $0xffff  }
0x226: {  	v15 =	vld.idx.msk [tilespmem:v43+s28+$0x0], $0xffff;
	(erf) = vpow2.f32 v0;
	v11 =	vadd.s32 v60, v37;
	v40 =	vpop (erf);
	v0 =	vadd.f32 v9, v8  }
0x227: {  	v44 =	vadd.s32 v46, v37;
	v13 =	vld.idx.msk [tilespmem:v13+s29+$0x0], $0xffff;
	(erf) = vpow2.f32 v17;
	v8 =	vmul.f32 $1.442695020e+00, v18;
	v17 =	vpop (erf)  }
0x228: {  	v42 =	vadd.s32 v63, v37;
	v12 =	vmul.f32 $1.442695020e+00, v12;
	v41 =	vpop (erf);
	v0 =	vadd.f32 v20, v0  }
0x229: {  	v19 =	vld.idx.msk [tilespmem:v19+s29+$0x0], $0xffff;
	v2 =	vmul.f32 v40, v2;
	(erf) = vpow2.f32 v8;
	v8 =	vadd.s32 v47, v37;
	v43 =	vpop (erf)  }
0x22a: {  	v3 =	vld.idx.msk [tilespmem:v3+s29+$0x0], $0xffff;
	v14 =	vmul.f32 v41, v14;
	(erf) = vpow2.f32 v10;
	v60 =	vpop (erf);
	v0 =	vadd.f32 v4, v0  }
0x22b: {  	s16 =	simm.s32 $0x10;
	v10 =	vmul.f32 $1.442695020e+00, v15;
	v11 =	vld.idx.msk [tilespmem:v11+s28+$0x0], $0xffff;
	v63 =	vadd.f32 $0.0e+00, v60;
	v6 =	vmul.f32 v60, v6  }
0x22c: {  	v47 =	vmov s16;
	v7 =	vmul.f32 v43, v7;
	v0 =	vadd.f32 v13, v0  }
0x22d: {  	v18 =	vld.idx.msk [tilespmem:v57+s28+$0x0], $0xffff;
	v57 =	vpop (erf);
	(erf) = vpow2.f32 v10;
	v10 =	vadd.f32 v40, v63;
	v6 =	vadd.f32 $0.0e+00, v6  }
0x22e: {  	v21 =	vld.idx.msk [tilespmem:v21+s29+$0x0], $0xffff;
	v4 =	vmul.f32 v17, v4;
	v9 =	vmul.f32 v57, v9;
	v0 =	vadd.f32 v19, v0  }
0x22f: {  	v60 =	vpop (erf);
	(erf) = vpow2.f32 v1;
	v10 =	vadd.f32 v43, v10;
	v2 =	vadd.f32 v2, v6  }
0x230: {  	v42 =	vld.idx.msk [tilespmem:v42+s28+$0x0], $0xffff;
	v1 =	vmul.f32 v60, v5;
	v11 =	vmul.f32 $1.442695020e+00, v11;
	v0 =	vadd.f32 v3, v0  }
0x231: {  	v37 =	vld.idx.msk [tilespmem:v38+s29+$0x0], $0xffff;
	v63 =	vpop (erf);
	v6 =	vadd.f32 v41, v10;
	v2 =	vadd.f32 v7, v2;
	v7 =	vshll.u32 v47, $0x7  }
0x232: {  	v5 =	vld.idx.msk [tilespmem:v39+s29+$0x0], $0xffff;
	v10 =	vmul.f32 $1.442695020e+00, v18;
	v38 =	vpop (erf);
	(erf) = vpow2.f32 v16;
	v39 =	vor.u32 v61, v7  }
0x233: {  	v0 =	vadd.f32 v21, v0;
	v45 =	vpop (erf);
	v6 =	vadd.f32 v60, v6;
	(erf) = vpow2.f32 v11  }
0x234: {  	v11 =	vmul.f32 v63, v20;
	v2 =	vadd.f32 v14, v2;
	v14 =	vadd.s32 v25, v39  }
0x235: {  	v7 =	vadd.s32 v55, v39;
	v15 =	vadd.s32 v26, v39;
	v20 =	vadd.s32 v28, v39  }
0x236: {  	v8 =	vld.idx.msk [tilespmem:v8+s29+$0x0], $0xffff;
	v41 =	vadd.s32 v51, v39;
	v43 =	vadd.s32 v48, v39;
	v55 =	vadd.s32 v54, v39  }
0x237: {  	v18 =	vld.idx.msk [tilespmem:v44+s29+$0x0], $0xffff;
	v44 =	vadd.s32 v56, v39;
	(erf) = vpow2.f32 v10;
	v10 =	vmul.f32 $1.442695020e+00, v42  }
0x238: {  	v16 =	vld.idx.msk [tilespmem:v49+s29+$0x0], $0xffff;
	v61 =	vadd.s32 v58, v39;
	(erf) = vpow2.f32 v12;
	v1 =	vadd.f32 v1, v2  }
0x239: {  	v6 =	vadd.f32 v57, v6;
	(erf) = vpow2.f32 v10;
	v10 =	vadd.s32 v24, v39;
	v14 =	vld.idx.msk [tilespmem:v14+s28+$0x0], $0xffff  }
0x23a: {  	v48 =	vadd.s32 v62, v39;
	v0 =	vadd.f32 v37, v0;
	v1 =	vadd.f32 v9, v1;
	v15 =	vld.idx.msk [tilespmem:v15+s28+$0x0], $0xffff  }
0x23b: {  	v56 =	vadd.s32 v33, v39;
	v54 =	vadd.s32 v50, v39;
	v6 =	vadd.f32 v63, v6;
	v51 =	vld.idx.msk [tilespmem:v41+s29+$0x0], $0xffff  }
0x23c: {  	v42 =	vadd.s32 v30, v39;
	v0 =	vadd.f32 v5, v0;
	v50 =	vld.idx.msk [tilespmem:v43+s29+$0x0], $0xffff;
	v1 =	vadd.f32 v11, v1  }
0x23d: {  	v53 =	vadd.s32 v53, v39;
	v52 =	vadd.s32 v52, v39;
	v12 =	vpop (erf);
	v47 =	vld.idx.msk [tilespmem:v44+s29+$0x0], $0xffff;
	v6 =	vadd.f32 v17, v6  }
0x23e: {  	v13 =	vmul.f32 v45, v13;
	v2 =	vpop (erf);
	v0 =	vadd.f32 v16, v0;
	v10 =	vld.idx.msk [tilespmem:v10+s28+$0x0], $0xffff;
	v1 =	vadd.f32 v4, v1  }
0x23f: {  	v46 =	vadd.s32 v59, v39;
	v57 =	vadd.s32 v31, v39;
	v6 =	vadd.f32 v45, v6;
	v49 =	vpop (erf);
	v4 =	vld [tilespmem:$0x1FE10]  }
0x240: {  	v43 =	vld.idx.msk [tilespmem:v48+s29+$0x0], $0xffff;
	v0 =	vadd.f32 v8, v0;
	v19 =	vmul.f32 v49, v19;
	v1 =	vadd.f32 v13, v1  }
0x241: {  	v58 =	vmul.f32 v2, v3;
	v17 =	vadd.s32 v27, v39;
	v63 =	vld.idx.msk [tilespmem:v42+s28+$0x0], $0xffff;
	v6 =	vadd.f32 v49, v6  }
0x242: {  	v45 =	vadd.s32 v32, v39;
	v9 =	vpop (erf);
	v3 =	vadd.f32 v18, v0;
	v1 =	vadd.f32 v19, v1;
	v19 =	vld.idx.msk [tilespmem:v7+s28+$0x0], $0xffff  }
0x243: {  	v60 =	vpop (erf);
	v49 =	vadd.s32 v36, v39;
	v41 =	vmul.f32 v9, v16;
	v2 =	vadd.f32 v2, v6;
	v6 =	vld [tilespmem:$0x1FF60]  }
0x244: {  	v0 =	vmul.f32 $1.442695020e+00, v14;
	v11 =	vpop (erf);
	v36 =	vadd.f32 v3, v4;
	v3 =	vld [tilespmem:$0x1FF40];
	v4 =	vmul.f32 $1.442695020e+00, v10  }
0x245: {  	v42 =	vmul.f32 v60, v8;
	v21 =	vmul.f32 v11, v21;
	v2 =	vadd.f32 v11, v2;
	v11 =	vld.idx.msk [tilespmem:v56+s28+$0x0], $0xffff  }
0x246: {  	v62 =	vpop (erf);
	v7 =	vadd.s32 v29, v39;
	v1 =	vadd.f32 v58, v1;
	(erf) = vpow2.f32 v4;
	v4 =	vld [tilespmem:$0x1FF50]  }
0x247: {  	v40 =	vmul.f32 v62, v18;
	v10 =	vadd.s32 v34, v39;
	v58 =	vld.idx.msk [tilespmem:v55+s29+$0x0], $0xffff;
	v56 =	vmul.f32 v12, v5  }
0x248: {  	v5 =	vadd.s32 v23, v39;
	v55 =	vld.idx.msk [tilespmem:v61+s29+$0x0], $0xffff;
	v2 =	vadd.f32 v38, v2;
	v61 =	vadd.f32 v21, v1  }
0x249: {  	v59 =	vld.idx.msk [tilespmem:v45+s28+$0x0], $0xffff;
	v1 =	vadd.f32 $0.0e+00, v50;
	v45 =	vadd.s32 v6, v39;
	v6 =	vmul.f32 $1.442695020e+00, v63  }
0x24a: {  	v8 =	vld.idx.msk [tilespmem:v17+s28+$0x0], $0xffff;
	v44 =	vadd.s32 v3, v39;
	v3 =	vmul.f32 $1.442695020e+00, v15;
	v2 =	vadd.f32 v12, v2  }
0x24b: {  	(erf) = vpow2.f32 v6;
	v6 =	vadd.s32 v22, v39;
	v48 =	vadd.s32 v4, v39;
	v4 =	vld.idx.msk [tilespmem:v20+s28+$0x0], $0xffff  }
0x24c: {  	s13 =	simm.s32 $0x20;
	v63 =	vmul.f32 $1.442695020e+00, v11;
	v9 =	vadd.f32 v9, v2;
	v2 =	vld.idx.msk [tilespmem:v10+s28+$0x0], $0xffff;
	v10 =	vmul.f32 $1.442695020e+00, v19  }
.LBB2_7:
0x24d: {  	_ =	sdelay $0x1  }
0x24e: {  	(erf) = vpow2.f32 v3  }
0x24f: {  	v7 =	vld.idx.msk [tilespmem:v7+s28+$0x0], $0xffff;
	v1 =	vadd.f32 v51, v1;
	(erf) = vpow2.f32 v0;
	v0 =	vadd.f32 v60, v9  }
0x250: {  	v11 =	vld [tilespmem:$0x1FFA0];
	v3 =	vmul.f32 v38, v37;
	v4 =	vmul.f32 $1.442695020e+00, v4  }
0x251: {  	v5 =	vld.idx.msk [tilespmem:v5+s28+$0x0], $0xffff;
	(erf) = vpow2.f32 v10;
	v1 =	vadd.f32 v58, v1;
	v0 =	vadd.f32 v62, v0  }
0x252: {  	v6 =	vld.idx.msk [tilespmem:v6+s28+$0x0], $0xffff;
	v3 =	vadd.f32 v3, v61;
	(erf) = vpow2.f32 v4  }
0x253: {  	v9 =	vld [tilespmem:$0x1FFC0];
	v1 =	vadd.f32 v47, v1;
	v13 =	vpop (erf);
	(erf) = vrcp.f32 v0  }
0x254: {  	v10 =	vld.idx.msk [tilespmem:v57+s28+$0x0], $0xffff;
	v3 =	vadd.f32 v56, v3  }
0x255: {  	v11 =	vadd.s32 v11, v39  }
0x256: {  	v17 =	vmul.f32 $1.442695020e+00, v7;
	v4 =	vmul.f32 $1.442695020e+00, v8;
	v3 =	vadd.f32 v41, v3  }
0x257: {  	v5 =	vmul.f32 $1.442695020e+00, v5;
	v6 =	vmul.f32 $1.442695020e+00, v6;
	v0 =	vadd.f32 v55, v1;
	v1 =	vpop (erf)  }
0x258: {  	v14 =	vld [tilespmem:$0x1FF90];
	v9 =	vadd.s32 v9, v39;
	(erf) = vpow2.f32 v4;
	v3 =	vadd.f32 v42, v3;
	v16 =	vpop (erf)  }
0x259: {  	v12 =	vld.idx.msk [tilespmem:v54+s29+$0x0], $0xffff;
	v10 =	vmul.f32 $1.442695020e+00, v10;
	(erf) = vpow2.f32 v17;
	v19 =	vpop (erf)  }
0x25a: {  	v15 =	vmul.f32 v13, v51;
	v3 =	vadd.f32 v40, v3;
	(erf) = vpow2.f32 v5;
	v5 =	vld.idx.msk [tilespmem:v11+s28+$0x0], $0xffff;
	v11 =	vpop (erf)  }
0x25b: {  	v4 =	vld.idx.msk [tilespmem:v52+s29+$0x0], $0xffff;
	(erf) = vpow2.f32 v10;
	v51 =	vadd.f32 $0.0e+00, v11;
	v11 =	vmul.f32 v11, v50;
	v52 =	vpop (erf)  }
0x25c: {  	v18 =	vld [tilespmem:$0x1FF80];
	(erf) = vpow2.f32 v6;
	v6 =	vpop (erf)  }
0x25d: {  	v14 =	vadd.s32 v14, v39;
	v9 =	vld.idx.msk [tilespmem:v9+s28+$0x0], $0xffff;
	v11 =	vadd.f32 $0.0e+00, v11;
	v3 =	vmul.f32 v6, v3  }
0x25e: {  	v20 =	vld.idx.msk [tilespmem:v46+s29+$0x0], $0xffff;
	v2 =	vmul.f32 $1.442695020e+00, v2;
	v13 =	vadd.f32 v13, v51  }
0x25f: {  	v21 =	vld [tilespmem:$0x1FFB0];
	v10 =	vmul.f32 v19, v58;
	v35 =	vadd.f32 v3, v35;
	v3 =	vadd.f32 v15, v11  }
0x260: {  	v7 =	vld.idx.msk [tilespmem:v53+s29+$0x0], $0xffff;
	v53 =	vmul.f32 v16, v47;
	v60 =	vmul.f32 v52, v43  }
0x261: {  	v54 =	vld [tilespmem:$0x1FED0];
	v6 =	vmul.f32 $1.442695020e+00, v59;
	v61 =	vpop (erf);
	v13 =	vadd.f32 v19, v13;
	v3 =	vadd.f32 v10, v3  }
0x262: {  	v18 =	vadd.s32 v18, v39;
	v14 =	vld.idx.msk [tilespmem:v14+s28+$0x0], $0xffff;
	v9 =	vmul.f32 $1.442695020e+00, v9;
	v62 =	vpop (erf);
	(erf) = vpow2.f32 v63  }
0x263: {  	v37 =	vld.idx.msk [tilespmem:v48+s29+$0x0], $0xffff;
	v63 =	vmul.f32 v61, v55;
	v11 =	vadd.f32 v16, v13;
	v38 =	vpop (erf);
	v3 =	vadd.f32 v53, v3  }
0x264: {  	v56 =	vld.idx.msk [tilespmem:v45+s29+$0x0], $0xffff;
	v0 =	vadd.f32 v43, v0;
	v5 =	vmul.f32 $1.442695020e+00, v5;
	v47 =	vpop (erf);
	(erf) = vpow2.f32 v6  }
0x265: {  	v8 =	vld [tilespmem:$0x1FF70];
	v6 =	vadd.f32 v61, v11;
	(erf) = vpow2.f32 v9;
	v3 =	vadd.f32 v63, v3  }
0x266: {  	v41 =	vld.idx.msk [tilespmem:v44+s29+$0x0], $0xffff;
	v0 =	vadd.f32 v12, v0;
	v9 =	vmul.f32 v62, v12;
	(erf) = vpow2.f32 v5  }
0x267: {  	v17 =	vld.idx.msk [tilespmem:v49+s29+$0x0], $0xffff;
	v5 =	vadd.f32 v52, v6;
	v6 =	vmul.f32 $1.442695020e+00, v14;
	v3 =	vadd.f32 v60, v3  }
0x268: {  	v21 =	vadd.s32 v21, v39;
	v58 =	vld [tilespmem:$0x1FEE0];
	v0 =	vadd.f32 v7, v0;
	(erf) = vpow2.f32 v2  }
0x269: {  	v7 =	vmul.f32 v1, v7;
	v2 =	vpop (erf);
	(erf) = vpow2.f32 v6;
	v6 =	vld [tilespmem:$0x1FFF0];
	v3 =	vadd.f32 v9, v3  }
0x26a: {  	v50 =	vld [tilespmem:$0x1FEA0]  }
0x26b: {  	s14 =	smov.u32 s13;
	v7 =	vadd.f32 v7, v3;
	v3 =	vld [tilespmem:$0x1FEF0]  }
0x26c: {  	v8 =	vadd.s32 v8, v39;
	v0 =	vadd.f32 v4, v0;
	v51 =	vld [tilespmem:$0x1FFD0];
	v11 =	vmov s14  }
0x26d: {  	v15 =	vld.idx.msk [tilespmem:v18+s29+$0x0], $0xffff;
	v10 =	vshll.u32 v11, $0x7  }
0x26e: {  	v0 =	vadd.f32 v17, v0;
	v13 =	vld.idx.msk [tilespmem:v21+s29+$0x0], $0xffff;
	v39 =	vor.u32 v6, v10  }
0x26f: {  	v53 =	vld [tilespmem:$0x1FEC0];
	v5 =	vadd.f32 v62, v5;
	v11 =	vadd.s32 v24, v39  }
0x270: {  	v0 =	vadd.f32 v20, v0;
	v63 =	vadd.s32 v54, v39;
	v54 =	vadd.s32 v3, v39;
	v3 =	vld [tilespmem:$0x1FF00]  }
0x271: {  	v1 =	vadd.f32 v1, v5;
	v5 =	vld.idx.msk [tilespmem:v8+s29+$0x0], $0xffff;
	v8 =	vadd.s32 v25, v39  }
0x272: {  	v0 =	vadd.f32 v41, v0;
	v52 =	vld [tilespmem:$0x1FEB0];
	v48 =	vadd.s32 v26, v39  }
0x273: {  	v10 =	vld [tilespmem:$0x1FFE0];
	v19 =	vadd.s32 v50, v39  }
0x274: {  	v0 =	vadd.f32 v37, v0;
	v21 =	vadd.s32 v30, v39;
	v11 =	vld.idx.msk [tilespmem:v11+s28+$0x0], $0xffff  }
0x275: {  	v43 =	vadd.s32 v53, v39;
	v53 =	vadd.s32 v3, v39;
	v3 =	vld [tilespmem:$0x1FF10]  }
0x276: {  	v0 =	vadd.f32 v56, v0;
	v42 =	vadd.s32 v51, v39;
	v8 =	vld.idx.msk [tilespmem:v8+s28+$0x0], $0xffff  }
0x277: {  	v12 =	vld.idx.msk [tilespmem:v48+s28+$0x0], $0xffff  }
0x278: {  	v0 =	vadd.f32 v13, v0;
	v1 =	vadd.f32 v47, v1;
	v6 =	vpop (erf);
	v18 =	vadd.s32 v58, v39;
	v51 =	vld.idx.msk [tilespmem:v19+s29+$0x0], $0xffff  }
0x279: {  	v49 =	vpop (erf);
	v55 =	vadd.s32 v52, v39;
	v19 =	vld.idx.msk [tilespmem:v21+s28+$0x0], $0xffff  }
0x27a: {  	v1 =	vadd.f32 v49, v1;
	v0 =	vadd.f32 v5, v0;
	v52 =	vadd.s32 v3, v39;
	v3 =	vld [tilespmem:$0x1FF20]  }
0x27b: {  	v4 =	vmul.f32 v47, v4;
	v20 =	vmul.f32 v6, v20;
	v50 =	vld.idx.msk [tilespmem:v42+s29+$0x0], $0xffff  }
0x27c: {  	v1 =	vadd.f32 v6, v1;
	v6 =	vadd.f32 v15, v0;
	v10 =	vadd.s32 v10, v39;
	v47 =	vld.idx.msk [tilespmem:v43+s29+$0x0], $0xffff  }
0x27d: {  	v56 =	vmul.f32 v2, v56;
	v59 =	vadd.s32 v33, v39;
	v61 =	vpop (erf);
	v43 =	vld.idx.msk [tilespmem:v18+s29+$0x0], $0xffff  }
0x27e: {  	v14 =	vadd.s32 v27, v39;
	v60 =	vpop (erf);
	v36 =	vadd.f32 v6, v36;
	v6 =	vmul.f32 $1.442695020e+00, v11;
	v11 =	vld [tilespmem:$0x1FF50]  }
0x27f: {  	v16 =	vadd.s32 v28, v39;
	v17 =	vmul.f32 v49, v17;
	v9 =	vpop (erf);
	v49 =	vadd.s32 v3, v39;
	v3 =	vld [tilespmem:$0x1FF30]  }
0x280: {  	v57 =	vadd.s32 v31, v39;
	v45 =	vadd.s32 v32, v39;
	v62 =	vpop (erf);
	v1 =	vadd.f32 v9, v1;
	v58 =	vld.idx.msk [tilespmem:v55+s29+$0x0], $0xffff  }
0x281: {  	v40 =	vmul.f32 v62, v15;
	v21 =	vmul.f32 v9, v41;
	v9 =	vadd.s32 v34, v39;
	v10 =	vld.idx.msk [tilespmem:v10+s28+$0x0], $0xffff  }
0x282: {  	v41 =	vmul.f32 v61, v13;
	v1 =	vadd.f32 v38, v1;
	v0 =	vmul.f32 $1.442695020e+00, v8;
	v8 =	vld.idx.msk [tilespmem:v59+s28+$0x0], $0xffff  }
0x283: {  	v42 =	vmul.f32 v60, v5;
	v48 =	vadd.s32 v11, v39;
	v11 =	vadd.f32 v4, v7;
	v4 =	vld [tilespmem:$0x1FF60]  }
0x284: {  	p1 =	sne.s32 s13, $0x30;
	v18 =	vmul.f32 $1.442695020e+00, v19;
	v19 =	vadd.f32 v2, v1;
	v46 =	vadd.s32 v3, v39;
	v3 =	vld [tilespmem:$0x1FF40]  }
.Ltmp4:
0x285: {  	v5 =	vadd.s32 v23, v39;
	v55 =	vld.idx.msk [tilespmem:v63+s29+$0x0], $0xffff;
	v1 =	vadd.f32 $0.0e+00, v50;
	v11 =	vadd.f32 v17, v11;
	(pc) =	sbr.rel @p1 .LBB2_7-.Ltmp4, $4  }
0x286: {  	v2 =	vld.idx.msk [tilespmem:v9+s28+$0x0], $0xffff;
	(erf) = vpow2.f32 v6;
	v6 =	vadd.s32 v22, v39;
	v9 =	vadd.f32 v61, v19  }
0x287: {  	v59 =	vld.idx.msk [tilespmem:v45+s28+$0x0], $0xffff;
	(erf) = vpow2.f32 v18;
	v10 =	vmul.f32 $1.442695020e+00, v10;
	v11 =	vadd.f32 v20, v11  }
0x288: {  	v7 =	vadd.s32 v29, v39;
	v63 =	vmul.f32 $1.442695020e+00, v8;
	v8 =	vld.idx.msk [tilespmem:v14+s28+$0x0], $0xffff;
	v45 =	vadd.s32 v4, v39  }
0x289: {  	s13 =	sadd.s32 $0x10, s13;
	v4 =	vld.idx.msk [tilespmem:v16+s28+$0x0], $0xffff;
	v61 =	vadd.f32 v21, v11;
	v44 =	vadd.s32 v3, v39;
	v3 =	vmul.f32 $1.442695020e+00, v12  }
0x28a: {  	_ = 	snop  }
0x28b: {  	(erf) = vpow2.f32 v3  }
0x28c: {  	(erf) = vpow2.f32 v0  }
0x28d: {  	(erf) = vpow2.f32 v10  }
0x28e: {  	v0 =	vadd.f32 v60, v9  }
0x28f: {  	v3 =	vmul.f32 $1.442695020e+00, v4  }
0x290: {  	v0 =	vadd.f32 v62, v0;
	v62 =	vld [tilespmem:$0x1FFC0]  }
0x291: {  	v4 =	vld.idx.msk [tilespmem:v7+s28+$0x0], $0xffff;
	v7 =	vpop (erf);
	(erf) = vpow2.f32 v3;
	v3 =	vmul.f32 $1.442695020e+00, v8  }
0x292: {  	v11 =	vld [tilespmem:$0x1FFA0]  }
0x293: {  	v10 =	vld.idx.msk [tilespmem:v57+s28+$0x0], $0xffff;
	v8 =	vpop (erf)  }
0x294: {  	v5 =	vld.idx.msk [tilespmem:v5+s28+$0x0], $0xffff;
	(erf) = vrcp.f32 v0;
	v0 =	vpop (erf)  }
0x295: {  	(erf) = vpow2.f32 v3;
	v9 =	vadd.s32 v62, v39;
	v3 =	vpop (erf)  }
0x296: {  	v6 =	vld.idx.msk [tilespmem:v6+s28+$0x0], $0xffff;
	v12 =	vpop (erf)  }
0x297: {  	v11 =	vadd.s32 v11, v39;
	v4 =	vmul.f32 $1.442695020e+00, v4;
	v13 =	vadd.f32 $0.0e+00, v12  }
0x298: {  	v10 =	vmul.f32 $1.442695020e+00, v10  }
0x299: {  	v5 =	vmul.f32 $1.442695020e+00, v5;
	(erf) = vpow2.f32 v4;
	v4 =	vadd.f32 v7, v13  }
0x29a: {  	v9 =	vld.idx.msk [tilespmem:v9+s28+$0x0], $0xffff  }
0x29b: {  	v6 =	vmul.f32 $1.442695020e+00, v6;
	(erf) = vpow2.f32 v5;
	v4 =	vadd.f32 v3, v4  }
0x29c: {  	v5 =	vld.idx.msk [tilespmem:v11+s28+$0x0], $0xffff;
	(erf) = vpow2.f32 v10;
	v10 =	vpop (erf)  }
0x29d: {  	(erf) = vpow2.f32 v6;
	v6 =	vmul.f32 $1.442695020e+00, v59;
	v59 =	vld [tilespmem:$0x1FF90];
	v60 =	vpop (erf);
	v4 =	vadd.f32 v0, v4  }
0x29e: {  	v11 =	vpop (erf)  }
0x29f: {  	(erf) = vpow2.f32 v63;
	v9 =	vmul.f32 $1.442695020e+00, v9;
	v4 =	vadd.f32 v11, v4  }
0x2a0: {  	(erf) = vpow2.f32 v6  }
0x2a1: {  	v5 =	vmul.f32 $1.442695020e+00, v5;
	v4 =	vadd.f32 v10, v4  }
0x2a2: {  	v2 =	vmul.f32 $1.442695020e+00, v2;
	v6 =	vadd.s32 v59, v39;
	(erf) = vpow2.f32 v9  }
0x2a3: {  	(erf) = vpow2.f32 v5;
	v9 =	vpop (erf)  }
0x2a4: {  	(erf) = vpow2.f32 v2;
	v2 =	vadd.f32 v9, v4  }
0x2a5: {  	v4 =	vpop (erf)  }
0x2a6: {  	v2 =	vadd.f32 v8, v2;
	v5 =	vpop (erf)  }
0x2a7: {  	v6 =	vld.idx.msk [tilespmem:v6+s28+$0x0], $0xffff;
	v57 =	vpop (erf)  }
0x2a8: {  	v2 =	vadd.f32 v5, v2;
	v14 =	vpop (erf)  }
0x2a9: {  	v15 =	vpop (erf)  }
0x2aa: {  	v2 =	vadd.f32 v15, v2  }
0x2ab: {  	v16 =	vpop (erf)  }
0x2ac: {  	v6 =	vmul.f32 $1.442695020e+00, v6;
	v17 =	vpop (erf);
	v2 =	vadd.f32 v14, v2  }
0x2ad: {  	v12 =	vmul.f32 v12, v50;
	v18 =	vpop (erf)  }
0x2ae: {  	v1 =	vadd.f32 v51, v1;
	(erf) = vpow2.f32 v6;
	v2 =	vadd.f32 v18, v2  }
0x2af: {  	v6 =	vmul.f32 v7, v51;
	v7 =	vadd.f32 $0.0e+00, v12  }
0x2b0: {  	v21 =	vld.idx.msk [tilespmem:v46+s29+$0x0], $0xffff;
	v1 =	vadd.f32 v58, v1;
	v2 =	vadd.f32 v4, v2  }
0x2b1: {  	v46 =	vld [tilespmem:$0x1FF80];
	v3 =	vmul.f32 v3, v58;
	v6 =	vadd.f32 v6, v7  }
0x2b2: {  	v1 =	vadd.f32 v47, v1;
	v58 =	vld.idx.msk [tilespmem:v49+s29+$0x0], $0xffff;
	v2 =	vadd.f32 v57, v2  }
0x2b3: {  	v0 =	vmul.f32 v0, v47;
	v47 =	vld [tilespmem:$0x1FF70];
	v7 =	vmul.f32 v11, v55;
	v3 =	vadd.f32 v3, v6  }
0x2b4: {  	v6 =	vld.idx.msk [tilespmem:v54+s29+$0x0], $0xffff;
	v2 =	vadd.f32 v16, v2  }
0x2b5: {  	v49 =	vld [tilespmem:$0x1FFB0];
	v0 =	vadd.f32 v0, v3  }
0x2b6: {  	v1 =	vadd.f32 v55, v1;
	v3 =	vld.idx.msk [tilespmem:v53+s29+$0x0], $0xffff;
	v2 =	vadd.f32 v17, v2  }
0x2b7: {  	v10 =	vmul.f32 v10, v43;
	v0 =	vadd.f32 v7, v0;
	v7 =	vpop (erf)  }
0x2b8: {  	v1 =	vadd.f32 v43, v1;
	v11 =	vld.idx.msk [tilespmem:v52+s29+$0x0], $0xffff;
	v2 =	vadd.f32 v7, v2  }
0x2b9: {  	v20 =	vadd.s32 v47, v39;
	v9 =	vmul.f32 v9, v6;
	v0 =	vadd.f32 v10, v0  }
0x2ba: {  	v1 =	vadd.f32 v6, v1;
	v10 =	vadd.s32 v46, v39;
	(erf) = vrcp.f32 v2  }
0x2bb: {  	v19 =	vadd.s32 v49, v39;
	v8 =	vmul.f32 v8, v3;
	v0 =	vadd.f32 v9, v0  }
0x2bc: {  	v63 =	vld.idx.msk [tilespmem:v44+s29+$0x0], $0xffff;
	v1 =	vadd.f32 v3, v1  }
0x2bd: {  	v5 =	vmul.f32 v5, v11;
	v6 =	vld.idx.msk [tilespmem:v45+s29+$0x0], $0xffff;
	v0 =	vadd.f32 v8, v0  }
0x2be: {  	s12 =	sadd.s32 @!p0 s19, s12;
	v3 =	vld.idx.msk [tilespmem:v20+s29+$0x0], $0xffff;
	v1 =	vadd.f32 v11, v1  }
0x2bf: {  	s12 =	sshrl.u32 @!p0 s12, $0x3;
	v8 =	vld.idx.msk [tilespmem:v10+s29+$0x0], $0xffff;
	v10 =	vmul.f32 v15, v58;
	v0 =	vadd.f32 v5, v0;
	v5 =	vmul.f32 v14, v21  }
0x2c0: {  	s14 =	simm.s32 @!p0 $0x0;
	s15 =	simm.s32 @!p0 $0x5800;
	s13 =	sadd.s32 @!p0 s3, s12;
	v9 =	vld.idx.msk [tilespmem:v19+s29+$0x0], $0xffff  }
0x2c1: {  	v1 =	vadd.f32 v58, v1;
	v2 =	vld.idx.msk [tilespmem:v48+s29+$0x0], $0xffff;
	[tilespmem:s15], [sflag:$0x3] =	stream.linear.gather @!p0 [hbm4b:s13+s14], $0x2000, $0x38;
	v0 =	vadd.f32 v10, v0  }
0x2c2: {  	s12 =	sadd.s32 @!p0 s4, s12;
	s15 =	simm.s32 @!p0 $0xD800  }
0x2c3: {  	v1 =	vadd.f32 v21, v1;
	[tilespmem:s15], [sflag:$0x7] =	stream.linear.gather @!p0 [hbm4b:s12+s14], $0x2000, $0x38;
	v0 =	vadd.f32 v5, v0;
	v5 =	vpop (erf);
	[tilespmem:$0x11900] =	vst v63  }
0x2c4: {  	_ =	swait.ge [sflag:s8], $0x2000  }
0x2c5: {  	v1 =	vadd.f32 v63, v1;
	[sflag:s8] =	ssyncset.done $0x0  }
0x2c6: {  	[sflag:s8] =	ssyncadd.s32 $0xFFFFE000  }
0x2c7: {  	v1 =	vadd.f32 v2, v1;
	v54 =	vld [tilespmem:$0x1FFF0];
	_ =	swait.ge [sflag:s9], $0x2000  }
0x2c8: {  	v13 =	vmul.f32 v57, v6;
	v10 =	vmul.f32 v38, v37;
	v57 =	vld [tilespmem:$0x1FEA0]  }
0x2c9: {  	v19 =	vmul.f32 v18, v63;
	v1 =	vadd.f32 v6, v1;
	v51 =	vld [tilespmem:$0x1FFD0]  }
0x2ca: {  	v43 =	vmul.f32 v16, v9;
	v10 =	vadd.f32 v10, v61;
	v61 =	vld [tilespmem:$0x1FEC0]  }
0x2cb: {  	s16 =	simm.s32 $0x0;
	v4 =	vmul.f32 v4, v2;
	v0 =	vadd.f32 v19, v0;
	v1 =	vadd.f32 v9, v1;
	v9 =	vld [tilespmem:$0x1FEE0]  }
0x2cc: {  	v11 =	vmov s16;
	v10 =	vadd.f32 v56, v10;
	v56 =	vld [tilespmem:$0x1FFE0]  }
0x2cd: {  	v11 =	vshll.u32 v11, $0x7;
	v0 =	vadd.f32 v4, v0;
	v55 =	vld [tilespmem:$0x1FEB0]  }
0x2ce: {  	v63 =	vld [tilespmem:$0x1FED0];
	v37 =	vor.u32 v54, v11  }
0x2cf: {  	v0 =	vadd.f32 v13, v0;
	v52 =	vld [tilespmem:$0x1FEF0];
	v11 =	vadd.s32 v24, v37  }
0x2d0: {  	v53 =	vld [tilespmem:$0x1FF00];
	v39 =	vadd.s32 v25, v37  }
0x2d1: {  	v45 =	vmul.f32 v17, v3;
	v0 =	vadd.f32 v43, v0;
	v58 =	vld [tilespmem:$0x1FF30];
	v4 =	vadd.s32 v26, v37  }
0x2d2: {  	v1 =	vadd.f32 v3, v1;
	[sflag:s9] =	ssyncset.done $0x0;
	v43 =	vld [tilespmem:$0x1FF50];
	v44 =	vadd.s32 v30, v37  }
0x2d3: {  	v0 =	vadd.f32 v45, v0;
	v45 =	vld [tilespmem:$0x1FFA0];
	[sflag:s9] =	ssyncadd.s32 $0xFFFFE000;
	v50 =	vadd.s32 v33, v37  }
0x2d4: {  	v7 =	vmul.f32 v7, v8;
	v1 =	vadd.f32 v8, v1;
	v8 =	vadd.s32 v28, v37;
	v11 =	vld.idx.msk [tilespmem:v11+s30+$0x0], $0xffff  }
0x2d5: {  	v10 =	vadd.f32 v41, v10;
	v38 =	vadd.s32 v29, v37;
	v12 =	vld.idx.msk [tilespmem:v39+s30+$0x0], $0xffff  }
0x2d6: {  	v4 =	vld.idx.msk [tilespmem:v4+s30+$0x0], $0xffff  }
0x2d7: {  	v10 =	vadd.f32 v42, v10;
	v13 =	vld.idx.msk [tilespmem:v44+s30+$0x0], $0xffff  }
0x2d8: {  	v36 =	vadd.f32 v1, v36;
	v42 =	vadd.s32 v22, v37;
	v1 =	vld.idx.msk [tilespmem:v50+s30+$0x0], $0xffff  }
0x2d9: {  	v10 =	vadd.f32 v40, v10;
	v6 =	vadd.s32 v51, v37;
	v8 =	vld.idx.msk [tilespmem:v8+s30+$0x0], $0xffff  }
0x2da: {  	v3 =	vadd.s32 v56, v37;
	v17 =	vld.idx.msk [tilespmem:v38+s30+$0x0], $0xffff  }
0x2db: {  	v10 =	vmul.f32 v60, v10;
	v0 =	vadd.f32 v7, v0;
	v2 =	vadd.s32 v57, v37;
	v50 =	vld [tilespmem:$0x1FF10]  }
0x2dc: {  	v48 =	vadd.s32 v61, v37;
	v44 =	vld [tilespmem:$0x1FF60]  }
0x2dd: {  	v10 =	vadd.f32 v10, v35;
	v0 =	vmul.f32 v5, v0;
	v7 =	vadd.s32 v55, v37;
	v15 =	vld.idx.msk [tilespmem:v42+s30+$0x0], $0xffff  }
0x2de: {  	v9 =	vadd.s32 v9, v37;
	v6 =	vld.idx.msk [tilespmem:v6+s31+$0x0], $0xffff  }
0x2df: {  	v35 =	vadd.f32 v0, v10;
	v0 =	vadd.s32 v27, v37;
	v3 =	vld.idx.msk [tilespmem:v3+s30+$0x0], $0xffff  }
0x2e0: {  	v5 =	vadd.s32 v63, v37;
	v2 =	vld.idx.msk [tilespmem:v2+s31+$0x0], $0xffff;
	v11 =	vmul.f32 $1.442695020e+00, v11  }
0x2e1: {  	v20 =	vadd.s32 v52, v37;
	v14 =	vld.idx.msk [tilespmem:v48+s31+$0x0], $0xffff;
	v13 =	vmul.f32 $1.442695020e+00, v13  }
0x2e2: {  	v39 =	vadd.s32 v23, v37;
	v7 =	vld.idx.msk [tilespmem:v7+s31+$0x0], $0xffff;
	v4 =	vmul.f32 $1.442695020e+00, v4;
	(erf) = vpow2.f32 v11  }
0x2e3: {  	v9 =	vld.idx.msk [tilespmem:v9+s31+$0x0], $0xffff;
	v40 =	vadd.f32 $0.0e+00, v6;
	v11 =	vmul.f32 $1.442695020e+00, v12;
	(erf) = vpow2.f32 v13  }
0x2e4: {  	v10 =	vadd.s32 v31, v37;
	v0 =	vld.idx.msk [tilespmem:v0+s30+$0x0], $0xffff;
	v3 =	vmul.f32 $1.442695020e+00, v3;
	(erf) = vpow2.f32 v4  }
0x2e5: {  	v60 =	vadd.s32 v34, v37;
	v5 =	vld.idx.msk [tilespmem:v5+s31+$0x0], $0xffff;
	v41 =	vadd.f32 v2, v40;
	(erf) = vpow2.f32 v11  }
0x2e6: {  	v48 =	vld [tilespmem:$0x1FF20];
	(erf) = vpow2.f32 v3  }
0x2e7: {  	v20 =	vld.idx.msk [tilespmem:v20+s31+$0x0], $0xffff;
	v4 =	vadd.s32 v53, v37;
	v11 =	vadd.f32 v7, v41  }
0x2e8: {  	v16 =	vadd.s32 v32, v37;
	v18 =	vld.idx.msk [tilespmem:v39+s30+$0x0], $0xffff;
	v8 =	vmul.f32 $1.442695020e+00, v8;
	v17 =	vmul.f32 $1.442695020e+00, v17  }
0x2e9: {  	v10 =	vld.idx.msk [tilespmem:v10+s30+$0x0], $0xffff;
	v13 =	vadd.s32 v50, v37;
	v0 =	vmul.f32 $1.442695020e+00, v0;
	v11 =	vadd.f32 v14, v11  }
0x2ea: {  	v38 =	vadd.s32 v43, v37;
	v42 =	vadd.s32 v59, v37;
	v12 =	vld.idx.msk [tilespmem:v60+s30+$0x0], $0xffff;
	(erf) = vpow2.f32 v8  }
0x2eb: {  	v19 =	vadd.s32 v48, v37;
	v60 =	vld [tilespmem:$0x1FF40];
	(erf) = vpow2.f32 v0;
	v8 =	vadd.f32 v5, v11;
	v40 =	vpop (erf)  }
0x2ec: {  	v39 =	vadd.s32 v44, v37;
	v1 =	vmul.f32 $1.442695020e+00, v1;
	v4 =	vld.idx.msk [tilespmem:v4+s31+$0x0], $0xffff;
	(erf) = vpow2.f32 v17;
	v17 =	vpop (erf)  }
0x2ed: {  	v16 =	vld.idx.msk [tilespmem:v16+s30+$0x0], $0xffff;
	v11 =	vadd.s32 v62, v37;
	v0 =	vadd.f32 v9, v8;
	v8 =	vmul.f32 $1.442695020e+00, v18;
	v41 =	vpop (erf)  }
0x2ee: {  	v44 =	vadd.s32 v46, v37;
	v10 =	vmul.f32 $1.442695020e+00, v10;
	v3 =	vadd.s32 v58, v37;
	v13 =	vld.idx.msk [tilespmem:v13+s31+$0x0], $0xffff;
	v43 =	vpop (erf)  }
0x2ef: {  	v18 =	vadd.s32 v45, v37;
	v0 =	vadd.f32 v20, v0;
	(erf) = vpow2.f32 v8;
	v59 =	vpop (erf)  }
0x2f0: {  	v19 =	vld.idx.msk [tilespmem:v19+s31+$0x0], $0xffff;
	(erf) = vpow2.f32 v10;
	v10 =	vmul.f32 $1.442695020e+00, v15;
	v62 =	vadd.f32 $0.0e+00, v59  }
0x2f1: {  	v46 =	vadd.s32 v49, v37;
	v21 =	vadd.s32 v60, v37;
	v0 =	vadd.f32 v4, v0  }
0x2f2: {  	v11 =	vld.idx.msk [tilespmem:v11+s30+$0x0], $0xffff;
	v6 =	vmul.f32 v59, v6;
	(erf) = vpow2.f32 v10;
	v10 =	vadd.f32 v40, v62  }
0x2f3: {  	v16 =	vmul.f32 $1.442695020e+00, v16;
	v12 =	vmul.f32 $1.442695020e+00, v12;
	v3 =	vld.idx.msk [tilespmem:v3+s31+$0x0], $0xffff;
	v0 =	vadd.f32 v13, v0  }
0x2f4: {  	v2 =	vmul.f32 v40, v2;
	v18 =	vld.idx.msk [tilespmem:v18+s30+$0x0], $0xffff;
	v6 =	vadd.f32 $0.0e+00, v6;
	v10 =	vadd.f32 v43, v10  }
0x2f5: {  	v14 =	vmul.f32 v41, v14;
	v7 =	vmul.f32 v43, v7;
	v59 =	vpop (erf);
	v0 =	vadd.f32 v19, v0  }
0x2f6: {  	v45 =	vld.idx.msk [tilespmem:v42+s30+$0x0], $0xffff;
	v9 =	vmul.f32 v59, v9;
	v2 =	vadd.f32 v2, v6;
	v6 =	vadd.f32 v41, v10  }
0x2f7: {  	v21 =	vld.idx.msk [tilespmem:v21+s31+$0x0], $0xffff;
	v8 =	vadd.s32 v47, v37;
	v11 =	vmul.f32 $1.442695020e+00, v11;
	v62 =	vpop (erf);
	(erf) = vpow2.f32 v1  }
0x2f8: {  	v37 =	vld.idx.msk [tilespmem:v38+s31+$0x0], $0xffff;
	v47 =	vpop (erf);
	v1 =	vmul.f32 v62, v5;
	v0 =	vadd.f32 v3, v0;
	v6 =	vadd.f32 v62, v6  }
0x2f9: {  	s16 =	simm.s32 $0x10;
	v5 =	vld.idx.msk [tilespmem:v39+s31+$0x0], $0xffff;
	v10 =	vmul.f32 $1.442695020e+00, v18;
	v2 =	vadd.f32 v7, v2;
	v39 =	vpop (erf);
	(erf) = vpow2.f32 v16  }
0x2fa: {  	v49 =	vpop (erf);
	(erf) = vpow2.f32 v11;
	v6 =	vadd.f32 v59, v6;
	v59 =	vmov s16  }
0x2fb: {  	(erf) = vpow2.f32 v10;
	v10 =	vmul.f32 $1.442695020e+00, v45;
	v7 =	vshll.u32 v59, $0x7  }
0x2fc: {  	v0 =	vadd.f32 v21, v0;
	(erf) = vpow2.f32 v12;
	v38 =	vor.u32 v54, v7  }
0x2fd: {  	v2 =	vadd.f32 v14, v2;
	(erf) = vpow2.f32 v10;
	v10 =	vadd.s32 v24, v38  }
0x2fe: {  	v4 =	vmul.f32 v17, v4;
	v0 =	vadd.f32 v37, v0;
	v62 =	vadd.s32 v25, v38  }
0x2ff: {  	v8 =	vld.idx.msk [tilespmem:v8+s31+$0x0], $0xffff;
	v11 =	vmul.f32 v47, v20;
	v1 =	vadd.f32 v1, v2;
	v15 =	vadd.s32 v26, v38  }
0x300: {  	v18 =	vld.idx.msk [tilespmem:v44+s31+$0x0], $0xffff;
	v13 =	vmul.f32 v49, v13;
	v0 =	vadd.f32 v5, v0;
	v6 =	vadd.f32 v47, v6  }
0x301: {  	v16 =	vld.idx.msk [tilespmem:v46+s31+$0x0], $0xffff;
	v1 =	vadd.f32 v9, v1;
	v7 =	vadd.s32 v56, v38;
	v43 =	vadd.s32 v51, v38  }
0x302: {  	v20 =	vadd.s32 v28, v38;
	v42 =	vadd.s32 v30, v38;
	v47 =	vadd.s32 v32, v38;
	v10 =	vld.idx.msk [tilespmem:v10+s30+$0x0], $0xffff  }
0x303: {  	v56 =	vadd.s32 v31, v38;
	v55 =	vadd.s32 v55, v38;
	v44 =	vadd.s32 v61, v38;
	v14 =	vld.idx.msk [tilespmem:v62+s30+$0x0], $0xffff  }
0x304: {  	v12 =	vpop (erf);
	v6 =	vadd.f32 v17, v6;
	v17 =	vadd.s32 v27, v38;
	v1 =	vadd.f32 v11, v1;
	v15 =	vld.idx.msk [tilespmem:v15+s30+$0x0], $0xffff  }
0x305: {  	v2 =	vpop (erf);
	v54 =	vadd.s32 v52, v38;
	v53 =	vadd.s32 v53, v38;
	v62 =	vadd.s32 v63, v38;
	v63 =	vld [tilespmem:$0x1FEE0]  }
0x306: {  	v50 =	vadd.s32 v50, v38;
	v45 =	vadd.s32 v58, v38;
	v40 =	vpop (erf);
	v1 =	vadd.f32 v4, v1;
	v52 =	vld.idx.msk [tilespmem:v43+s31+$0x0], $0xffff  }
0x307: {  	v0 =	vadd.f32 v16, v0;
	v6 =	vadd.f32 v49, v6;
	v49 =	vadd.s32 v57, v38;
	v9 =	vpop (erf);
	v58 =	vld.idx.msk [tilespmem:v47+s30+$0x0], $0xffff  }
0x308: {  	v19 =	vmul.f32 v40, v19;
	v59 =	vpop (erf);
	v1 =	vadd.f32 v13, v1;
	v43 =	vadd.s32 v60, v38;
	v60 =	vld.idx.msk [tilespmem:v55+s31+$0x0], $0xffff  }
0x309: {  	v57 =	vadd.s32 v33, v38;
	v0 =	vadd.f32 v8, v0;
	v47 =	vmul.f32 v59, v8;
	v8 =	vld.idx.msk [tilespmem:v17+s30+$0x0], $0xffff  }
0x30a: {  	v6 =	vadd.f32 v40, v6;
	v41 =	vmul.f32 v9, v16;
	v11 =	vpop (erf);
	v1 =	vadd.f32 v19, v1;
	v19 =	vld.idx.msk [tilespmem:v7+s30+$0x0], $0xffff  }
0x30b: {  	v21 =	vmul.f32 v11, v21;
	v7 =	vadd.s32 v29, v38;
	v46 =	vadd.s32 v63, v38;
	v63 =	vld.idx.msk [tilespmem:v42+s30+$0x0], $0xffff  }
0x30c: {  	v61 =	vpop (erf);
	v42 =	vmul.f32 v2, v3;
	v2 =	vadd.f32 v2, v6;
	v4 =	vmul.f32 $1.442695020e+00, v10;
	v6 =	vld [tilespmem:$0x1FF60]  }
0x30d: {  	v51 =	vld.idx.msk [tilespmem:v49+s31+$0x0], $0xffff;
	v40 =	vmul.f32 v61, v18;
	v49 =	vadd.s32 v48, v38;
	v3 =	vadd.f32 v18, v0  }
0x30e: {  	v0 =	vmul.f32 $1.442695020e+00, v14;
	v2 =	vadd.f32 v11, v2;
	(erf) = vpow2.f32 v4;
	v4 =	vld [tilespmem:$0x1FF50]  }
0x30f: {  	v10 =	vadd.s32 v34, v38;
	v36 =	vadd.f32 v3, v36;
	v11 =	vld.idx.msk [tilespmem:v57+s30+$0x0], $0xffff;
	v1 =	vadd.f32 v42, v1  }
0x310: {  	v48 =	vld.idx.msk [tilespmem:v44+s31+$0x0], $0xffff;
	v3 =	vmul.f32 $1.442695020e+00, v15;
	v57 =	vmul.f32 v12, v5;
	v2 =	vadd.f32 v39, v2  }
0x311: {  	v55 =	vld.idx.msk [tilespmem:v62+s31+$0x0], $0xffff;
	v42 =	vadd.s32 v6, v38;
	v6 =	vmul.f32 $1.442695020e+00, v63;
	v63 =	vadd.f32 v21, v1  }
0x312: {  	v5 =	vadd.s32 v23, v38;
	v46 =	vld.idx.msk [tilespmem:v46+s31+$0x0], $0xffff;
	v1 =	vadd.f32 $0.0e+00, v52;
	v2 =	vadd.f32 v12, v2  }
0x313: {  	v44 =	vadd.s32 v4, v38;
	v4 =	vld.idx.msk [tilespmem:v20+s30+$0x0], $0xffff;
	(erf) = vpow2.f32 v6;
	v6 =	vadd.s32 v22, v38  }
0x314: {  	s12 =	simm.s32 $0x20;
	v62 =	vmul.f32 $1.442695020e+00, v11;
	v9 =	vadd.f32 v9, v2;
	v2 =	vld.idx.msk [tilespmem:v10+s30+$0x0], $0xffff;
	v10 =	vmul.f32 $1.442695020e+00, v19  }
.LBB2_9:
0x315: {  	_ =	sdelay $0x1  }
0x316: {  	(erf) = vpow2.f32 v3  }
0x317: {  	v7 =	vld.idx.msk [tilespmem:v7+s30+$0x0], $0xffff;
	v1 =	vadd.f32 v51, v1;
	(erf) = vpow2.f32 v0;
	v0 =	vadd.f32 v59, v9  }
0x318: {  	v11 =	vld [tilespmem:$0x1FFA0];
	v3 =	vmul.f32 v39, v37;
	v4 =	vmul.f32 $1.442695020e+00, v4  }
0x319: {  	v5 =	vld.idx.msk [tilespmem:v5+s30+$0x0], $0xffff;
	(erf) = vpow2.f32 v10;
	v1 =	vadd.f32 v60, v1;
	v0 =	vadd.f32 v61, v0  }
0x31a: {  	v6 =	vld.idx.msk [tilespmem:v6+s30+$0x0], $0xffff;
	v3 =	vadd.f32 v3, v63;
	(erf) = vpow2.f32 v4  }
0x31b: {  	v9 =	vld [tilespmem:$0x1FFC0];
	v1 =	vadd.f32 v48, v1;
	v13 =	vpop (erf);
	(erf) = vrcp.f32 v0  }
0x31c: {  	v10 =	vld.idx.msk [tilespmem:v56+s30+$0x0], $0xffff;
	v3 =	vadd.f32 v57, v3  }
0x31d: {  	v11 =	vadd.s32 v11, v38  }
0x31e: {  	v17 =	vmul.f32 $1.442695020e+00, v7;
	v4 =	vmul.f32 $1.442695020e+00, v8;
	v3 =	vadd.f32 v41, v3  }
0x31f: {  	v5 =	vmul.f32 $1.442695020e+00, v5;
	v6 =	vmul.f32 $1.442695020e+00, v6;
	v0 =	vadd.f32 v55, v1;
	v1 =	vpop (erf)  }
0x320: {  	v14 =	vld [tilespmem:$0x1FF90];
	v9 =	vadd.s32 v9, v38;
	(erf) = vpow2.f32 v4;
	v3 =	vadd.f32 v47, v3;
	v16 =	vpop (erf)  }
0x321: {  	v12 =	vld.idx.msk [tilespmem:v54+s31+$0x0], $0xffff;
	v10 =	vmul.f32 $1.442695020e+00, v10;
	(erf) = vpow2.f32 v17;
	v19 =	vpop (erf)  }
0x322: {  	v15 =	vmul.f32 v13, v51;
	v3 =	vadd.f32 v40, v3;
	(erf) = vpow2.f32 v5;
	v5 =	vld.idx.msk [tilespmem:v11+s30+$0x0], $0xffff;
	v11 =	vpop (erf)  }
0x323: {  	v18 =	vld [tilespmem:$0x1FF80];
	(erf) = vpow2.f32 v10;
	v51 =	vadd.f32 $0.0e+00, v11;
	v11 =	vmul.f32 v11, v52;
	v52 =	vpop (erf)  }
0x324: {  	v20 =	vld.idx.msk [tilespmem:v45+s31+$0x0], $0xffff;
	(erf) = vpow2.f32 v6;
	v6 =	vpop (erf)  }
0x325: {  	v14 =	vadd.s32 v14, v38;
	v9 =	vld.idx.msk [tilespmem:v9+s30+$0x0], $0xffff;
	v11 =	vadd.f32 $0.0e+00, v11;
	v3 =	vmul.f32 v6, v3  }
0x326: {  	v21 =	vld [tilespmem:$0x1FFB0];
	v2 =	vmul.f32 $1.442695020e+00, v2;
	v13 =	vadd.f32 v13, v51  }
0x327: {  	v37 =	vld.idx.msk [tilespmem:v44+s31+$0x0], $0xffff;
	v10 =	vmul.f32 v19, v60;
	v35 =	vadd.f32 v3, v35;
	v3 =	vadd.f32 v15, v11  }
0x328: {  	v7 =	vld.idx.msk [tilespmem:v53+s31+$0x0], $0xffff;
	v53 =	vmul.f32 v16, v48;
	v54 =	vmul.f32 v52, v46  }
0x329: {  	v57 =	vld.idx.msk [tilespmem:v42+s31+$0x0], $0xffff;
	v6 =	vmul.f32 $1.442695020e+00, v58;
	v60 =	vpop (erf);
	v13 =	vadd.f32 v19, v13;
	v3 =	vadd.f32 v10, v3  }
0x32a: {  	v18 =	vadd.s32 v18, v38;
	v14 =	vld.idx.msk [tilespmem:v14+s30+$0x0], $0xffff;
	v9 =	vmul.f32 $1.442695020e+00, v9;
	v61 =	vpop (erf);
	(erf) = vpow2.f32 v62  }
0x32b: {  	v8 =	vld [tilespmem:$0x1FF70];
	v63 =	vmul.f32 v60, v55;
	v11 =	vadd.f32 v16, v13;
	v39 =	vpop (erf);
	v3 =	vadd.f32 v53, v3  }
0x32c: {  	v41 =	vld.idx.msk [tilespmem:v43+s31+$0x0], $0xffff;
	v0 =	vadd.f32 v46, v0;
	v5 =	vmul.f32 $1.442695020e+00, v5;
	v47 =	vpop (erf);
	(erf) = vpow2.f32 v6  }
0x32d: {  	v4 =	vld.idx.msk [tilespmem:v50+s31+$0x0], $0xffff;
	v6 =	vadd.f32 v60, v11;
	(erf) = vpow2.f32 v9;
	v3 =	vadd.f32 v63, v3  }
0x32e: {  	v50 =	vld [tilespmem:$0x1FFD0];
	v0 =	vadd.f32 v12, v0;
	v9 =	vmul.f32 v61, v12;
	(erf) = vpow2.f32 v5  }
0x32f: {  	v17 =	vld.idx.msk [tilespmem:v49+s31+$0x0], $0xffff;
	v5 =	vadd.f32 v52, v6;
	v6 =	vmul.f32 $1.442695020e+00, v14;
	v3 =	vadd.f32 v54, v3  }
0x330: {  	v21 =	vadd.s32 v21, v38;
	v49 =	vld [tilespmem:$0x1FEA0];
	v0 =	vadd.f32 v7, v0;
	(erf) = vpow2.f32 v2  }
0x331: {  	v7 =	vmul.f32 v1, v7;
	v2 =	vpop (erf);
	(erf) = vpow2.f32 v6;
	v6 =	vld [tilespmem:$0x1FFF0];
	v3 =	vadd.f32 v9, v3  }
0x332: {  	v54 =	vld [tilespmem:$0x1FEE0]  }
0x333: {  	s13 =	smov.u32 s12;
	v7 =	vadd.f32 v7, v3;
	v3 =	vld [tilespmem:$0x1FEF0]  }
0x334: {  	v8 =	vadd.s32 v8, v38;
	v0 =	vadd.f32 v4, v0;
	v51 =	vld [tilespmem:$0x1FEB0];
	v11 =	vmov s13  }
0x335: {  	v15 =	vld.idx.msk [tilespmem:v18+s31+$0x0], $0xffff;
	v10 =	vshll.u32 v11, $0x7  }
0x336: {  	v0 =	vadd.f32 v17, v0;
	v13 =	vld.idx.msk [tilespmem:v21+s31+$0x0], $0xffff;
	v38 =	vor.u32 v6, v10  }
0x337: {  	v53 =	vld [tilespmem:$0x1FED0];
	v5 =	vadd.f32 v61, v5;
	v11 =	vadd.s32 v24, v38  }
0x338: {  	v0 =	vadd.f32 v20, v0;
	v18 =	vadd.s32 v54, v38;
	v54 =	vadd.s32 v3, v38;
	v3 =	vld [tilespmem:$0x1FF00]  }
0x339: {  	v1 =	vadd.f32 v1, v5;
	v5 =	vld.idx.msk [tilespmem:v8+s31+$0x0], $0xffff;
	v8 =	vadd.s32 v25, v38  }
0x33a: {  	v0 =	vadd.f32 v41, v0;
	v52 =	vld [tilespmem:$0x1FEC0];
	v12 =	vadd.s32 v26, v38  }
0x33b: {  	v10 =	vld [tilespmem:$0x1FFE0];
	v19 =	vadd.s32 v49, v38  }
0x33c: {  	v0 =	vadd.f32 v37, v0;
	v21 =	vadd.s32 v30, v38;
	v11 =	vld.idx.msk [tilespmem:v11+s30+$0x0], $0xffff  }
0x33d: {  	v62 =	vadd.s32 v53, v38;
	v53 =	vadd.s32 v3, v38;
	v3 =	vld [tilespmem:$0x1FF10]  }
0x33e: {  	v0 =	vadd.f32 v57, v0;
	v42 =	vadd.s32 v50, v38;
	v8 =	vld.idx.msk [tilespmem:v8+s30+$0x0], $0xffff  }
0x33f: {  	v43 =	vadd.s32 v52, v38;
	v12 =	vld.idx.msk [tilespmem:v12+s30+$0x0], $0xffff  }
0x340: {  	v0 =	vadd.f32 v13, v0;
	v1 =	vadd.f32 v47, v1;
	v6 =	vpop (erf);
	v55 =	vadd.s32 v51, v38;
	v51 =	vld.idx.msk [tilespmem:v19+s31+$0x0], $0xffff  }
0x341: {  	v48 =	vpop (erf);
	v19 =	vld.idx.msk [tilespmem:v21+s30+$0x0], $0xffff  }
0x342: {  	v1 =	vadd.f32 v48, v1;
	v0 =	vadd.f32 v5, v0;
	v50 =	vadd.s32 v3, v38;
	v3 =	vld [tilespmem:$0x1FF20]  }
0x343: {  	v58 =	vadd.s32 v33, v38;
	v20 =	vmul.f32 v6, v20;
	v10 =	vadd.s32 v10, v38;
	v52 =	vld.idx.msk [tilespmem:v42+s31+$0x0], $0xffff  }
0x344: {  	v17 =	vmul.f32 v48, v17;
	v1 =	vadd.f32 v6, v1;
	v6 =	vadd.f32 v15, v0;
	v48 =	vld.idx.msk [tilespmem:v43+s31+$0x0], $0xffff  }
0x345: {  	v4 =	vmul.f32 v47, v4;
	v47 =	vadd.s32 v32, v38;
	v63 =	vpop (erf);
	v46 =	vld.idx.msk [tilespmem:v18+s31+$0x0], $0xffff  }
0x346: {  	v59 =	vpop (erf);
	v36 =	vadd.f32 v6, v36;
	v6 =	vmul.f32 $1.442695020e+00, v11;
	v11 =	vld [tilespmem:$0x1FF50]  }
0x347: {  	v57 =	vmul.f32 v2, v57;
	v14 =	vadd.s32 v27, v38;
	v9 =	vpop (erf);
	v49 =	vadd.s32 v3, v38;
	v3 =	vld [tilespmem:$0x1FF30]  }
0x348: {  	v16 =	vadd.s32 v28, v38;
	v56 =	vadd.s32 v31, v38;
	v1 =	vadd.f32 v9, v1;
	v10 =	vld.idx.msk [tilespmem:v10+s30+$0x0], $0xffff  }
0x349: {  	v61 =	vpop (erf);
	v21 =	vmul.f32 v9, v41;
	v9 =	vadd.s32 v34, v38;
	v0 =	vmul.f32 $1.442695020e+00, v8;
	v8 =	vld.idx.msk [tilespmem:v58+s30+$0x0], $0xffff  }
0x34a: {  	v40 =	vmul.f32 v61, v15;
	v41 =	vmul.f32 v63, v13;
	v1 =	vadd.f32 v39, v1;
	v58 =	vld.idx.msk [tilespmem:v47+s30+$0x0], $0xffff  }
0x34b: {  	v47 =	vmul.f32 v59, v5;
	v44 =	vadd.s32 v11, v38;
	v11 =	vadd.f32 v4, v7;
	v4 =	vld [tilespmem:$0x1FF60]  }
0x34c: {  	p1 =	sne.s32 s12, $0x30;
	v18 =	vmul.f32 $1.442695020e+00, v19;
	v19 =	vadd.f32 v2, v1;
	v45 =	vadd.s32 v3, v38;
	v3 =	vld [tilespmem:$0x1FF40]  }
.Ltmp5:
0x34d: {  	v60 =	vld.idx.msk [tilespmem:v55+s31+$0x0], $0xffff;
	v5 =	vadd.s32 v23, v38;
	v1 =	vadd.f32 $0.0e+00, v52;
	v11 =	vadd.f32 v17, v11;
	(pc) =	sbr.rel @p1 .LBB2_9-.Ltmp5, $4  }
0x34e: {  	v2 =	vld.idx.msk [tilespmem:v9+s30+$0x0], $0xffff;
	(erf) = vpow2.f32 v6;
	v6 =	vadd.s32 v22, v38;
	v9 =	vadd.f32 v63, v19  }
0x34f: {  	v55 =	vld.idx.msk [tilespmem:v62+s31+$0x0], $0xffff;
	(erf) = vpow2.f32 v18;
	v10 =	vmul.f32 $1.442695020e+00, v10;
	v11 =	vadd.f32 v20, v11  }
0x350: {  	v7 =	vadd.s32 v29, v38;
	v62 =	vmul.f32 $1.442695020e+00, v8;
	v8 =	vld.idx.msk [tilespmem:v14+s30+$0x0], $0xffff;
	v42 =	vadd.s32 v4, v38  }
0x351: {  	s12 =	sadd.s32 $0x10, s12;
	v4 =	vld.idx.msk [tilespmem:v16+s30+$0x0], $0xffff;
	v63 =	vadd.f32 v21, v11;
	v43 =	vadd.s32 v3, v38;
	v3 =	vmul.f32 $1.442695020e+00, v12  }
0x352: {  	_ = 	snop  }
0x353: {  	(erf) = vpow2.f32 v3  }
0x354: {  	(erf) = vpow2.f32 v0  }
0x355: {  	(erf) = vpow2.f32 v10  }
0x356: {  	v0 =	vadd.f32 v59, v9  }
0x357: {  	v59 =	vld [tilespmem:$0x1FFC0];
	v3 =	vmul.f32 $1.442695020e+00, v4  }
0x358: {  	v4 =	vld.idx.msk [tilespmem:v7+s30+$0x0], $0xffff;
	v0 =	vadd.f32 v61, v0  }
0x359: {  	v61 =	vld.idx.msk [tilespmem:v56+s30+$0x0], $0xffff;
	v7 =	vpop (erf);
	(erf) = vpow2.f32 v3;
	v3 =	vmul.f32 $1.442695020e+00, v8  }
0x35a: {  	v56 =	vld [tilespmem:$0x1FFA0]  }
0x35b: {  	v5 =	vld.idx.msk [tilespmem:v5+s30+$0x0], $0xffff;
	v8 =	vpop (erf)  }
0x35c: {  	v6 =	vld.idx.msk [tilespmem:v6+s30+$0x0], $0xffff;
	(erf) = vrcp.f32 v0;
	v0 =	vpop (erf)  }
0x35d: {  	v9 =	vadd.s32 v59, v38;
	(erf) = vpow2.f32 v3;
	v3 =	vpop (erf)  }
0x35e: {  	v12 =	vpop (erf)  }
0x35f: {  	v11 =	vadd.s32 v56, v38;
	v13 =	vadd.f32 $0.0e+00, v12  }
0x360: {  	v4 =	vmul.f32 $1.442695020e+00, v4;
	v10 =	vmul.f32 $1.442695020e+00, v61  }
0x361: {  	v5 =	vmul.f32 $1.442695020e+00, v5;
	v6 =	vmul.f32 $1.442695020e+00, v6;
	v15 =	vadd.f32 v7, v13  }
0x362: {  	(erf) = vpow2.f32 v4;
	v9 =	vld.idx.msk [tilespmem:v9+s30+$0x0], $0xffff  }
0x363: {  	(erf) = vpow2.f32 v5;
	v12 =	vmul.f32 v12, v52;
	v52 =	vld [tilespmem:$0x1FF90];
	v4 =	vadd.f32 v3, v15  }
0x364: {  	(erf) = vpow2.f32 v10;
	v5 =	vld.idx.msk [tilespmem:v11+s30+$0x0], $0xffff;
	v10 =	vpop (erf)  }
0x365: {  	(erf) = vpow2.f32 v6;
	v6 =	vpop (erf);
	v4 =	vadd.f32 v0, v4  }
0x366: {  	v61 =	vmul.f32 $1.442695020e+00, v58;
	v7 =	vmul.f32 v7, v51;
	v13 =	vpop (erf)  }
0x367: {  	(erf) = vpow2.f32 v62;
	v9 =	vmul.f32 $1.442695020e+00, v9;
	v4 =	vadd.f32 v13, v4  }
0x368: {  	v12 =	vadd.f32 $0.0e+00, v12;
	(erf) = vpow2.f32 v61;
	v11 =	vadd.s32 v52, v38  }
0x369: {  	v2 =	vmul.f32 $1.442695020e+00, v2;
	v5 =	vmul.f32 $1.442695020e+00, v5;
	v4 =	vadd.f32 v10, v4  }
0x36a: {  	v3 =	vmul.f32 v3, v60;
	v62 =	vadd.f32 v7, v12;
	(erf) = vpow2.f32 v9  }
0x36b: {  	v9 =	vpop (erf);
	(erf) = vpow2.f32 v5  }
0x36c: {  	v3 =	vadd.f32 v3, v62;
	(erf) = vpow2.f32 v2;
	v2 =	vadd.f32 v9, v4  }
0x36d: {  	v1 =	vadd.f32 v51, v1;
	v0 =	vmul.f32 v0, v48;
	v62 =	vld.idx.msk [tilespmem:v11+s30+$0x0], $0xffff;
	v4 =	vpop (erf)  }
0x36e: {  	v58 =	vld.idx.msk [tilespmem:v54+s31+$0x0], $0xffff;
	v2 =	vadd.f32 v8, v2;
	v61 =	vpop (erf)  }
0x36f: {  	v1 =	vadd.f32 v60, v1;
	v13 =	vmul.f32 v13, v55;
	v0 =	vadd.f32 v0, v3;
	v11 =	vpop (erf)  }
0x370: {  	v14 =	vld.idx.msk [tilespmem:v53+s31+$0x0], $0xffff;
	v10 =	vmul.f32 v10, v46;
	v2 =	vadd.f32 v61, v2;
	v3 =	vpop (erf)  }
0x371: {  	v1 =	vadd.f32 v48, v1;
	v0 =	vadd.f32 v13, v0;
	v15 =	vpop (erf)  }
0x372: {  	v50 =	vld.idx.msk [tilespmem:v50+s31+$0x0], $0xffff;
	v5 =	vmul.f32 $1.442695020e+00, v62;
	v2 =	vadd.f32 v15, v2  }
0x373: {  	v17 =	vld.idx.msk [tilespmem:v49+s31+$0x0], $0xffff;
	v1 =	vadd.f32 v55, v1;
	v9 =	vmul.f32 v9, v58;
	v0 =	vadd.f32 v10, v0;
	v16 =	vpop (erf)  }
0x374: {  	(erf) = vpow2.f32 v5;
	v5 =	vld.idx.msk [tilespmem:v45+s31+$0x0], $0xffff;
	v10 =	vpop (erf);
	v2 =	vadd.f32 v3, v2  }
0x375: {  	v1 =	vadd.f32 v46, v1;
	v8 =	vmul.f32 v8, v14;
	v0 =	vadd.f32 v9, v0;
	v45 =	vld [tilespmem:$0x1FFB0];
	v18 =	vpop (erf)  }
0x376: {  	v53 =	vld [tilespmem:$0x1FF70];
	v2 =	vadd.f32 v18, v2  }
0x377: {  	v1 =	vadd.f32 v58, v1;
	v58 =	vmul.f32 v61, v50;
	v0 =	vadd.f32 v8, v0  }
0x378: {  	v55 =	vld [tilespmem:$0x1FF80];
	v2 =	vadd.f32 v4, v2  }
0x379: {  	v1 =	vadd.f32 v14, v1;
	v61 =	vld.idx.msk [tilespmem:v43+s31+$0x0], $0xffff;
	v0 =	vadd.f32 v58, v0  }
0x37a: {  	v62 =	vmul.f32 v15, v17;
	v60 =	vadd.s32 v45, v38;
	v2 =	vadd.f32 v11, v2  }
0x37b: {  	v1 =	vadd.f32 v50, v1;
	v46 =	vld.idx.msk [tilespmem:v44+s31+$0x0], $0xffff;
	v43 =	vadd.s32 v53, v38  }
0x37c: {  	v0 =	vadd.f32 v62, v0;
	v3 =	vmul.f32 v3, v5;
	v2 =	vadd.f32 v16, v2  }
0x37d: {  	v48 =	vmul.f32 v39, v37;
	v1 =	vadd.f32 v17, v1;
	v49 =	vadd.s32 v55, v38;
	v50 =	vld.idx.msk [tilespmem:v42+s31+$0x0], $0xffff  }
0x37e: {  	v17 =	vmul.f32 v18, v61;
	v0 =	vadd.f32 v3, v0;
	v2 =	vadd.f32 v10, v2  }
0x37f: {  	v3 =	vadd.f32 v48, v63;
	v54 =	vpop (erf);
	v51 =	vld.idx.msk [tilespmem:v60+s31+$0x0], $0xffff  }
0x380: {  	v4 =	vmul.f32 v4, v46;
	v0 =	vadd.f32 v17, v0;
	v2 =	vadd.f32 v54, v2  }
0x381: {  	v7 =	vld.idx.msk [tilespmem:v43+s31+$0x0], $0xffff;
	v1 =	vadd.f32 v5, v1;
	v3 =	vadd.f32 v57, v3  }
0x382: {  	v58 =	vmul.f32 v11, v50;
	v0 =	vadd.f32 v4, v0;
	(erf) = vrcp.f32 v2  }
0x383: {  	v1 =	vadd.f32 v61, v1;
	v2 =	vadd.f32 v41, v3;
	v3 =	vld.idx.msk [tilespmem:v49+s31+$0x0], $0xffff  }
0x384: {  	v0 =	vadd.f32 v58, v0;
	v60 =	vmul.f32 v16, v51  }
0x385: {  	v1 =	vadd.f32 v46, v1  }
0x386: {  	v61 =	vmul.f32 v10, v7;
	v0 =	vadd.f32 v60, v0;
	v2 =	vadd.f32 v47, v2  }
0x387: {  	v1 =	vadd.f32 v50, v1  }
0x388: {  	v0 =	vadd.f32 v61, v0;
	v2 =	vadd.f32 v40, v2;
	v62 =	vmul.f32 v54, v3  }
0x389: {  	v1 =	vadd.f32 v51, v1  }
0x38a: {  	v2 =	vmul.f32 v6, v2;
	v0 =	vadd.f32 v62, v0  }
.Ltmp6:
0x38b: {  	v1 =	vadd.f32 v7, v1;
	v63 =	vpop (erf);
	(pc) =	sbr.rel @p0 .LBB2_12-.Ltmp6, $4  }
0x38c: {  	v2 =	vadd.f32 v2, v35;
	v0 =	vmul.f32 v63, v0  }
0x38d: {  	v19 =	vld [tilespmem:$0x1FFD0];
	v1 =	vadd.f32 v3, v1  }
0x38e: {  	v20 =	vmov v23;
	v23 =	vld [tilespmem:$0x1FFE0];
	v35 =	vadd.f32 v0, v2  }
0x38f: {  	v21 =	vmov v22;
	v22 =	vld [tilespmem:$0x1FFF0];
	v1 =	vadd.f32 v1, v36  }
0x390: {  	v60 =	vld [tilespmem:$0x1FEA0]  }
0x391: {  	v17 =	vld [tilespmem:$0x1FEB0]  }
0x392: {  	v18 =	vld [tilespmem:$0x1FEC0]  }
0x393: {  	v61 =	vld [tilespmem:$0x1FEF0]  }
0x394: {  	v2 =	vld [tilespmem:$0x1FF00]  }
0x395: {  	v36 =	vld [tilespmem:$0x1FF10]  }
0x396: {  	s12 =	sshll.u32 s11, $0xF;
	v48 =	vld [tilespmem:$0x1FF20]  }
0x397: {  	v15 =	vld [tilespmem:$0x1FF30];
	s12 =	sadd.s32 s20, s12  }
.Ltmp7:
0x398: {  	v63 =	vld [tilespmem:$0x1FF40];
	s12 =	sshrl.u32 s12, $0x3;
	(pc) =	sbr.rel .LBB2_2-.Ltmp7, $4  }
0x399: {  	v16 =	vld [tilespmem:$0x1FF50];
	s13 =	sadd.s32 s3, s12  }
0x39a: {  	v13 =	vmov v52;
	v52 =	vld [tilespmem:$0x1FF60];
	[tilespmem:s30], [sflag:$0x4] =	stream.linear.gather [hbm4b:s13+s2], $0x2000, $0x38  }
0x39b: {  	s11 =	sadd.s32 $0x1, s11;
	[tilespmem:$0x1FE90] =	vst v1;
	v1 =	vld [tilespmem:$0x1FEE0];
	s12 =	sadd.s32 s4, s12  }
0x39c: {  	v11 =	vmovc v59;
	v12 =	vmov v56;
	v57 =	vmov v45;
	v59 =	vmov v19;
	v19 =	vld [tilespmem:$0x1FED0];
	[tilespmem:s31], [sflag:$0x8] =	stream.linear.gather [hbm4b:s12+s2], $0x2000, $0x38  }
.LBB2_13:
0x39d: {  	_ =	sfence.sel $0x180000  }
0x39e: {  	[bflag:$0x0] =	sbarrier.arrive $0xFFFF  }
0x39f: {  	_ =	strace $0x90000047  }
0x3a0: {  	s0 =	stileid.u32;
	[bflag:$0x2] =	sbarrier.arrive $0xFFFF  }
0x3a1: {  	p0 =	sne.s32 s0, $0x0;
	s0 =	rddreg [dreg:$0x1]  }
0x3a2: {  	s0 =	sadd.s32 @!p0 $0x100000, s0  }
0x3a3: {  	[sflag:s0] =	ssyncadd.tile.s32 @!p0 $0x1;
	_ =	shalt  }
.Lfunc_end2:
_tile_overlayer_lowered:
.L_overlay_start_2:
0x3a4: {  	(tag) =	ssettag $0x2  }
0x3a5: {  	s0 =	rddreg [dreg:$0x0];
	s2 =	stileid.u32  }
0x3a6: {  	s1 =	rddreg [dreg:$0x1];
	p0 =	sne.s32 s2, $0x0  }
0x3a7: {  	s3 =	rddreg [dreg:$0x2];
	[bflag:$0x3] =	sbarrier.arrive $0xFFFF;
	s2 =	simm.s32 @!p0 $0x1C09  }
0x3a8: {  	[timem:s3], [sflag:s2] =	dma.local @!p0 [hbm:s0], s1  }
0x3a9: {  	s0 =	simm.s32 @!p0 $0x9  }
0x3aa: {  	_ =	swait.ge @!p0 [sflag:s0], s1  }
0x3ab: {  	s1 =	ssub.s32 @!p0 $0x0, s1;
	[sflag:s0] =	ssyncset.done @!p0 $0x0  }
0x3ac: {  	[sflag:s0] =	ssyncadd.s32 @!p0 s1  }
0x3ad: {  	[bflag:$0x3] =	sbarrier.arrive $0xFFFF  }
0x3ae: {  	_ =	shalt  }

</sc_bundles>
